<compile_context>
chip_gen: v7x
topology: tpu7x:2x2x1
jax: 0.10.2.dev20260603
libtpu: 0.0.44.dev20260713+nightly
codegen_flags: <defaults>
</compile_context>

<pallas_src>
import functools

import jax
import jax.numpy as jnp
from jax import lax
from jax.experimental import pallas as pl
from jax.experimental.pallas import tpu as pltpu
from jax.experimental.pallas import tpu_sc as plsc

_B, _T, _C = 2, 2048, 768
_NUM_RWKV, _NUM_TRANS = 6, 2
_E = _NUM_RWKV + _NUM_TRANS
_N = _B * _T

_BLK1 = 512
_NB1 = _N // _BLK1

_F32 = jnp.float32
_BF16 = jnp.bfloat16


def _bdot(a, b):
    return lax.dot_general(a, b, (((1,), (0,)), ((), ())),
                           preferred_element_type=_F32)


def _ddot(a, b):
    return lax.dot_general(a, b, (((1,), (0,)), ((), ())),
                           precision=lax.Precision.DEFAULT,
                           preferred_element_type=_F32)


def _ln_rows(x, g, b):
    mu = jnp.mean(x, axis=1, keepdims=True)
    d = x - mu
    var = jnp.mean(d * d, axis=1, keepdims=True)
    return d / jnp.sqrt(var + 1e-5) * g + b


def _k1_body(x_ref, vf_ref, wr_ref, wk_ref, wv_ref, wo_ref, ws_ref,
             cw_ref, wa_ref, wd_ref, wb1_ref, wb2_ref,
             lnp_ref, cap_ref,
             x1_ref, hs_ref, ss_ref, win_ref, cost_ref, sse_ref):
    i = pl.program_id(0)
    xf = x_ref[...]
    xn = _ln_rows(xf, lnp_ref[0:1, :], lnp_ref[1:2, :])
    r = _ddot(xn, wr_ref[...])
    k = _ddot(xn, wk_ref[...])
    v0 = _ddot(xn, wv_ref[...])
    v = v0 + (vf_ref[...] - v0) * jax.nn.sigmoid(k)
    att = _ddot(jax.nn.sigmoid(r) * v, wo_ref[...])
    state = jnp.tanh(_ddot(xn, ws_ref[...]))
    x1 = xf + att
    x1_ref[...] = x1
    h = _ln_rows(x1, lnp_ref[2:3, :], lnp_ref[3:4, :])
    conf = jax.nn.sigmoid(_ddot(h, cw_ref[...]))
    aff = _ddot(h, wa_ref[...])
    dcol = _ddot(h, wd_ref[...])[:, 0:1]
    diff = jax.nn.softplus(dcol)
    eff = conf * diff + 0.1 * aff + jnp.log(cap_ref[...] + 1e-6)
    costs = jnp.max(eff, axis=1)
    ids = lax.broadcasted_iota(jnp.int32, (_BLK1, _E), 1)
    win = jnp.min(jnp.where(eff == costs[:, None], ids, _E), axis=1)
    win_ref[...] = win[:, None]
    cost_ref[...] = costs[:, None]
    wc = jnp.sum(jnp.where(ids == win[:, None], conf, 0.0), axis=1)
    scale = (wc / (wc + 1e-6))[:, None]
    hs_ref[...] = h * scale
    ss_ref[...] = state * scale
    t1 = jnp.tanh(_ddot(state, wb1_ref[...]))
    recon = _ddot(t1, wb2_ref[...])
    dsse = jnp.sum((recon - h) ** 2)

    @pl.when(i == 0)
    def _():
        sse_ref[0, 0] = dsse

    @pl.when(i != 0)
    def _():
        sse_ref[0, 0] += dsse


def _k1(x2d, vf2d, Wr, Wk, Wv, Wo, Ws, cwT, Wa, Wd8, Wb1, Wb2, lnp, cap):
    row_spec = pl.BlockSpec((_BLK1, _C), lambda i: (i, 0))
    full = lambda a: pl.BlockSpec(a.shape, lambda i: tuple(0 for _ in a.shape))
    out_shapes = (
        jax.ShapeDtypeStruct((_N, _C), _F32),
        jax.ShapeDtypeStruct((_N, _C), _F32),
        jax.ShapeDtypeStruct((_N, _C), _F32),
        jax.ShapeDtypeStruct((_N, 1), jnp.int32),
        jax.ShapeDtypeStruct((_N, 1), _F32),
        jax.ShapeDtypeStruct((1, 1), _F32),
    )
    out_specs = (
        row_spec,
        row_spec,
        row_spec,
        pl.BlockSpec((_BLK1, 1), lambda i: (i, 0)),
        pl.BlockSpec((_BLK1, 1), lambda i: (i, 0)),
        pl.BlockSpec((1, 1), lambda i: (0, 0), memory_space=pltpu.SMEM),
    )
    ws = [Wr, Wk, Wv, Wo, Ws, cwT, Wa, Wd8, Wb1, Wb2, lnp, cap]
    return pl.pallas_call(
        _k1_body,
        grid=(_NB1,),
        in_specs=[row_spec, row_spec] + [full(w) for w in ws],
        out_specs=out_specs,
        out_shape=out_shapes,
        compiler_params=pltpu.CompilerParams(
            dimension_semantics=("arbitrary",)),
    )(x2d, vf2d, *ws)



_R2, _C2 = 32, 128
_M4 = 256
_NB4 = _N // _M4
_G4 = _NB4 + _E - 1
_G4P = _G4 + 1


def _k2_body(w_ref, pos_ref, offs_ref, bm_ref, exc_ref, wmx_ref,
             first_ref, exr_ref):
    w = w_ref[...]
    iu = lax.broadcasted_iota(jnp.int32, (_C2, _C2), 0)
    ju = lax.broadcasted_iota(jnp.int32, (_C2, _C2), 1)
    U = (iu < ju).astype(_BF16)
    il = lax.broadcasted_iota(jnp.int32, (_R2, _R2), 0)
    jl = lax.broadcasted_iota(jnp.int32, (_R2, _R2), 1)
    L = (jl < il).astype(_BF16)
    pos = jnp.zeros((_R2, _C2), _F32)
    off = jnp.float32(0.0)
    for e in range(_E):
        m = (w == e).astype(_F32)
        pref = _bdot(m.astype(_BF16), U)
        tot = jnp.sum(m, axis=1, keepdims=True)
        rowpref = _bdot(L, tot.astype(_BF16))
        offs_ref[e] = off.astype(jnp.int32)
        pos = pos + m * (off + rowpref + pref)
        off = off + jnp.sum(m)
    for e in range(_E, 16):
        offs_ref[e] = jnp.int32(_N)
    pos_ref[...] = pos.astype(jnp.int32)

    def body(t, carry):
        idx, prevb = carry
        b = t // _E
        e = t - b * _E
        lo = offs_ref[e]
        hi = offs_ref[e + 1]
        inc = jnp.logical_and(lo < (b + 1) * _M4, hi > b * _M4)

        @pl.when(inc)
        def _():
            bm_ref[idx] = b
            exr_ref[idx] = e
            exc_ref[idx] = e
            wmx_ref[idx] = jnp.clip(e - _NUM_RWKV, 0, 1)
            first_ref[idx] = jnp.where(b != prevb, 1, 0)

        return idx + inc.astype(jnp.int32), jnp.where(inc, b, prevb)

    idx, _ = lax.fori_loop(0, _NB4 * _E, body,
                           (jnp.int32(0), jnp.int32(-1)))

    def pad(g, c):
        bm_ref[g] = _NB4 - 1
        exr_ref[g] = _E
        exc_ref[g] = _E - 1
        wmx_ref[g] = 0
        first_ref[g] = 0
        return c

    lax.fori_loop(idx, _G4P, pad, jnp.int32(0))


def _k2(win2d32):
    smem1d = lambda n: pl.BlockSpec((n,), lambda i: (0,),
                                    memory_space=pltpu.SMEM)
    return pl.pallas_call(
        _k2_body,
        grid=(1,),
        in_specs=[pl.BlockSpec((_R2, _C2), lambda i: (0, 0))],
        out_specs=(
            pl.BlockSpec((_R2, _C2), lambda i: (0, 0)),
            smem1d(16), smem1d(_G4P), smem1d(_G4P), smem1d(_G4P),
            smem1d(_G4P), smem1d(_G4P),
        ),
        out_shape=(
            jax.ShapeDtypeStruct((_R2, _C2), jnp.int32),
            jax.ShapeDtypeStruct((16,), jnp.int32),
            jax.ShapeDtypeStruct((_G4P,), jnp.int32),
            jax.ShapeDtypeStruct((_G4P,), jnp.int32),
            jax.ShapeDtypeStruct((_G4P,), jnp.int32),
            jax.ShapeDtypeStruct((_G4P,), jnp.int32),
            jax.ShapeDtypeStruct((_G4P,), jnp.int32),
        ),
    )(win2d32)




def _k4_body(bm_r, exc_r, wmx_r, first_r, exraw_r, offs_r,
             hs_r, ss_r, x1_r, w1_r, w2_r, wm_r, out_r, acc_r):
    g = pl.program_id(0)
    e = exraw_r[g]
    lo = offs_r[e]
    hi = offs_r[e + 1]
    istrans = e >= _NUM_RWKV

    @pl.when(istrans)
    def _():
        acc_r[...] = hs_r[...] + _ddot(ss_r[...], wm_r[0])

    @pl.when(jnp.logical_not(istrans))
    def _():
        acc_r[...] = hs_r[...]

    u = jax.nn.relu(_ddot(acc_r[...], w1_r[0]))
    eo = _ddot(u, w2_r[0])
    rows = bm_r[g] * _M4 + lax.broadcasted_iota(jnp.int32, (_M4, 1), 0)
    inb = jnp.logical_and(rows >= lo, rows < hi)
    contrib = jnp.where(inb, eo, 0.0)
    isfirst = first_r[g] == 1

    @pl.when(isfirst)
    def _():
        out_r[...] = x1_r[...] + contrib

    @pl.when(jnp.logical_not(isfirst))
    def _():
        out_r[...] += contrib


def _k4(bm, exc, wmx, first, exraw, offs, hs_s, ss_s, x1_s, W1b, W2b, Wmb):
    row_spec = pl.BlockSpec((_M4, _C), lambda g, *s: (s[0][g], 0))
    grid_spec = pltpu.PrefetchScalarGridSpec(
        num_scalar_prefetch=6,
        grid=(_G4,),
        in_specs=[
            row_spec, row_spec, row_spec,
            pl.BlockSpec((1, _C, _C), lambda g, *s: (s[1][g], 0, 0)),
            pl.BlockSpec((1, _C, _C), lambda g, *s: (s[1][g], 0, 0)),
            pl.BlockSpec((1, _C, _C), lambda g, *s: (s[2][g], 0, 0)),
        ],
        out_specs=pl.BlockSpec((_M4, _C), lambda g, *s: (s[0][g], 0)),
        scratch_shapes=[pltpu.VMEM((_M4, _C), _F32)],
    )
    return pl.pallas_call(
        _k4_body,
        grid_spec=grid_spec,
        out_shape=jax.ShapeDtypeStruct((_N, _C), _F32),
        compiler_params=pltpu.CompilerParams(
            dimension_semantics=("arbitrary",)),
    )(bm, exc, wmx, first, exraw, offs, hs_s, ss_s, x1_s, W1b, W2b, Wmb)



_NC, _NS = 2, 16
_NW = _NC * _NS
_CH = _N // _NW
_QC = _CH // 4


def _k3_body(pos_r, hs_r, ss_r, x1_r, hs_o, ss_o, x1_o,
             idx_v, b0, b1, f0, f1, sib0, sib1, sob0, sob1,
             sif0, sif1, sof0, sof1):
    wid = lax.axis_index("s") * _NC + lax.axis_index("c")
    base = wid * _CH
    pltpu.sync_copy(pos_r.at[wid], idx_v)
    bbufs = (b0, b1)
    fbufs = (f0, f1)

    def inb(t):
        a = (hs_r, ss_r)[t // 4]
        return pltpu.make_async_copy(
            a.at[pl.ds(base + (t % 4) * _QC, _QC)],
            bbufs[t % 2], (sib0, sib1)[t % 2])

    def outb(t):
        d = (hs_o, ss_o)[t // 4]
        return pltpu.make_async_copy(
            bbufs[t % 2], d.at[idx_v.at[t % 4]], (sob0, sob1)[t % 2])

    def inf(t):
        return pltpu.make_async_copy(
            x1_r.at[pl.ds(base + t * _QC, _QC)],
            fbufs[t % 2], (sif0, sif1)[t % 2])

    def outf(t):
        return pltpu.make_async_copy(
            fbufs[t % 2], x1_o.at[idx_v.at[t]], (sof0, sof1)[t % 2])

    inb(0).start()
    inf(0).start()
    for t in range(8):
        inb(t).wait()
        if t >= 1:
            outb(t - 1).wait()
        if t + 1 < 8:
            inb(t + 1).start()
        outb(t).start()
    for t in range(4):
        inf(t).wait()
        if t >= 1:
            outf(t - 1).wait()
        if t + 1 < 4:
            inf(t + 1).start()
        outf(t).start()
    outb(7).wait()
    outf(3).wait()


def _k3(pos3d, hs, ss, x1):
    mesh = plsc.VectorSubcoreMesh(core_axis_name="c", subcore_axis_name="s")
    sdsf = jax.ShapeDtypeStruct((_N, _C), _F32)
    run = functools.partial(
        pl.kernel, mesh=mesh,
        out_type=(sdsf, sdsf, sdsf),
        scratch_types=[
            pltpu.VMEM((4, _QC), jnp.int32),
            pltpu.VMEM((_QC, _C), _F32),
            pltpu.VMEM((_QC, _C), _F32),
            pltpu.VMEM((_QC, _C), _F32),
            pltpu.VMEM((_QC, _C), _F32),
        ] + [pltpu.SemaphoreType.DMA] * 8)(_k3_body)
    return run(pos3d, hs, ss, x1)


def _k5_body(pos_r, os_r, xo_r, idx_v, buf, sem):
    wid = lax.axis_index("s") * _NC + lax.axis_index("c")
    base = wid * _CH
    pltpu.sync_copy(pos_r.at[wid], idx_v)
    pltpu.async_copy(os_r.at[idx_v], buf, sem).wait()
    pltpu.sync_copy(buf, xo_r.at[pl.ds(base, _CH)])


def _k5(pos2d, out_sorted):
    mesh = plsc.VectorSubcoreMesh(core_axis_name="c", subcore_axis_name="s")
    run = functools.partial(
        pl.kernel, mesh=mesh,
        out_type=jax.ShapeDtypeStruct((_N, _C), _F32),
        scratch_types=[
            pltpu.VMEM((_CH,), jnp.int32),
            pltpu.VMEM((_CH, _C), _F32),
            pltpu.SemaphoreType.DMA,
        ])(_k5_body)
    return run(pos2d, out_sorted)


def kernel(x, v_first, capital_shares, step, warmup_steps, ln1_g, ln1_b, ln2_g, ln2_b, Wr, Wk, Wv, Wo, Ws, conf_W, W1, W2, Wmix, Wd, Wa, Wb1, Wb2):
    C = _C
    x2d = x.reshape(_N, C)
    vf2d = v_first.reshape(_N, C)
    Wd8 = jnp.pad(Wd, ((0, 0), (0, 7)))
    lnp = jnp.stack([ln1_g, ln1_b, ln2_g, ln2_b])
    x1, hs, ss, win2d, cost2d, sse = _k1(
        x2d, vf2d, Wr, Wk, Wv, Wo, Ws,
        conf_W.T, Wa, Wd8, Wb1, Wb2, lnp, capital_shares[None, :])
    winners = win2d[:, 0]
    costs = cost2d[:, 0]
    recon_loss = sse[0, 0] / (_N * C)

    pos2d, offs, bm, exc, wmx, first, exraw = _k2(win2d.reshape(_R2, _C2))
    hs_s, ss_s, x1_s = _k3(pos2d.reshape(_NW, 4, _QC), hs, ss, x1)
    out_sorted = _k4(bm, exc, wmx, first, exraw, offs,
                     hs_s, ss_s, x1_s, W1, W2, Wmix)
    out = _k5(pos2d.reshape(_NW, _CH), out_sorted).reshape(_B, _T, C)
    return (out, v_first, winners.reshape(_B, _T), costs.reshape(_B, _T),
            recon_loss)

# --- scband reference (transcript-rebuilt; emitter-appended) ---
"""Pipeline reference for scband-ca-mo-e-block-70617852281186 (READ-ONLY COPY).

The authoritative reference and input builder live on the scoring server;
editing this copy changes nothing except your own understanding.
"""

import jax, jax.numpy as jnp
import numpy as np

B, T, C = 2, 2048, 768
NUM_RWKV, NUM_TRANS = 6, 2
E = NUM_RWKV + NUM_TRANS


def _ln(x, g, b):
    mu = jnp.mean(x, axis=-1, keepdims=True)
    var = jnp.var(x, axis=-1, keepdims=True)
    return (x - mu) / jnp.sqrt(var + 1e-5) * g + b


def setup_inputs(seed: int = 0):
    key = jax.random.key(seed)
    ks = jax.random.split(key, 20)
    s = 0.02
    return {
        'x': jax.random.normal(ks[0], (B, T, C), jnp.float32),
        'v_first': jax.random.normal(ks[1], (B, T, C), jnp.float32),
        'capital_shares': jax.random.uniform(ks[2], (E,), jnp.float32),
        'step': 1000,
        'warmup_steps': 100,
        'ln1_g': jnp.ones((C,), jnp.float32),
        'ln1_b': jnp.zeros((C,), jnp.float32),
        'ln2_g': jnp.ones((C,), jnp.float32),
        'ln2_b': jnp.zeros((C,), jnp.float32),
        'Wr': jax.random.normal(ks[3], (C, C), jnp.float32) * s,
        'Wk': jax.random.normal(ks[4], (C, C), jnp.float32) * s,
        'Wv': jax.random.normal(ks[5], (C, C), jnp.float32) * s,
        'Wo': jax.random.normal(ks[6], (C, C), jnp.float32) * s,
        'Ws': jax.random.normal(ks[7], (C, C), jnp.float32) * s,
        'conf_W': jax.random.normal(ks[8], (E, C), jnp.float32) * s,
        'W1': jax.random.normal(ks[9], (E, C, C), jnp.float32) * s,
        'W2': jax.random.normal(ks[10], (E, C, C), jnp.float32) * s,
        'Wmix': jax.random.normal(ks[11], (NUM_TRANS, C, C), jnp.float32) * s,
        'Wd': jax.random.normal(ks[12], (C, 1), jnp.float32) * s,
        'Wa': jax.random.normal(ks[13], (C, E), jnp.float32) * s,
        'Wb1': jax.random.normal(ks[14], (C, C // 2), jnp.float32) * s,
        'Wb2': jax.random.normal(ks[15], (C // 2, C), jnp.float32) * s,
    }


def reference(x, v_first, capital_shares, step, warmup_steps, ln1_g, ln1_b, ln2_g, ln2_b, Wr, Wk, Wv, Wo, Ws, conf_W, W1, W2, Wmix, Wd, Wa, Wb1, Wb2):
    # --- attention (simplified RWKV7_TimeMix: gated linear mix + state proj) ---
    xn = _ln(x, ln1_g, ln1_b)
    r = xn @ Wr
    k = xn @ Wk
    v = xn @ Wv
    v = v + (v_first - v) * jax.nn.sigmoid(k)  # layer_id > 0: blend with v_first
    att_out = (jax.nn.sigmoid(r) * v) @ Wo
    rwkv_state = jnp.tanh(xn @ Ws)
    x = x + att_out
    h = _ln(x, ln2_g, ln2_b)
    # --- per-expert confidences ---
    confidences = jax.nn.sigmoid(jnp.einsum('btc,ec->bte', h, conf_W))  # [B,T,E]
    # --- critic ---
    difficulty = jax.nn.softplus(h @ Wd)   # [B,T,1]
    affinity = h @ Wa                      # [B,T,E]
    critic_subsidy = 0.1 * affinity
    # --- market router (winner-take-all auction over capital-weighted bids) ---
    bids = confidences * difficulty + critic_subsidy
    effective = bids + jnp.log(capital_shares + 1e-6)[None, None, :]
    winners = jnp.argmax(effective, axis=-1)  # [B,T]
    costs = jnp.max(effective, axis=-1)       # [B,T]
    # --- bridge reconstruction loss ---
    flat_h = h.reshape(-1, C)
    flat_state = rwkv_state.reshape(-1, C)
    recon = jnp.tanh(flat_state @ Wb1) @ Wb2
    recon_loss = jnp.mean((recon - flat_h) ** 2)
    # --- straight-through confidence scaling ---
    flat_winners = winners.reshape(-1)
    flat_conf = confidences.reshape(-1, E)
    winning_conf = jnp.take_along_axis(flat_conf, flat_winners[:, None], axis=1)  # [N,1]
    scale = winning_conf / (jax.lax.stop_gradient(winning_conf) + 1e-6)
    # --- sparse expert dispatch: gather winning tokens, run expert, scatter back ---
    final_out = jnp.zeros_like(flat_h)
    for e in range(E):
        mask = flat_winners == e
        if e >= NUM_RWKV:
            hh = flat_h + flat_state @ Wmix[e - NUM_RWKV]
        else:
            hh = flat_h
        eo = jax.nn.relu(hh @ W1[e]) @ W2[e]
        final_out = jnp.where(mask[:, None], eo * scale, final_out)
    out = final_out.reshape(B, T, C)
    x = x + out
    return (x, v_first, winners, costs, recon_loss)

if __name__ == "__main__":
    import jax
    _d = setup_inputs()
    print(jax.jit(kernel)(*tuple(_d.values())))

</pallas_src>

<mosaic_0001>
#map = affine_map<(d0, d1) -> (0, 0, 0)>
#map1 = affine_map<(d0, d1) -> (0, 0)>
module attributes {stable_mosaic.version = 14 : i64} {
  func.func @_k3_body(%arg0: i32, %arg1: i32, %arg2: memref<32x4x32xi32, #tpu.memory_space<hbm>>, %arg3: memref<4096x768xf32, #tpu.memory_space<hbm>>, %arg4: memref<4096x768xf32, #tpu.memory_space<hbm>>, %arg5: memref<4096x768xf32, #tpu.memory_space<hbm>>, %arg6: memref<4096x768xf32, #tpu.memory_space<hbm>>, %arg7: memref<4096x768xf32, #tpu.memory_space<hbm>>, %arg8: memref<4096x768xf32, #tpu.memory_space<hbm>>, %arg9: memref<4x32xi32, #tpu.memory_space<vmem>>, %arg10: memref<32x768xf32, #tpu.memory_space<vmem>>, %arg11: memref<32x768xf32, #tpu.memory_space<vmem>>, %arg12: memref<32x768xf32, #tpu.memory_space<vmem>>, %arg13: memref<32x768xf32, #tpu.memory_space<vmem>>, %arg14: memref<!tpu.dma_semaphore, #tpu.memory_space<semaphore_mem>>, %arg15: memref<!tpu.dma_semaphore, #tpu.memory_space<semaphore_mem>>, %arg16: memref<!tpu.dma_semaphore, #tpu.memory_space<semaphore_mem>>, %arg17: memref<!tpu.dma_semaphore, #tpu.memory_space<semaphore_mem>>, %arg18: memref<!tpu.dma_semaphore, #tpu.memory_space<semaphore_mem>>, %arg19: memref<!tpu.dma_semaphore, #tpu.memory_space<semaphore_mem>>, %arg20: memref<!tpu.dma_semaphore, #tpu.memory_space<semaphore_mem>>, %arg21: memref<!tpu.dma_semaphore, #tpu.memory_space<semaphore_mem>>) attributes {dimension_semantics = [#tpu.dimension_semantics<core_parallel>, #tpu.dimension_semantics<subcore_parallel>], iteration_bounds = array<i64: 2, 16>, scalar_prefetch = 0 : i64, scratch_operands = 13 : i64, tpu.core_type = #tpu.core_type<sc_vector_subcore>, window_params = [{transform_indices = #map}, {transform_indices = #map1}, {transform_indices = #map1}, {transform_indices = #map1}, {transform_indices = #map1}, {transform_indices = #map1}, {transform_indices = #map1}]} {
    %mul3A = arith.constant 2 : i32
    %mul3A_0 = arith.muli %arg1, %mul3A : i32
    %add3A = arith.addi %mul3A_0, %arg0 : i32
    %mul3A_1 = arith.constant 128 : i32
    %mul3A_2 = arith.muli %add3A, %mul3A_1 : i32
    "tpu.region"() ({
      %run_scoped3A = tpu.sem_alloc : memref<!tpu.dma_semaphore, #tpu.memory_space<semaphore_mem>>
      %dma_start3A_313 = arith.constant 0 : i32
      %dma_start3A_314 = arith.constant 0 : i32
      %dma_start3A_315 = tpu.memref_slice %arg2[%add3A, %dma_start3A_313, %dma_start3A_314] : memref<32x4x32xi32, #tpu.memory_space<hbm>> -> memref<1x4x32xi32, #tpu.memory_space<hbm>>
      %dma_start3A_316 = tpu.memref_squeeze %dma_start3A_315 : memref<1x4x32xi32, #tpu.memory_space<hbm>> -> memref<4x32xi32, #tpu.memory_space<hbm>>
      %dma_start3A_317 = arith.constant 0 : i32
      %dma_start3A_318 = arith.constant 0 : i32
      %dma_start3A_319 = tpu.memref_slice %arg2[%add3A, %dma_start3A_317, %dma_start3A_318] : memref<32x4x32xi32, #tpu.memory_space<hbm>> -> memref<1x4x32xi32, #tpu.memory_space<hbm>>
      %dma_start3A_320 = tpu.memref_squeeze %dma_start3A_319 : memref<1x4x32xi32, #tpu.memory_space<hbm>> -> memref<4x32xi32, #tpu.memory_space<hbm>>
      tpu.enqueue_dma source(%dma_start3A_320 : memref<4x32xi32, #tpu.memory_space<hbm>>) target(%arg9 : memref<4x32xi32, #tpu.memory_space<vmem>>) target_semaphore(%run_scoped3A : memref<!tpu.dma_semaphore, #tpu.memory_space<semaphore_mem>>)
      %dma_wait3A_321 = arith.constant 0 : i32
      %dma_wait3A_322 = arith.constant 0 : i32
      %dma_wait3A_323 = tpu.memref_slice %arg2[%add3A, %dma_wait3A_321, %dma_wait3A_322] : memref<32x4x32xi32, #tpu.memory_space<hbm>> -> memref<1x4x32xi32, #tpu.memory_space<hbm>>
      %dma_wait3A_324 = tpu.memref_squeeze %dma_wait3A_323 : memref<1x4x32xi32, #tpu.memory_space<hbm>> -> memref<4x32xi32, #tpu.memory_space<hbm>>
      %dma_wait3A_325 = arith.constant 0 : i32
      %dma_wait3A_326 = arith.constant 0 : i32
      %dma_wait3A_327 = tpu.memref_slice %arg2[%add3A, %dma_wait3A_325, %dma_wait3A_326] : memref<32x4x32xi32, #tpu.memory_space<hbm>> -> memref<1x4x32xi32, #tpu.memory_space<hbm>>
      %dma_wait3A_328 = tpu.memref_squeeze %dma_wait3A_327 : memref<1x4x32xi32, #tpu.memory_space<hbm>> -> memref<4x32xi32, #tpu.memory_space<hbm>>
      tpu.wait_dma2 semaphore(%run_scoped3A : memref<!tpu.dma_semaphore, #tpu.memory_space<semaphore_mem>>) src(%dma_wait3A_328 : memref<4x32xi32, #tpu.memory_space<hbm>>) dst(%arg9 : memref<4x32xi32, #tpu.memory_space<vmem>>)
      tpu.yield
    }) : () -> ()
    %add3A_3 = arith.constant 0 : i32
    %add3A_4 = arith.addi %mul3A_2, %add3A_3 : i32
    %dma_start3A = arith.constant 0 : i32
    %dma_start3A_5 = tpu.memref_slice %arg3[%add3A_4, %dma_start3A] : memref<4096x768xf32, #tpu.memory_space<hbm>> -> memref<32x768xf32, #tpu.memory_space<hbm>>
    %dma_start3A_6 = arith.constant 0 : i32
    %dma_start3A_7 = tpu.memref_slice %arg3[%add3A_4, %dma_start3A_6] : memref<4096x768xf32, #tpu.memory_space<hbm>> -> memref<32x768xf32, #tpu.memory_space<hbm>>
    tpu.enqueue_dma source(%dma_start3A_7 : memref<32x768xf32, #tpu.memory_space<hbm>>) target(%arg10 : memref<32x768xf32, #tpu.memory_space<vmem>>) target_semaphore(%arg14 : memref<!tpu.dma_semaphore, #tpu.memory_space<semaphore_mem>>)
    %add3A_8 = arith.constant 0 : i32
    %add3A_9 = arith.addi %mul3A_2, %add3A_8 : i32
    %dma_start3A_10 = arith.constant 0 : i32
    %dma_start3A_11 = tpu.memref_slice %arg5[%add3A_9, %dma_start3A_10] : memref<4096x768xf32, #tpu.memory_space<hbm>> -> memref<32x768xf32, #tpu.memory_space<hbm>>
    %dma_start3A_12 = arith.constant 0 : i32
    %dma_start3A_13 = tpu.memref_slice %arg5[%add3A_9, %dma_start3A_12] : memref<4096x768xf32, #tpu.memory_space<hbm>> -> memref<32x768xf32, #tpu.memory_space<hbm>>
    tpu.enqueue_dma source(%dma_start3A_13 : memref<32x768xf32, #tpu.memory_space<hbm>>) target(%arg12 : memref<32x768xf32, #tpu.memory_space<vmem>>) target_semaphore(%arg18 : memref<!tpu.dma_semaphore, #tpu.memory_space<semaphore_mem>>)
    %add3A_14 = arith.constant 0 : i32
    %add3A_15 = arith.addi %mul3A_2, %add3A_14 : i32
    %dma_wait3A = arith.constant 0 : i32
    %dma_wait3A_16 = tpu.memref_slice %arg3[%add3A_15, %dma_wait3A] : memref<4096x768xf32, #tpu.memory_space<hbm>> -> memref<32x768xf32, #tpu.memory_space<hbm>>
    %dma_wait3A_17 = arith.constant 0 : i32
    %dma_wait3A_18 = tpu.memref_slice %arg3[%add3A_15, %dma_wait3A_17] : memref<4096x768xf32, #tpu.memory_space<hbm>> -> memref<32x768xf32, #tpu.memory_space<hbm>>
    tpu.wait_dma2 semaphore(%arg14 : memref<!tpu.dma_semaphore, #tpu.memory_space<semaphore_mem>>) src(%dma_wait3A_18 : memref<32x768xf32, #tpu.memory_space<hbm>>) dst(%arg10 : memref<32x768xf32, #tpu.memory_space<vmem>>)
    %add3A_19 = arith.constant 32 : i32
    %add3A_20 = arith.addi %mul3A_2, %add3A_19 : i32
    %dma_start3A_21 = arith.constant 0 : i32
    %dma_start3A_22 = tpu.memref_slice %arg3[%add3A_20, %dma_start3A_21] : memref<4096x768xf32, #tpu.memory_space<hbm>> -> memref<32x768xf32, #tpu.memory_space<hbm>>
    %dma_start3A_23 = arith.constant 0 : i32
    %dma_start3A_24 = tpu.memref_slice %arg3[%add3A_20, %dma_start3A_23] : memref<4096x768xf32, #tpu.memory_space<hbm>> -> memref<32x768xf32, #tpu.memory_space<hbm>>
    tpu.enqueue_dma source(%dma_start3A_24 : memref<32x768xf32, #tpu.memory_space<hbm>>) target(%arg11 : memref<32x768xf32, #tpu.memory_space<vmem>>) target_semaphore(%arg15 : memref<!tpu.dma_semaphore, #tpu.memory_space<semaphore_mem>>)
    %dma_start3A_25 = arith.constant 0 : i32
    %dma_start3A_26 = arith.constant 0 : i32
    %dma_start3A_27 = tpu.memref_slice %arg9[%dma_start3A_25, %dma_start3A_26] : memref<4x32xi32, #tpu.memory_space<vmem>> -> memref<1x32xi32, #tpu.memory_space<vmem>>
    %dma_start3A_28 = tpu.memref_squeeze %dma_start3A_27 : memref<1x32xi32, #tpu.memory_space<vmem>> -> memref<32xi32, #tpu.memory_space<vmem>>
    %dma_start3A_29 = arith.constant 0 : i32
    %dma_start3A_30 = arith.constant 0 : i32
    %dma_start3A_31 = tpu.memref_slice %arg6[%dma_start3A_29, %dma_start3A_30] : memref<4096x768xf32, #tpu.memory_space<hbm>> -> memref<4096x768xf32, #tpu.memory_space<hbm>>
    tpu.enqueue_indirect_dma source(%arg10 : memref<32x768xf32, #tpu.memory_space<vmem>>) target(%dma_start3A_31 : memref<4096x768xf32, #tpu.memory_space<hbm>>) offsets(%dma_start3A_28 : memref<32xi32, #tpu.memory_space<vmem>>) semaphore(%arg16 : memref<!tpu.dma_semaphore, #tpu.memory_space<semaphore_mem>>)
    %add3A_32 = arith.constant 32 : i32
    %add3A_33 = arith.addi %mul3A_2, %add3A_32 : i32
    %dma_wait3A_34 = arith.constant 0 : i32
    %dma_wait3A_35 = tpu.memref_slice %arg3[%add3A_33, %dma_wait3A_34] : memref<4096x768xf32, #tpu.memory_space<hbm>> -> memref<32x768xf32, #tpu.memory_space<hbm>>
    %dma_wait3A_36 = arith.constant 0 : i32
    %dma_wait3A_37 = tpu.memref_slice %arg3[%add3A_33, %dma_wait3A_36] : memref<4096x768xf32, #tpu.memory_space<hbm>> -> memref<32x768xf32, #tpu.memory_space<hbm>>
    tpu.wait_dma2 semaphore(%arg15 : memref<!tpu.dma_semaphore, #tpu.memory_space<semaphore_mem>>) src(%dma_wait3A_37 : memref<32x768xf32, #tpu.memory_space<hbm>>) dst(%arg11 : memref<32x768xf32, #tpu.memory_space<vmem>>)
    %dma_wait3A_38 = arith.constant 0 : i32
    %dma_wait3A_39 = arith.constant 0 : i32
    %dma_wait3A_40 = tpu.memref_slice %arg9[%dma_wait3A_38, %dma_wait3A_39] : memref<4x32xi32, #tpu.memory_space<vmem>> -> memref<1x32xi32, #tpu.memory_space<vmem>>
    %dma_wait3A_41 = tpu.memref_squeeze %dma_wait3A_40 : memref<1x32xi32, #tpu.memory_space<vmem>> -> memref<32xi32, #tpu.memory_space<vmem>>
    %dma_wait3A_42 = arith.constant 0 : i32
    %dma_wait3A_43 = arith.constant 0 : i32
    %dma_wait3A_44 = tpu.memref_slice %arg6[%dma_wait3A_42, %dma_wait3A_43] : memref<4096x768xf32, #tpu.memory_space<hbm>> -> memref<4096x768xf32, #tpu.memory_space<hbm>>
    tpu.wait_indirect_dma semaphore(%arg16 : memref<!tpu.dma_semaphore, #tpu.memory_space<semaphore_mem>>) src(%arg10 : memref<32x768xf32, #tpu.memory_space<vmem>>) dst(%dma_wait3A_44 : memref<4096x768xf32, #tpu.memory_space<hbm>>)
    %add3A_45 = arith.constant 64 : i32
    %add3A_46 = arith.addi %mul3A_2, %add3A_45 : i32
    %dma_start3A_47 = arith.constant 0 : i32
    %dma_start3A_48 = tpu.memref_slice %arg3[%add3A_46, %dma_start3A_47] : memref<4096x768xf32, #tpu.memory_space<hbm>> -> memref<32x768xf32, #tpu.memory_space<hbm>>
    %dma_start3A_49 = arith.constant 0 : i32
    %dma_start3A_50 = tpu.memref_slice %arg3[%add3A_46, %dma_start3A_49] : memref<4096x768xf32, #tpu.memory_space<hbm>> -> memref<32x768xf32, #tpu.memory_space<hbm>>
    tpu.enqueue_dma source(%dma_start3A_50 : memref<32x768xf32, #tpu.memory_space<hbm>>) target(%arg10 : memref<32x768xf32, #tpu.memory_space<vmem>>) target_semaphore(%arg14 : memref<!tpu.dma_semaphore, #tpu.memory_space<semaphore_mem>>)
    %dma_start3A_51 = arith.constant 1 : i32
    %dma_start3A_52 = arith.constant 0 : i32
    %dma_start3A_53 = tpu.memref_slice %arg9[%dma_start3A_51, %dma_start3A_52] : memref<4x32xi32, #tpu.memory_space<vmem>> -> memref<1x32xi32, #tpu.memory_space<vmem>>
    %dma_start3A_54 = tpu.memref_squeeze %dma_start3A_53 : memref<1x32xi32, #tpu.memory_space<vmem>> -> memref<32xi32, #tpu.memory_space<vmem>>
    %dma_start3A_55 = arith.constant 0 : i32
    %dma_start3A_56 = arith.constant 0 : i32
    %dma_start3A_57 = tpu.memref_slice %arg6[%dma_start3A_55, %dma_start3A_56] : memref<4096x768xf32, #tpu.memory_space<hbm>> -> memref<4096x768xf32, #tpu.memory_space<hbm>>
    tpu.enqueue_indirect_dma source(%arg11 : memref<32x768xf32, #tpu.memory_space<vmem>>) target(%dma_start3A_57 : memref<4096x768xf32, #tpu.memory_space<hbm>>) offsets(%dma_start3A_54 : memref<32xi32, #tpu.memory_space<vmem>>) semaphore(%arg17 : memref<!tpu.dma_semaphore, #tpu.memory_space<semaphore_mem>>)
    %add3A_58 = arith.constant 64 : i32
    %add3A_59 = arith.addi %mul3A_2, %add3A_58 : i32
    %dma_wait3A_60 = arith.constant 0 : i32
    %dma_wait3A_61 = tpu.memref_slice %arg3[%add3A_59, %dma_wait3A_60] : memref<4096x768xf32, #tpu.memory_space<hbm>> -> memref<32x768xf32, #tpu.memory_space<hbm>>
    %dma_wait3A_62 = arith.constant 0 : i32
    %dma_wait3A_63 = tpu.memref_slice %arg3[%add3A_59, %dma_wait3A_62] : memref<4096x768xf32, #tpu.memory_space<hbm>> -> memref<32x768xf32, #tpu.memory_space<hbm>>
    tpu.wait_dma2 semaphore(%arg14 : memref<!tpu.dma_semaphore, #tpu.memory_space<semaphore_mem>>) src(%dma_wait3A_63 : memref<32x768xf32, #tpu.memory_space<hbm>>) dst(%arg10 : memref<32x768xf32, #tpu.memory_space<vmem>>)
    %dma_wait3A_64 = arith.constant 1 : i32
    %dma_wait3A_65 = arith.constant 0 : i32
    %dma_wait3A_66 = tpu.memref_slice %arg9[%dma_wait3A_64, %dma_wait3A_65] : memref<4x32xi32, #tpu.memory_space<vmem>> -> memref<1x32xi32, #tpu.memory_space<vmem>>
    %dma_wait3A_67 = tpu.memref_squeeze %dma_wait3A_66 : memref<1x32xi32, #tpu.memory_space<vmem>> -> memref<32xi32, #tpu.memory_space<vmem>>
    %dma_wait3A_68 = arith.constant 0 : i32
    %dma_wait3A_69 = arith.constant 0 : i32
    %dma_wait3A_70 = tpu.memref_slice %arg6[%dma_wait3A_68, %dma_wait3A_69] : memref<4096x768xf32, #tpu.memory_space<hbm>> -> memref<4096x768xf32, #tpu.memory_space<hbm>>
    tpu.wait_indirect_dma semaphore(%arg17 : memref<!tpu.dma_semaphore, #tpu.memory_space<semaphore_mem>>) src(%arg11 : memref<32x768xf32, #tpu.memory_space<vmem>>) dst(%dma_wait3A_70 : memref<4096x768xf32, #tpu.memory_space<hbm>>)
    %add3A_71 = arith.constant 96 : i32
    %add3A_72 = arith.addi %mul3A_2, %add3A_71 : i32
    %dma_start3A_73 = arith.constant 0 : i32
    %dma_start3A_74 = tpu.memref_slice %arg3[%add3A_72, %dma_start3A_73] : memref<4096x768xf32, #tpu.memory_space<hbm>> -> memref<32x768xf32, #tpu.memory_space<hbm>>
    %dma_start3A_75 = arith.constant 0 : i32
    %dma_start3A_76 = tpu.memref_slice %arg3[%add3A_72, %dma_start3A_75] : memref<4096x768xf32, #tpu.memory_space<hbm>> -> memref<32x768xf32, #tpu.memory_space<hbm>>
    tpu.enqueue_dma source(%dma_start3A_76 : memref<32x768xf32, #tpu.memory_space<hbm>>) target(%arg11 : memref<32x768xf32, #tpu.memory_space<vmem>>) target_semaphore(%arg15 : memref<!tpu.dma_semaphore, #tpu.memory_space<semaphore_mem>>)
    %dma_start3A_77 = arith.constant 2 : i32
    %dma_start3A_78 = arith.constant 0 : i32
    %dma_start3A_79 = tpu.memref_slice %arg9[%dma_start3A_77, %dma_start3A_78] : memref<4x32xi32, #tpu.memory_space<vmem>> -> memref<1x32xi32, #tpu.memory_space<vmem>>
    %dma_start3A_80 = tpu.memref_squeeze %dma_start3A_79 : memref<1x32xi32, #tpu.memory_space<vmem>> -> memref<32xi32, #tpu.memory_space<vmem>>
    %dma_start3A_81 = arith.constant 0 : i32
    %dma_start3A_82 = arith.constant 0 : i32
    %dma_start3A_83 = tpu.memref_slice %arg6[%dma_start3A_81, %dma_start3A_82] : memref<4096x768xf32, #tpu.memory_space<hbm>> -> memref<4096x768xf32, #tpu.memory_space<hbm>>
    tpu.enqueue_indirect_dma source(%arg10 : memref<32x768xf32, #tpu.memory_space<vmem>>) target(%dma_start3A_83 : memref<4096x768xf32, #tpu.memory_space<hbm>>) offsets(%dma_start3A_80 : memref<32xi32, #tpu.memory_space<vmem>>) semaphore(%arg16 : memref<!tpu.dma_semaphore, #tpu.memory_space<semaphore_mem>>)
    %add3A_84 = arith.constant 96 : i32
    %add3A_85 = arith.addi %mul3A_2, %add3A_84 : i32
    %dma_wait3A_86 = arith.constant 0 : i32
    %dma_wait3A_87 = tpu.memref_slice %arg3[%add3A_85, %dma_wait3A_86] : memref<4096x768xf32, #tpu.memory_space<hbm>> -> memref<32x768xf32, #tpu.memory_space<hbm>>
    %dma_wait3A_88 = arith.constant 0 : i32
    %dma_wait3A_89 = tpu.memref_slice %arg3[%add3A_85, %dma_wait3A_88] : memref<4096x768xf32, #tpu.memory_space<hbm>> -> memref<32x768xf32, #tpu.memory_space<hbm>>
    tpu.wait_dma2 semaphore(%arg15 : memref<!tpu.dma_semaphore, #tpu.memory_space<semaphore_mem>>) src(%dma_wait3A_89 : memref<32x768xf32, #tpu.memory_space<hbm>>) dst(%arg11 : memref<32x768xf32, #tpu.memory_space<vmem>>)
    %dma_wait3A_90 = arith.constant 2 : i32
    %dma_wait3A_91 = arith.constant 0 : i32
    %dma_wait3A_92 = tpu.memref_slice %arg9[%dma_wait3A_90, %dma_wait3A_91] : memref<4x32xi32, #tpu.memory_space<vmem>> -> memref<1x32xi32, #tpu.memory_space<vmem>>
    %dma_wait3A_93 = tpu.memref_squeeze %dma_wait3A_92 : memref<1x32xi32, #tpu.memory_space<vmem>> -> memref<32xi32, #tpu.memory_space<vmem>>
    %dma_wait3A_94 = arith.constant 0 : i32
    %dma_wait3A_95 = arith.constant 0 : i32
    %dma_wait3A_96 = tpu.memref_slice %arg6[%dma_wait3A_94, %dma_wait3A_95] : memref<4096x768xf32, #tpu.memory_space<hbm>> -> memref<4096x768xf32, #tpu.memory_space<hbm>>
    tpu.wait_indirect_dma semaphore(%arg16 : memref<!tpu.dma_semaphore, #tpu.memory_space<semaphore_mem>>) src(%arg10 : memref<32x768xf32, #tpu.memory_space<vmem>>) dst(%dma_wait3A_96 : memref<4096x768xf32, #tpu.memory_space<hbm>>)
    %add3A_97 = arith.constant 0 : i32
    %add3A_98 = arith.addi %mul3A_2, %add3A_97 : i32
    %dma_start3A_99 = arith.constant 0 : i32
    %dma_start3A_100 = tpu.memref_slice %arg4[%add3A_98, %dma_start3A_99] : memref<4096x768xf32, #tpu.memory_space<hbm>> -> memref<32x768xf32, #tpu.memory_space<hbm>>
    %dma_start3A_101 = arith.constant 0 : i32
    %dma_start3A_102 = tpu.memref_slice %arg4[%add3A_98, %dma_start3A_101] : memref<4096x768xf32, #tpu.memory_space<hbm>> -> memref<32x768xf32, #tpu.memory_space<hbm>>
    tpu.enqueue_dma source(%dma_start3A_102 : memref<32x768xf32, #tpu.memory_space<hbm>>) target(%arg10 : memref<32x768xf32, #tpu.memory_space<vmem>>) target_semaphore(%arg14 : memref<!tpu.dma_semaphore, #tpu.memory_space<semaphore_mem>>)
    %dma_start3A_103 = arith.constant 3 : i32
    %dma_start3A_104 = arith.constant 0 : i32
    %dma_start3A_105 = tpu.memref_slice %arg9[%dma_start3A_103, %dma_start3A_104] : memref<4x32xi32, #tpu.memory_space<vmem>> -> memref<1x32xi32, #tpu.memory_space<vmem>>
    %dma_start3A_106 = tpu.memref_squeeze %dma_start3A_105 : memref<1x32xi32, #tpu.memory_space<vmem>> -> memref<32xi32, #tpu.memory_space<vmem>>
    %dma_start3A_107 = arith.constant 0 : i32
    %dma_start3A_108 = arith.constant 0 : i32
    %dma_start3A_109 = tpu.memref_slice %arg6[%dma_start3A_107, %dma_start3A_108] : memref<4096x768xf32, #tpu.memory_space<hbm>> -> memref<4096x768xf32, #tpu.memory_space<hbm>>
    tpu.enqueue_indirect_dma source(%arg11 : memref<32x768xf32, #tpu.memory_space<vmem>>) target(%dma_start3A_109 : memref<4096x768xf32, #tpu.memory_space<hbm>>) offsets(%dma_start3A_106 : memref<32xi32, #tpu.memory_space<vmem>>) semaphore(%arg17 : memref<!tpu.dma_semaphore, #tpu.memory_space<semaphore_mem>>)
    %add3A_110 = arith.constant 0 : i32
    %add3A_111 = arith.addi %mul3A_2, %add3A_110 : i32
    %dma_wait3A_112 = arith.constant 0 : i32
    %dma_wait3A_113 = tpu.memref_slice %arg4[%add3A_111, %dma_wait3A_112] : memref<4096x768xf32, #tpu.memory_space<hbm>> -> memref<32x768xf32, #tpu.memory_space<hbm>>
    %dma_wait3A_114 = arith.constant 0 : i32
    %dma_wait3A_115 = tpu.memref_slice %arg4[%add3A_111, %dma_wait3A_114] : memref<4096x768xf32, #tpu.memory_space<hbm>> -> memref<32x768xf32, #tpu.memory_space<hbm>>
    tpu.wait_dma2 semaphore(%arg14 : memref<!tpu.dma_semaphore, #tpu.memory_space<semaphore_mem>>) src(%dma_wait3A_115 : memref<32x768xf32, #tpu.memory_space<hbm>>) dst(%arg10 : memref<32x768xf32, #tpu.memory_space<vmem>>)
    %dma_wait3A_116 = arith.constant 3 : i32
    %dma_wait3A_117 = arith.constant 0 : i32
    %dma_wait3A_118 = tpu.memref_slice %arg9[%dma_wait3A_116, %dma_wait3A_117] : memref<4x32xi32, #tpu.memory_space<vmem>> -> memref<1x32xi32, #tpu.memory_space<vmem>>
    %dma_wait3A_119 = tpu.memref_squeeze %dma_wait3A_118 : memref<1x32xi32, #tpu.memory_space<vmem>> -> memref<32xi32, #tpu.memory_space<vmem>>
    %dma_wait3A_120 = arith.constant 0 : i32
    %dma_wait3A_121 = arith.constant 0 : i32
    %dma_wait3A_122 = tpu.memref_slice %arg6[%dma_wait3A_120, %dma_wait3A_121] : memref<4096x768xf32, #tpu.memory_space<hbm>> -> memref<4096x768xf32, #tpu.memory_space<hbm>>
    tpu.wait_indirect_dma semaphore(%arg17 : memref<!tpu.dma_semaphore, #tpu.memory_space<semaphore_mem>>) src(%arg11 : memref<32x768xf32, #tpu.memory_space<vmem>>) dst(%dma_wait3A_122 : memref<4096x768xf32, #tpu.memory_space<hbm>>)
    %add3A_123 = arith.constant 32 : i32
    %add3A_124 = arith.addi %mul3A_2, %add3A_123 : i32
    %dma_start3A_125 = arith.constant 0 : i32
    %dma_start3A_126 = tpu.memref_slice %arg4[%add3A_124, %dma_start3A_125] : memref<4096x768xf32, #tpu.memory_space<hbm>> -> memref<32x768xf32, #tpu.memory_space<hbm>>
    %dma_start3A_127 = arith.constant 0 : i32
    %dma_start3A_128 = tpu.memref_slice %arg4[%add3A_124, %dma_start3A_127] : memref<4096x768xf32, #tpu.memory_space<hbm>> -> memref<32x768xf32, #tpu.memory_space<hbm>>
    tpu.enqueue_dma source(%dma_start3A_128 : memref<32x768xf32, #tpu.memory_space<hbm>>) target(%arg11 : memref<32x768xf32, #tpu.memory_space<vmem>>) target_semaphore(%arg15 : memref<!tpu.dma_semaphore, #tpu.memory_space<semaphore_mem>>)
    %dma_start3A_129 = arith.constant 0 : i32
    %dma_start3A_130 = arith.constant 0 : i32
    %dma_start3A_131 = tpu.memref_slice %arg9[%dma_start3A_129, %dma_start3A_130] : memref<4x32xi32, #tpu.memory_space<vmem>> -> memref<1x32xi32, #tpu.memory_space<vmem>>
    %dma_start3A_132 = tpu.memref_squeeze %dma_start3A_131 : memref<1x32xi32, #tpu.memory_space<vmem>> -> memref<32xi32, #tpu.memory_space<vmem>>
    %dma_start3A_133 = arith.constant 0 : i32
    %dma_start3A_134 = arith.constant 0 : i32
    %dma_start3A_135 = tpu.memref_slice %arg7[%dma_start3A_133, %dma_start3A_134] : memref<4096x768xf32, #tpu.memory_space<hbm>> -> memref<4096x768xf32, #tpu.memory_space<hbm>>
    tpu.enqueue_indirect_dma source(%arg10 : memref<32x768xf32, #tpu.memory_space<vmem>>) target(%dma_start3A_135 : memref<4096x768xf32, #tpu.memory_space<hbm>>) offsets(%dma_start3A_132 : memref<32xi32, #tpu.memory_space<vmem>>) semaphore(%arg16 : memref<!tpu.dma_semaphore, #tpu.memory_space<semaphore_mem>>)
    %add3A_136 = arith.constant 32 : i32
    %add3A_137 = arith.addi %mul3A_2, %add3A_136 : i32
    %dma_wait3A_138 = arith.constant 0 : i32
    %dma_wait3A_139 = tpu.memref_slice %arg4[%add3A_137, %dma_wait3A_138] : memref<4096x768xf32, #tpu.memory_space<hbm>> -> memref<32x768xf32, #tpu.memory_space<hbm>>
    %dma_wait3A_140 = arith.constant 0 : i32
    %dma_wait3A_141 = tpu.memref_slice %arg4[%add3A_137, %dma_wait3A_140] : memref<4096x768xf32, #tpu.memory_space<hbm>> -> memref<32x768xf32, #tpu.memory_space<hbm>>
    tpu.wait_dma2 semaphore(%arg15 : memref<!tpu.dma_semaphore, #tpu.memory_space<semaphore_mem>>) src(%dma_wait3A_141 : memref<32x768xf32, #tpu.memory_space<hbm>>) dst(%arg11 : memref<32x768xf32, #tpu.memory_space<vmem>>)
    %dma_wait3A_142 = arith.constant 0 : i32
    %dma_wait3A_143 = arith.constant 0 : i32
    %dma_wait3A_144 = tpu.memref_slice %arg9[%dma_wait3A_142, %dma_wait3A_143] : memref<4x32xi32, #tpu.memory_space<vmem>> -> memref<1x32xi32, #tpu.memory_space<vmem>>
    %dma_wait3A_145 = tpu.memref_squeeze %dma_wait3A_144 : memref<1x32xi32, #tpu.memory_space<vmem>> -> memref<32xi32, #tpu.memory_space<vmem>>
    %dma_wait3A_146 = arith.constant 0 : i32
    %dma_wait3A_147 = arith.constant 0 : i32
    %dma_wait3A_148 = tpu.memref_slice %arg7[%dma_wait3A_146, %dma_wait3A_147] : memref<4096x768xf32, #tpu.memory_space<hbm>> -> memref<4096x768xf32, #tpu.memory_space<hbm>>
    tpu.wait_indirect_dma semaphore(%arg16 : memref<!tpu.dma_semaphore, #tpu.memory_space<semaphore_mem>>) src(%arg10 : memref<32x768xf32, #tpu.memory_space<vmem>>) dst(%dma_wait3A_148 : memref<4096x768xf32, #tpu.memory_space<hbm>>)
    %add3A_149 = arith.constant 64 : i32
    %add3A_150 = arith.addi %mul3A_2, %add3A_149 : i32
    %dma_start3A_151 = arith.constant 0 : i32
    %dma_start3A_152 = tpu.memref_slice %arg4[%add3A_150, %dma_start3A_151] : memref<4096x768xf32, #tpu.memory_space<hbm>> -> memref<32x768xf32, #tpu.memory_space<hbm>>
    %dma_start3A_153 = arith.constant 0 : i32
    %dma_start3A_154 = tpu.memref_slice %arg4[%add3A_150, %dma_start3A_153] : memref<4096x768xf32, #tpu.memory_space<hbm>> -> memref<32x768xf32, #tpu.memory_space<hbm>>
    tpu.enqueue_dma source(%dma_start3A_154 : memref<32x768xf32, #tpu.memory_space<hbm>>) target(%arg10 : memref<32x768xf32, #tpu.memory_space<vmem>>) target_semaphore(%arg14 : memref<!tpu.dma_semaphore, #tpu.memory_space<semaphore_mem>>)
    %dma_start3A_155 = arith.constant 1 : i32
    %dma_start3A_156 = arith.constant 0 : i32
    %dma_start3A_157 = tpu.memref_slice %arg9[%dma_start3A_155, %dma_start3A_156] : memref<4x32xi32, #tpu.memory_space<vmem>> -> memref<1x32xi32, #tpu.memory_space<vmem>>
    %dma_start3A_158 = tpu.memref_squeeze %dma_start3A_157 : memref<1x32xi32, #tpu.memory_space<vmem>> -> memref<32xi32, #tpu.memory_space<vmem>>
    %dma_start3A_159 = arith.constant 0 : i32
    %dma_start3A_160 = arith.constant 0 : i32
    %dma_start3A_161 = tpu.memref_slice %arg7[%dma_start3A_159, %dma_start3A_160] : memref<4096x768xf32, #tpu.memory_space<hbm>> -> memref<4096x768xf32, #tpu.memory_space<hbm>>
    tpu.enqueue_indirect_dma source(%arg11 : memref<32x768xf32, #tpu.memory_space<vmem>>) target(%dma_start3A_161 : memref<4096x768xf32, #tpu.memory_space<hbm>>) offsets(%dma_start3A_158 : memref<32xi32, #tpu.memory_space<vmem>>) semaphore(%arg17 : memref<!tpu.dma_semaphore, #tpu.memory_space<semaphore_mem>>)
    %add3A_162 = arith.constant 64 : i32
    %add3A_163 = arith.addi %mul3A_2, %add3A_162 : i32
    %dma_wait3A_164 = arith.constant 0 : i32
    %dma_wait3A_165 = tpu.memref_slice %arg4[%add3A_163, %dma_wait3A_164] : memref<4096x768xf32, #tpu.memory_space<hbm>> -> memref<32x768xf32, #tpu.memory_space<hbm>>
    %dma_wait3A_166 = arith.constant 0 : i32
    %dma_wait3A_167 = tpu.memref_slice %arg4[%add3A_163, %dma_wait3A_166] : memref<4096x768xf32, #tpu.memory_space<hbm>> -> memref<32x768xf32, #tpu.memory_space<hbm>>
    tpu.wait_dma2 semaphore(%arg14 : memref<!tpu.dma_semaphore, #tpu.memory_space<semaphore_mem>>) src(%dma_wait3A_167 : memref<32x768xf32, #tpu.memory_space<hbm>>) dst(%arg10 : memref<32x768xf32, #tpu.memory_space<vmem>>)
    %dma_wait3A_168 = arith.constant 1 : i32
    %dma_wait3A_169 = arith.constant 0 : i32
    %dma_wait3A_170 = tpu.memref_slice %arg9[%dma_wait3A_168, %dma_wait3A_169] : memref<4x32xi32, #tpu.memory_space<vmem>> -> memref<1x32xi32, #tpu.memory_space<vmem>>
    %dma_wait3A_171 = tpu.memref_squeeze %dma_wait3A_170 : memref<1x32xi32, #tpu.memory_space<vmem>> -> memref<32xi32, #tpu.memory_space<vmem>>
    %dma_wait3A_172 = arith.constant 0 : i32
    %dma_wait3A_173 = arith.constant 0 : i32
    %dma_wait3A_174 = tpu.memref_slice %arg7[%dma_wait3A_172, %dma_wait3A_173] : memref<4096x768xf32, #tpu.memory_space<hbm>> -> memref<4096x768xf32, #tpu.memory_space<hbm>>
    tpu.wait_indirect_dma semaphore(%arg17 : memref<!tpu.dma_semaphore, #tpu.memory_space<semaphore_mem>>) src(%arg11 : memref<32x768xf32, #tpu.memory_space<vmem>>) dst(%dma_wait3A_174 : memref<4096x768xf32, #tpu.memory_space<hbm>>)
    %add3A_175 = arith.constant 96 : i32
    %add3A_176 = arith.addi %mul3A_2, %add3A_175 : i32
    %dma_start3A_177 = arith.constant 0 : i32
    %dma_start3A_178 = tpu.memref_slice %arg4[%add3A_176, %dma_start3A_177] : memref<4096x768xf32, #tpu.memory_space<hbm>> -> memref<32x768xf32, #tpu.memory_space<hbm>>
    %dma_start3A_179 = arith.constant 0 : i32
    %dma_start3A_180 = tpu.memref_slice %arg4[%add3A_176, %dma_start3A_179] : memref<4096x768xf32, #tpu.memory_space<hbm>> -> memref<32x768xf32, #tpu.memory_space<hbm>>
    tpu.enqueue_dma source(%dma_start3A_180 : memref<32x768xf32, #tpu.memory_space<hbm>>) target(%arg11 : memref<32x768xf32, #tpu.memory_space<vmem>>) target_semaphore(%arg15 : memref<!tpu.dma_semaphore, #tpu.memory_space<semaphore_mem>>)
    %dma_start3A_181 = arith.constant 2 : i32
    %dma_start3A_182 = arith.constant 0 : i32
    %dma_start3A_183 = tpu.memref_slice %arg9[%dma_start3A_181, %dma_start3A_182] : memref<4x32xi32, #tpu.memory_space<vmem>> -> memref<1x32xi32, #tpu.memory_space<vmem>>
    %dma_start3A_184 = tpu.memref_squeeze %dma_start3A_183 : memref<1x32xi32, #tpu.memory_space<vmem>> -> memref<32xi32, #tpu.memory_space<vmem>>
    %dma_start3A_185 = arith.constant 0 : i32
    %dma_start3A_186 = arith.constant 0 : i32
    %dma_start3A_187 = tpu.memref_slice %arg7[%dma_start3A_185, %dma_start3A_186] : memref<4096x768xf32, #tpu.memory_space<hbm>> -> memref<4096x768xf32, #tpu.memory_space<hbm>>
    tpu.enqueue_indirect_dma source(%arg10 : memref<32x768xf32, #tpu.memory_space<vmem>>) target(%dma_start3A_187 : memref<4096x768xf32, #tpu.memory_space<hbm>>) offsets(%dma_start3A_184 : memref<32xi32, #tpu.memory_space<vmem>>) semaphore(%arg16 : memref<!tpu.dma_semaphore, #tpu.memory_space<semaphore_mem>>)
    %add3A_188 = arith.constant 96 : i32
    %add3A_189 = arith.addi %mul3A_2, %add3A_188 : i32
    %dma_wait3A_190 = arith.constant 0 : i32
    %dma_wait3A_191 = tpu.memref_slice %arg4[%add3A_189, %dma_wait3A_190] : memref<4096x768xf32, #tpu.memory_space<hbm>> -> memref<32x768xf32, #tpu.memory_space<hbm>>
    %dma_wait3A_192 = arith.constant 0 : i32
    %dma_wait3A_193 = tpu.memref_slice %arg4[%add3A_189, %dma_wait3A_192] : memref<4096x768xf32, #tpu.memory_space<hbm>> -> memref<32x768xf32, #tpu.memory_space<hbm>>
    tpu.wait_dma2 semaphore(%arg15 : memref<!tpu.dma_semaphore, #tpu.memory_space<semaphore_mem>>) src(%dma_wait3A_193 : memref<32x768xf32, #tpu.memory_space<hbm>>) dst(%arg11 : memref<32x768xf32, #tpu.memory_space<vmem>>)
    %dma_wait3A_194 = arith.constant 2 : i32
    %dma_wait3A_195 = arith.constant 0 : i32
    %dma_wait3A_196 = tpu.memref_slice %arg9[%dma_wait3A_194, %dma_wait3A_195] : memref<4x32xi32, #tpu.memory_space<vmem>> -> memref<1x32xi32, #tpu.memory_space<vmem>>
    %dma_wait3A_197 = tpu.memref_squeeze %dma_wait3A_196 : memref<1x32xi32, #tpu.memory_space<vmem>> -> memref<32xi32, #tpu.memory_space<vmem>>
    %dma_wait3A_198 = arith.constant 0 : i32
    %dma_wait3A_199 = arith.constant 0 : i32
    %dma_wait3A_200 = tpu.memref_slice %arg7[%dma_wait3A_198, %dma_wait3A_199] : memref<4096x768xf32, #tpu.memory_space<hbm>> -> memref<4096x768xf32, #tpu.memory_space<hbm>>
    tpu.wait_indirect_dma semaphore(%arg16 : memref<!tpu.dma_semaphore, #tpu.memory_space<semaphore_mem>>) src(%arg10 : memref<32x768xf32, #tpu.memory_space<vmem>>) dst(%dma_wait3A_200 : memref<4096x768xf32, #tpu.memory_space<hbm>>)
    %dma_start3A_201 = arith.constant 3 : i32
    %dma_start3A_202 = arith.constant 0 : i32
    %dma_start3A_203 = tpu.memref_slice %arg9[%dma_start3A_201, %dma_start3A_202] : memref<4x32xi32, #tpu.memory_space<vmem>> -> memref<1x32xi32, #tpu.memory_space<vmem>>
    %dma_start3A_204 = tpu.memref_squeeze %dma_start3A_203 : memref<1x32xi32, #tpu.memory_space<vmem>> -> memref<32xi32, #tpu.memory_space<vmem>>
    %dma_start3A_205 = arith.constant 0 : i32
    %dma_start3A_206 = arith.constant 0 : i32
    %dma_start3A_207 = tpu.memref_slice %arg7[%dma_start3A_205, %dma_start3A_206] : memref<4096x768xf32, #tpu.memory_space<hbm>> -> memref<4096x768xf32, #tpu.memory_space<hbm>>
    tpu.enqueue_indirect_dma source(%arg11 : memref<32x768xf32, #tpu.memory_space<vmem>>) target(%dma_start3A_207 : memref<4096x768xf32, #tpu.memory_space<hbm>>) offsets(%dma_start3A_204 : memref<32xi32, #tpu.memory_space<vmem>>) semaphore(%arg17 : memref<!tpu.dma_semaphore, #tpu.memory_space<semaphore_mem>>)
    %add3A_208 = arith.constant 0 : i32
    %add3A_209 = arith.addi %mul3A_2, %add3A_208 : i32
    %dma_wait3A_210 = arith.constant 0 : i32
    %dma_wait3A_211 = tpu.memref_slice %arg5[%add3A_209, %dma_wait3A_210] : memref<4096x768xf32, #tpu.memory_space<hbm>> -> memref<32x768xf32, #tpu.memory_space<hbm>>
    %dma_wait3A_212 = arith.constant 0 : i32
    %dma_wait3A_213 = tpu.memref_slice %arg5[%add3A_209, %dma_wait3A_212] : memref<4096x768xf32, #tpu.memory_space<hbm>> -> memref<32x768xf32, #tpu.memory_space<hbm>>
    tpu.wait_dma2 semaphore(%arg18 : memref<!tpu.dma_semaphore, #tpu.memory_space<semaphore_mem>>) src(%dma_wait3A_213 : memref<32x768xf32, #tpu.memory_space<hbm>>) dst(%arg12 : memref<32x768xf32, #tpu.memory_space<vmem>>)
    %add3A_214 = arith.constant 32 : i32
    %add3A_215 = arith.addi %mul3A_2, %add3A_214 : i32
    %dma_start3A_216 = arith.constant 0 : i32
    %dma_start3A_217 = tpu.memref_slice %arg5[%add3A_215, %dma_start3A_216] : memref<4096x768xf32, #tpu.memory_space<hbm>> -> memref<32x768xf32, #tpu.memory_space<hbm>>
    %dma_start3A_218 = arith.constant 0 : i32
    %dma_start3A_219 = tpu.memref_slice %arg5[%add3A_215, %dma_start3A_218] : memref<4096x768xf32, #tpu.memory_space<hbm>> -> memref<32x768xf32, #tpu.memory_space<hbm>>
    tpu.enqueue_dma source(%dma_start3A_219 : memref<32x768xf32, #tpu.memory_space<hbm>>) target(%arg13 : memref<32x768xf32, #tpu.memory_space<vmem>>) target_semaphore(%arg19 : memref<!tpu.dma_semaphore, #tpu.memory_space<semaphore_mem>>)
    %dma_start3A_220 = arith.constant 0 : i32
    %dma_start3A_221 = arith.constant 0 : i32
    %dma_start3A_222 = tpu.memref_slice %arg9[%dma_start3A_220, %dma_start3A_221] : memref<4x32xi32, #tpu.memory_space<vmem>> -> memref<1x32xi32, #tpu.memory_space<vmem>>
    %dma_start3A_223 = tpu.memref_squeeze %dma_start3A_222 : memref<1x32xi32, #tpu.memory_space<vmem>> -> memref<32xi32, #tpu.memory_space<vmem>>
    %dma_start3A_224 = arith.constant 0 : i32
    %dma_start3A_225 = arith.constant 0 : i32
    %dma_start3A_226 = tpu.memref_slice %arg8[%dma_start3A_224, %dma_start3A_225] : memref<4096x768xf32, #tpu.memory_space<hbm>> -> memref<4096x768xf32, #tpu.memory_space<hbm>>
    tpu.enqueue_indirect_dma source(%arg12 : memref<32x768xf32, #tpu.memory_space<vmem>>) target(%dma_start3A_226 : memref<4096x768xf32, #tpu.memory_space<hbm>>) offsets(%dma_start3A_223 : memref<32xi32, #tpu.memory_space<vmem>>) semaphore(%arg20 : memref<!tpu.dma_semaphore, #tpu.memory_space<semaphore_mem>>)
    %add3A_227 = arith.constant 32 : i32
    %add3A_228 = arith.addi %mul3A_2, %add3A_227 : i32
    %dma_wait3A_229 = arith.constant 0 : i32
    %dma_wait3A_230 = tpu.memref_slice %arg5[%add3A_228, %dma_wait3A_229] : memref<4096x768xf32, #tpu.memory_space<hbm>> -> memref<32x768xf32, #tpu.memory_space<hbm>>
    %dma_wait3A_231 = arith.constant 0 : i32
    %dma_wait3A_232 = tpu.memref_slice %arg5[%add3A_228, %dma_wait3A_231] : memref<4096x768xf32, #tpu.memory_space<hbm>> -> memref<32x768xf32, #tpu.memory_space<hbm>>
    tpu.wait_dma2 semaphore(%arg19 : memref<!tpu.dma_semaphore, #tpu.memory_space<semaphore_mem>>) src(%dma_wait3A_232 : memref<32x768xf32, #tpu.memory_space<hbm>>) dst(%arg13 : memref<32x768xf32, #tpu.memory_space<vmem>>)
    %dma_wait3A_233 = arith.constant 0 : i32
    %dma_wait3A_234 = arith.constant 0 : i32
    %dma_wait3A_235 = tpu.memref_slice %arg9[%dma_wait3A_233, %dma_wait3A_234] : memref<4x32xi32, #tpu.memory_space<vmem>> -> memref<1x32xi32, #tpu.memory_space<vmem>>
    %dma_wait3A_236 = tpu.memref_squeeze %dma_wait3A_235 : memref<1x32xi32, #tpu.memory_space<vmem>> -> memref<32xi32, #tpu.memory_space<vmem>>
    %dma_wait3A_237 = arith.constant 0 : i32
    %dma_wait3A_238 = arith.constant 0 : i32
    %dma_wait3A_239 = tpu.memref_slice %arg8[%dma_wait3A_237, %dma_wait3A_238] : memref<4096x768xf32, #tpu.memory_space<hbm>> -> memref<4096x768xf32, #tpu.memory_space<hbm>>
    tpu.wait_indirect_dma semaphore(%arg20 : memref<!tpu.dma_semaphore, #tpu.memory_space<semaphore_mem>>) src(%arg12 : memref<32x768xf32, #tpu.memory_space<vmem>>) dst(%dma_wait3A_239 : memref<4096x768xf32, #tpu.memory_space<hbm>>)
    %add3A_240 = arith.constant 64 : i32
    %add3A_241 = arith.addi %mul3A_2, %add3A_240 : i32
    %dma_start3A_242 = arith.constant 0 : i32
    %dma_start3A_243 = tpu.memref_slice %arg5[%add3A_241, %dma_start3A_242] : memref<4096x768xf32, #tpu.memory_space<hbm>> -> memref<32x768xf32, #tpu.memory_space<hbm>>
    %dma_start3A_244 = arith.constant 0 : i32
    %dma_start3A_245 = tpu.memref_slice %arg5[%add3A_241, %dma_start3A_244] : memref<4096x768xf32, #tpu.memory_space<hbm>> -> memref<32x768xf32, #tpu.memory_space<hbm>>
    tpu.enqueue_dma source(%dma_start3A_245 : memref<32x768xf32, #tpu.memory_space<hbm>>) target(%arg12 : memref<32x768xf32, #tpu.memory_space<vmem>>) target_semaphore(%arg18 : memref<!tpu.dma_semaphore, #tpu.memory_space<semaphore_mem>>)
    %dma_start3A_246 = arith.constant 1 : i32
    %dma_start3A_247 = arith.constant 0 : i32
    %dma_start3A_248 = tpu.memref_slice %arg9[%dma_start3A_246, %dma_start3A_247] : memref<4x32xi32, #tpu.memory_space<vmem>> -> memref<1x32xi32, #tpu.memory_space<vmem>>
    %dma_start3A_249 = tpu.memref_squeeze %dma_start3A_248 : memref<1x32xi32, #tpu.memory_space<vmem>> -> memref<32xi32, #tpu.memory_space<vmem>>
    %dma_start3A_250 = arith.constant 0 : i32
    %dma_start3A_251 = arith.constant 0 : i32
    %dma_start3A_252 = tpu.memref_slice %arg8[%dma_start3A_250, %dma_start3A_251] : memref<4096x768xf32, #tpu.memory_space<hbm>> -> memref<4096x768xf32, #tpu.memory_space<hbm>>
    tpu.enqueue_indirect_dma source(%arg13 : memref<32x768xf32, #tpu.memory_space<vmem>>) target(%dma_start3A_252 : memref<4096x768xf32, #tpu.memory_space<hbm>>) offsets(%dma_start3A_249 : memref<32xi32, #tpu.memory_space<vmem>>) semaphore(%arg21 : memref<!tpu.dma_semaphore, #tpu.memory_space<semaphore_mem>>)
    %add3A_253 = arith.constant 64 : i32
    %add3A_254 = arith.addi %mul3A_2, %add3A_253 : i32
    %dma_wait3A_255 = arith.constant 0 : i32
    %dma_wait3A_256 = tpu.memref_slice %arg5[%add3A_254, %dma_wait3A_255] : memref<4096x768xf32, #tpu.memory_space<hbm>> -> memref<32x768xf32, #tpu.memory_space<hbm>>
    %dma_wait3A_257 = arith.constant 0 : i32
    %dma_wait3A_258 = tpu.memref_slice %arg5[%add3A_254, %dma_wait3A_257] : memref<4096x768xf32, #tpu.memory_space<hbm>> -> memref<32x768xf32, #tpu.memory_space<hbm>>
    tpu.wait_dma2 semaphore(%arg18 : memref<!tpu.dma_semaphore, #tpu.memory_space<semaphore_mem>>) src(%dma_wait3A_258 : memref<32x768xf32, #tpu.memory_space<hbm>>) dst(%arg12 : memref<32x768xf32, #tpu.memory_space<vmem>>)
    %dma_wait3A_259 = arith.constant 1 : i32
    %dma_wait3A_260 = arith.constant 0 : i32
    %dma_wait3A_261 = tpu.memref_slice %arg9[%dma_wait3A_259, %dma_wait3A_260] : memref<4x32xi32, #tpu.memory_space<vmem>> -> memref<1x32xi32, #tpu.memory_space<vmem>>
    %dma_wait3A_262 = tpu.memref_squeeze %dma_wait3A_261 : memref<1x32xi32, #tpu.memory_space<vmem>> -> memref<32xi32, #tpu.memory_space<vmem>>
    %dma_wait3A_263 = arith.constant 0 : i32
    %dma_wait3A_264 = arith.constant 0 : i32
    %dma_wait3A_265 = tpu.memref_slice %arg8[%dma_wait3A_263, %dma_wait3A_264] : memref<4096x768xf32, #tpu.memory_space<hbm>> -> memref<4096x768xf32, #tpu.memory_space<hbm>>
    tpu.wait_indirect_dma semaphore(%arg21 : memref<!tpu.dma_semaphore, #tpu.memory_space<semaphore_mem>>) src(%arg13 : memref<32x768xf32, #tpu.memory_space<vmem>>) dst(%dma_wait3A_265 : memref<4096x768xf32, #tpu.memory_space<hbm>>)
    %add3A_266 = arith.constant 96 : i32
    %add3A_267 = arith.addi %mul3A_2, %add3A_266 : i32
    %dma_start3A_268 = arith.constant 0 : i32
    %dma_start3A_269 = tpu.memref_slice %arg5[%add3A_267, %dma_start3A_268] : memref<4096x768xf32, #tpu.memory_space<hbm>> -> memref<32x768xf32, #tpu.memory_space<hbm>>
    %dma_start3A_270 = arith.constant 0 : i32
    %dma_start3A_271 = tpu.memref_slice %arg5[%add3A_267, %dma_start3A_270] : memref<4096x768xf32, #tpu.memory_space<hbm>> -> memref<32x768xf32, #tpu.memory_space<hbm>>
    tpu.enqueue_dma source(%dma_start3A_271 : memref<32x768xf32, #tpu.memory_space<hbm>>) target(%arg13 : memref<32x768xf32, #tpu.memory_space<vmem>>) target_semaphore(%arg19 : memref<!tpu.dma_semaphore, #tpu.memory_space<semaphore_mem>>)
    %dma_start3A_272 = arith.constant 2 : i32
    %dma_start3A_273 = arith.constant 0 : i32
    %dma_start3A_274 = tpu.memref_slice %arg9[%dma_start3A_272, %dma_start3A_273] : memref<4x32xi32, #tpu.memory_space<vmem>> -> memref<1x32xi32, #tpu.memory_space<vmem>>
    %dma_start3A_275 = tpu.memref_squeeze %dma_start3A_274 : memref<1x32xi32, #tpu.memory_space<vmem>> -> memref<32xi32, #tpu.memory_space<vmem>>
    %dma_start3A_276 = arith.constant 0 : i32
    %dma_start3A_277 = arith.constant 0 : i32
    %dma_start3A_278 = tpu.memref_slice %arg8[%dma_start3A_276, %dma_start3A_277] : memref<4096x768xf32, #tpu.memory_space<hbm>> -> memref<4096x768xf32, #tpu.memory_space<hbm>>
    tpu.enqueue_indirect_dma source(%arg12 : memref<32x768xf32, #tpu.memory_space<vmem>>) target(%dma_start3A_278 : memref<4096x768xf32, #tpu.memory_space<hbm>>) offsets(%dma_start3A_275 : memref<32xi32, #tpu.memory_space<vmem>>) semaphore(%arg20 : memref<!tpu.dma_semaphore, #tpu.memory_space<semaphore_mem>>)
    %add3A_279 = arith.constant 96 : i32
    %add3A_280 = arith.addi %mul3A_2, %add3A_279 : i32
    %dma_wait3A_281 = arith.constant 0 : i32
    %dma_wait3A_282 = tpu.memref_slice %arg5[%add3A_280, %dma_wait3A_281] : memref<4096x768xf32, #tpu.memory_space<hbm>> -> memref<32x768xf32, #tpu.memory_space<hbm>>
    %dma_wait3A_283 = arith.constant 0 : i32
    %dma_wait3A_284 = tpu.memref_slice %arg5[%add3A_280, %dma_wait3A_283] : memref<4096x768xf32, #tpu.memory_space<hbm>> -> memref<32x768xf32, #tpu.memory_space<hbm>>
    tpu.wait_dma2 semaphore(%arg19 : memref<!tpu.dma_semaphore, #tpu.memory_space<semaphore_mem>>) src(%dma_wait3A_284 : memref<32x768xf32, #tpu.memory_space<hbm>>) dst(%arg13 : memref<32x768xf32, #tpu.memory_space<vmem>>)
    %dma_wait3A_285 = arith.constant 2 : i32
    %dma_wait3A_286 = arith.constant 0 : i32
    %dma_wait3A_287 = tpu.memref_slice %arg9[%dma_wait3A_285, %dma_wait3A_286] : memref<4x32xi32, #tpu.memory_space<vmem>> -> memref<1x32xi32, #tpu.memory_space<vmem>>
    %dma_wait3A_288 = tpu.memref_squeeze %dma_wait3A_287 : memref<1x32xi32, #tpu.memory_space<vmem>> -> memref<32xi32, #tpu.memory_space<vmem>>
    %dma_wait3A_289 = arith.constant 0 : i32
    %dma_wait3A_290 = arith.constant 0 : i32
    %dma_wait3A_291 = tpu.memref_slice %arg8[%dma_wait3A_289, %dma_wait3A_290] : memref<4096x768xf32, #tpu.memory_space<hbm>> -> memref<4096x768xf32, #tpu.memory_space<hbm>>
    tpu.wait_indirect_dma semaphore(%arg20 : memref<!tpu.dma_semaphore, #tpu.memory_space<semaphore_mem>>) src(%arg12 : memref<32x768xf32, #tpu.memory_space<vmem>>) dst(%dma_wait3A_291 : memref<4096x768xf32, #tpu.memory_space<hbm>>)
    %dma_start3A_292 = arith.constant 3 : i32
    %dma_start3A_293 = arith.constant 0 : i32
    %dma_start3A_294 = tpu.memref_slice %arg9[%dma_start3A_292, %dma_start3A_293] : memref<4x32xi32, #tpu.memory_space<vmem>> -> memref<1x32xi32, #tpu.memory_space<vmem>>
    %dma_start3A_295 = tpu.memref_squeeze %dma_start3A_294 : memref<1x32xi32, #tpu.memory_space<vmem>> -> memref<32xi32, #tpu.memory_space<vmem>>
    %dma_start3A_296 = arith.constant 0 : i32
    %dma_start3A_297 = arith.constant 0 : i32
    %dma_start3A_298 = tpu.memref_slice %arg8[%dma_start3A_296, %dma_start3A_297] : memref<4096x768xf32, #tpu.memory_space<hbm>> -> memref<4096x768xf32, #tpu.memory_space<hbm>>
    tpu.enqueue_indirect_dma source(%arg13 : memref<32x768xf32, #tpu.memory_space<vmem>>) target(%dma_start3A_298 : memref<4096x768xf32, #tpu.memory_space<hbm>>) offsets(%dma_start3A_295 : memref<32xi32, #tpu.memory_space<vmem>>) semaphore(%arg21 : memref<!tpu.dma_semaphore, #tpu.memory_space<semaphore_mem>>)
    %dma_wait3A_299 = arith.constant 3 : i32
    %dma_wait3A_300 = arith.constant 0 : i32
    %dma_wait3A_301 = tpu.memref_slice %arg9[%dma_wait3A_299, %dma_wait3A_300] : memref<4x32xi32, #tpu.memory_space<vmem>> -> memref<1x32xi32, #tpu.memory_space<vmem>>
    %dma_wait3A_302 = tpu.memref_squeeze %dma_wait3A_301 : memref<1x32xi32, #tpu.memory_space<vmem>> -> memref<32xi32, #tpu.memory_space<vmem>>
    %dma_wait3A_303 = arith.constant 0 : i32
    %dma_wait3A_304 = arith.constant 0 : i32
    %dma_wait3A_305 = tpu.memref_slice %arg7[%dma_wait3A_303, %dma_wait3A_304] : memref<4096x768xf32, #tpu.memory_space<hbm>> -> memref<4096x768xf32, #tpu.memory_space<hbm>>
    tpu.wait_indirect_dma semaphore(%arg17 : memref<!tpu.dma_semaphore, #tpu.memory_space<semaphore_mem>>) src(%arg11 : memref<32x768xf32, #tpu.memory_space<vmem>>) dst(%dma_wait3A_305 : memref<4096x768xf32, #tpu.memory_space<hbm>>)
    %dma_wait3A_306 = arith.constant 3 : i32
    %dma_wait3A_307 = arith.constant 0 : i32
    %dma_wait3A_308 = tpu.memref_slice %arg9[%dma_wait3A_306, %dma_wait3A_307] : memref<4x32xi32, #tpu.memory_space<vmem>> -> memref<1x32xi32, #tpu.memory_space<vmem>>
    %dma_wait3A_309 = tpu.memref_squeeze %dma_wait3A_308 : memref<1x32xi32, #tpu.memory_space<vmem>> -> memref<32xi32, #tpu.memory_space<vmem>>
    %dma_wait3A_310 = arith.constant 0 : i32
    %dma_wait3A_311 = arith.constant 0 : i32
    %dma_wait3A_312 = tpu.memref_slice %arg8[%dma_wait3A_310, %dma_wait3A_311] : memref<4096x768xf32, #tpu.memory_space<hbm>> -> memref<4096x768xf32, #tpu.memory_space<hbm>>
    tpu.wait_indirect_dma semaphore(%arg21 : memref<!tpu.dma_semaphore, #tpu.memory_space<semaphore_mem>>) src(%arg13 : memref<32x768xf32, #tpu.memory_space<vmem>>) dst(%dma_wait3A_312 : memref<4096x768xf32, #tpu.memory_space<hbm>>)
    return
  }
}

#map = affine_map<(d0, d1) -> (0, 0)>
module attributes {stable_mosaic.version = 14 : i64} {
  func.func @_k5_body(%arg0: i32, %arg1: i32, %arg2: memref<32x128xi32, #tpu.memory_space<hbm>>, %arg3: memref<4096x768xf32, #tpu.memory_space<hbm>>, %arg4: memref<4096x768xf32, #tpu.memory_space<hbm>>, %arg5: memref<128xi32, #tpu.memory_space<vmem>>, %arg6: memref<128x768xf32, #tpu.memory_space<vmem>>, %arg7: memref<!tpu.dma_semaphore, #tpu.memory_space<semaphore_mem>>) attributes {dimension_semantics = [#tpu.dimension_semantics<core_parallel>, #tpu.dimension_semantics<subcore_parallel>], iteration_bounds = array<i64: 2, 16>, scalar_prefetch = 0 : i64, scratch_operands = 3 : i64, tpu.core_type = #tpu.core_type<sc_vector_subcore>, window_params = [{transform_indices = #map}, {transform_indices = #map}, {transform_indices = #map}]} {
    %mul3A = arith.constant 2 : i32
    %mul3A_0 = arith.muli %arg1, %mul3A : i32
    %add3A = arith.addi %mul3A_0, %arg0 : i32
    %mul3A_1 = arith.constant 128 : i32
    %mul3A_2 = arith.muli %add3A, %mul3A_1 : i32
    "tpu.region"() ({
      %run_scoped3A = tpu.sem_alloc : memref<!tpu.dma_semaphore, #tpu.memory_space<semaphore_mem>>
      %dma_start3A_7 = arith.constant 0 : i32
      %dma_start3A_8 = tpu.memref_slice %arg2[%add3A, %dma_start3A_7] : memref<32x128xi32, #tpu.memory_space<hbm>> -> memref<1x128xi32, #tpu.memory_space<hbm>>
      %dma_start3A_9 = tpu.memref_squeeze %dma_start3A_8 : memref<1x128xi32, #tpu.memory_space<hbm>> -> memref<128xi32, #tpu.memory_space<hbm>>
      %dma_start3A_10 = arith.constant 0 : i32
      %dma_start3A_11 = tpu.memref_slice %arg2[%add3A, %dma_start3A_10] : memref<32x128xi32, #tpu.memory_space<hbm>> -> memref<1x128xi32, #tpu.memory_space<hbm>>
      %dma_start3A_12 = tpu.memref_squeeze %dma_start3A_11 : memref<1x128xi32, #tpu.memory_space<hbm>> -> memref<128xi32, #tpu.memory_space<hbm>>
      tpu.enqueue_dma source(%dma_start3A_12 : memref<128xi32, #tpu.memory_space<hbm>>) target(%arg5 : memref<128xi32, #tpu.memory_space<vmem>>) target_semaphore(%run_scoped3A : memref<!tpu.dma_semaphore, #tpu.memory_space<semaphore_mem>>)
      %dma_wait3A_13 = arith.constant 0 : i32
      %dma_wait3A_14 = tpu.memref_slice %arg2[%add3A, %dma_wait3A_13] : memref<32x128xi32, #tpu.memory_space<hbm>> -> memref<1x128xi32, #tpu.memory_space<hbm>>
      %dma_wait3A_15 = tpu.memref_squeeze %dma_wait3A_14 : memref<1x128xi32, #tpu.memory_space<hbm>> -> memref<128xi32, #tpu.memory_space<hbm>>
      %dma_wait3A_16 = arith.constant 0 : i32
      %dma_wait3A_17 = tpu.memref_slice %arg2[%add3A, %dma_wait3A_16] : memref<32x128xi32, #tpu.memory_space<hbm>> -> memref<1x128xi32, #tpu.memory_space<hbm>>
      %dma_wait3A_18 = tpu.memref_squeeze %dma_wait3A_17 : memref<1x128xi32, #tpu.memory_space<hbm>> -> memref<128xi32, #tpu.memory_space<hbm>>
      tpu.wait_dma2 semaphore(%run_scoped3A : memref<!tpu.dma_semaphore, #tpu.memory_space<semaphore_mem>>) src(%dma_wait3A_18 : memref<128xi32, #tpu.memory_space<hbm>>) dst(%arg5 : memref<128xi32, #tpu.memory_space<vmem>>)
      tpu.yield
    }) : () -> ()
    %dma_start3A = arith.constant 0 : i32
    %dma_start3A_3 = arith.constant 0 : i32
    %dma_start3A_4 = tpu.memref_slice %arg3[%dma_start3A, %dma_start3A_3] : memref<4096x768xf32, #tpu.memory_space<hbm>> -> memref<4096x768xf32, #tpu.memory_space<hbm>>
    tpu.enqueue_indirect_dma source(%dma_start3A_4 : memref<4096x768xf32, #tpu.memory_space<hbm>>) target(%arg6 : memref<128x768xf32, #tpu.memory_space<vmem>>) offsets(%arg5 : memref<128xi32, #tpu.memory_space<vmem>>) semaphore(%arg7 : memref<!tpu.dma_semaphore, #tpu.memory_space<semaphore_mem>>)
    %dma_wait3A = arith.constant 0 : i32
    %dma_wait3A_5 = arith.constant 0 : i32
    %dma_wait3A_6 = tpu.memref_slice %arg3[%dma_wait3A, %dma_wait3A_5] : memref<4096x768xf32, #tpu.memory_space<hbm>> -> memref<4096x768xf32, #tpu.memory_space<hbm>>
    tpu.wait_indirect_dma semaphore(%arg7 : memref<!tpu.dma_semaphore, #tpu.memory_space<semaphore_mem>>) src(%dma_wait3A_6 : memref<4096x768xf32, #tpu.memory_space<hbm>>) dst(%arg6 : memref<128x768xf32, #tpu.memory_space<vmem>>)
    "tpu.region"() ({
      %run_scoped3A = tpu.sem_alloc : memref<!tpu.dma_semaphore, #tpu.memory_space<semaphore_mem>>
      %dma_start3A_7 = arith.constant 0 : i32
      %dma_start3A_8 = tpu.memref_slice %arg4[%mul3A_2, %dma_start3A_7] : memref<4096x768xf32, #tpu.memory_space<hbm>> -> memref<128x768xf32, #tpu.memory_space<hbm>>
      %dma_start3A_9 = arith.constant 0 : i32
      %dma_start3A_10 = tpu.memref_slice %arg4[%mul3A_2, %dma_start3A_9] : memref<4096x768xf32, #tpu.memory_space<hbm>> -> memref<128x768xf32, #tpu.memory_space<hbm>>
      tpu.enqueue_dma source(%arg6 : memref<128x768xf32, #tpu.memory_space<vmem>>) target(%dma_start3A_10 : memref<128x768xf32, #tpu.memory_space<hbm>>) target_semaphore(%run_scoped3A : memref<!tpu.dma_semaphore, #tpu.memory_space<semaphore_mem>>)
      %dma_wait3A_11 = arith.constant 0 : i32
      %dma_wait3A_12 = tpu.memref_slice %arg4[%mul3A_2, %dma_wait3A_11] : memref<4096x768xf32, #tpu.memory_space<hbm>> -> memref<128x768xf32, #tpu.memory_space<hbm>>
      %dma_wait3A_13 = arith.constant 0 : i32
      %dma_wait3A_14 = tpu.memref_slice %arg4[%mul3A_2, %dma_wait3A_13] : memref<4096x768xf32, #tpu.memory_space<hbm>> -> memref<128x768xf32, #tpu.memory_space<hbm>>
      tpu.wait_dma2 semaphore(%run_scoped3A : memref<!tpu.dma_semaphore, #tpu.memory_space<semaphore_mem>>) src(%arg6 : memref<128x768xf32, #tpu.memory_space<vmem>>) dst(%dma_wait3A_14 : memref<128x768xf32, #tpu.memory_space<hbm>>)
      tpu.yield
    }) : () -> ()
    return
  }
}

module attributes {stable_mosaic.version = 14 : i64} {
  func.func @_k1_body(%arg0: i32, %arg1: memref<512x768xf32, #tpu.memory_space<vmem>>, %arg2: memref<512x768xf32, #tpu.memory_space<vmem>>, %arg3: memref<768x768xf32, #tpu.memory_space<vmem>>, %arg4: memref<768x768xf32, #tpu.memory_space<vmem>>, %arg5: memref<768x768xf32, #tpu.memory_space<vmem>>, %arg6: memref<768x768xf32, #tpu.memory_space<vmem>>, %arg7: memref<768x768xf32, #tpu.memory_space<vmem>>, %arg8: memref<768x8xf32, #tpu.memory_space<vmem>>, %arg9: memref<768x8xf32, #tpu.memory_space<vmem>>, %arg10: memref<768x8xf32, #tpu.memory_space<vmem>>, %arg11: memref<768x384xf32, #tpu.memory_space<vmem>>, %arg12: memref<384x768xf32, #tpu.memory_space<vmem>>, %arg13: memref<4x768xf32, #tpu.memory_space<vmem>>, %arg14: memref<1x8xf32, #tpu.memory_space<vmem>>, %arg15: memref<512x768xf32, #tpu.memory_space<vmem>>, %arg16: memref<512x768xf32, #tpu.memory_space<vmem>>, %arg17: memref<512x768xf32, #tpu.memory_space<vmem>>, %arg18: memref<512x1xi32, #tpu.memory_space<vmem>>, %arg19: memref<512x1xf32, #tpu.memory_space<vmem>>, %arg20: memref<1x1xf32, #tpu.memory_space<smem>>) attributes {dimension_semantics = [#tpu.dimension_semantics<arbitrary>], iteration_bounds = array<i64: 8>, scalar_prefetch = 0 : i64, scratch_operands = 0 : i64, tpu.core_type = #tpu.core_type<tc>, window_params = [{transform_indices = @transform_0, window_bounds = array<i64: 512, 768>}, {transform_indices = @transform_1, window_bounds = array<i64: 512, 768>}, {pipeline_mode = #tpu.pipeline_mode<synchronous>, transform_indices = @transform_2, window_bounds = array<i64: 768, 768>}, {pipeline_mode = #tpu.pipeline_mode<synchronous>, transform_indices = @transform_3, window_bounds = array<i64: 768, 768>}, {pipeline_mode = #tpu.pipeline_mode<synchronous>, transform_indices = @transform_4, window_bounds = array<i64: 768, 768>}, {pipeline_mode = #tpu.pipeline_mode<synchronous>, transform_indices = @transform_5, window_bounds = array<i64: 768, 768>}, {pipeline_mode = #tpu.pipeline_mode<synchronous>, transform_indices = @transform_6, window_bounds = array<i64: 768, 768>}, {pipeline_mode = #tpu.pipeline_mode<synchronous>, transform_indices = @transform_7, window_bounds = array<i64: 768, 8>}, {pipeline_mode = #tpu.pipeline_mode<synchronous>, transform_indices = @transform_8, window_bounds = array<i64: 768, 8>}, {pipeline_mode = #tpu.pipeline_mode<synchronous>, transform_indices = @transform_9, window_bounds = array<i64: 768, 8>}, {pipeline_mode = #tpu.pipeline_mode<synchronous>, transform_indices = @transform_10, window_bounds = array<i64: 768, 384>}, {pipeline_mode = #tpu.pipeline_mode<synchronous>, transform_indices = @transform_11, window_bounds = array<i64: 384, 768>}, {pipeline_mode = #tpu.pipeline_mode<synchronous>, transform_indices = @transform_12, window_bounds = array<i64: 4, 768>}, {pipeline_mode = #tpu.pipeline_mode<synchronous>, transform_indices = @transform_13, window_bounds = array<i64: 1, 8>}, {transform_indices = @transform_14, window_bounds = array<i64: 512, 768>}, {transform_indices = @transform_15, window_bounds = array<i64: 512, 768>}, {transform_indices = @transform_16, window_bounds = array<i64: 512, 768>}, {transform_indices = @transform_17, window_bounds = array<i64: 512, 1>}, {transform_indices = @transform_18, window_bounds = array<i64: 512, 1>}, {transform_indices = @transform_19, window_bounds = array<i64: 1, 1>}]} {
    %get3A = arith.constant 0 : index
    %get3A_0 = arith.constant 0 : index
    %get3A_1 = vector.load %arg1[%get3A, %get3A_0] : memref<512x768xf32, #tpu.memory_space<vmem>>, vector<512x768xf32>
    %get3A_2 = arith.constant 0 : index
    %get3A_3 = arith.constant 0 : index
    %get3A_4 = vector.load %arg13[%get3A_2, %get3A_3] : memref<4x768xf32, #tpu.memory_space<vmem>>, vector<1x768xf32>
    %get3A_5 = arith.constant 1 : index
    %get3A_6 = arith.constant 0 : index
    %get3A_7 = vector.load %arg13[%get3A_5, %get3A_6] : memref<4x768xf32, #tpu.memory_space<vmem>>, vector<1x768xf32>
    %reduce_sum3A = arith.constant dense<0.000000e+00> : vector<512xf32>
    %reduce_sum3A_8 = vector.multi_reduction <add>, %get3A_1, %reduce_sum3A [1] : vector<512x768xf32> to vector<512xf32>
    %broadcast_in_dim3A = vector.shape_cast %reduce_sum3A_8 : vector<512xf32> to vector<512x1xf32>
    %div3A = arith.constant 7.680000e+02 : f32
    %div3A_9 = vector.broadcast %div3A : f32 to vector<512x1xf32>
    %div3A_10 = arith.divf %broadcast_in_dim3A, %div3A_9 : vector<512x1xf32>
    %sub3A = vector.broadcast %div3A_10 : vector<512x1xf32> to vector<512x768xf32>
    %sub3A_11 = arith.subf %get3A_1, %sub3A : vector<512x768xf32>
    %mul3A = arith.mulf %sub3A_11, %sub3A_11 : vector<512x768xf32>
    %reduce_sum3A_12 = arith.constant dense<0.000000e+00> : vector<512xf32>
    %reduce_sum3A_13 = vector.multi_reduction <add>, %mul3A, %reduce_sum3A_12 [1] : vector<512x768xf32> to vector<512xf32>
    %broadcast_in_dim3A_14 = vector.shape_cast %reduce_sum3A_13 : vector<512xf32> to vector<512x1xf32>
    %div3A_15 = arith.constant 7.680000e+02 : f32
    %div3A_16 = vector.broadcast %div3A_15 : f32 to vector<512x1xf32>
    %div3A_17 = arith.divf %broadcast_in_dim3A_14, %div3A_16 : vector<512x1xf32>
    %add3A = arith.constant 9.99999974E-6 : f32
    %add3A_18 = vector.broadcast %add3A : f32 to vector<512x1xf32>
    %add3A_19 = arith.addf %div3A_17, %add3A_18 : vector<512x1xf32>
    %sqrt3A = math.sqrt %add3A_19 : vector<512x1xf32>
    %div3A_20 = vector.broadcast %sqrt3A : vector<512x1xf32> to vector<512x768xf32>
    %div3A_21 = arith.divf %sub3A_11, %div3A_20 : vector<512x768xf32>
    %mul3A_22 = vector.broadcast %get3A_4 : vector<1x768xf32> to vector<512x768xf32>
    %mul3A_23 = arith.mulf %div3A_21, %mul3A_22 : vector<512x768xf32>
    %add3A_24 = vector.broadcast %get3A_7 : vector<1x768xf32> to vector<512x768xf32>
    %add3A_25 = arith.addf %mul3A_23, %add3A_24 : vector<512x768xf32>
    %get3A_26 = arith.constant 0 : index
    %get3A_27 = arith.constant 0 : index
    %get3A_28 = vector.load %arg3[%get3A_26, %get3A_27] : memref<768x768xf32, #tpu.memory_space<vmem>>, vector<768x768xf32>
    %dot_general3A = arith.constant dense<0.000000e+00> : vector<512x768xf32>
    %dot_general3A_29 = tpu.matmul %add3A_25, %get3A_28, %dot_general3A {dimension_numbers = #tpu.dot_dimension_numbers<[1], [0], [0], [1], [0, 0, 1, 1], [], []>, transpose_lhs_hint = false} : vector<512x768xf32>, vector<768x768xf32>, vector<512x768xf32> -> vector<512x768xf32>
    %get3A_30 = arith.constant 0 : index
    %get3A_31 = arith.constant 0 : index
    %get3A_32 = vector.load %arg4[%get3A_30, %get3A_31] : memref<768x768xf32, #tpu.memory_space<vmem>>, vector<768x768xf32>
    %dot_general3A_33 = arith.constant dense<0.000000e+00> : vector<512x768xf32>
    %dot_general3A_34 = tpu.matmul %add3A_25, %get3A_32, %dot_general3A_33 {dimension_numbers = #tpu.dot_dimension_numbers<[1], [0], [0], [1], [0, 0, 1, 1], [], []>, transpose_lhs_hint = false} : vector<512x768xf32>, vector<768x768xf32>, vector<512x768xf32> -> vector<512x768xf32>
    %get3A_35 = arith.constant 0 : index
    %get3A_36 = arith.constant 0 : index
    %get3A_37 = vector.load %arg5[%get3A_35, %get3A_36] : memref<768x768xf32, #tpu.memory_space<vmem>>, vector<768x768xf32>
    %dot_general3A_38 = arith.constant dense<0.000000e+00> : vector<512x768xf32>
    %dot_general3A_39 = tpu.matmul %add3A_25, %get3A_37, %dot_general3A_38 {dimension_numbers = #tpu.dot_dimension_numbers<[1], [0], [0], [1], [0, 0, 1, 1], [], []>, transpose_lhs_hint = false} : vector<512x768xf32>, vector<768x768xf32>, vector<512x768xf32> -> vector<512x768xf32>
    %get3A_40 = arith.constant 0 : index
    %get3A_41 = arith.constant 0 : index
    %get3A_42 = vector.load %arg2[%get3A_40, %get3A_41] : memref<512x768xf32, #tpu.memory_space<vmem>>, vector<512x768xf32>
    %sub3A_43 = arith.subf %get3A_42, %dot_general3A_39 : vector<512x768xf32>
    %logistic3A = arith.negf %dot_general3A_34 : vector<512x768xf32>
    %logistic3A_44 = math.exp %logistic3A : vector<512x768xf32>
    %logistic3A_45 = arith.constant 1.000000e+00 : f32
    %logistic3A_46 = vector.broadcast %logistic3A_45 : f32 to vector<512x768xf32>
    %logistic3A_47 = arith.addf %logistic3A_46, %logistic3A_44 : vector<512x768xf32>
    %logistic3A_48 = arith.divf %logistic3A_46, %logistic3A_47 : vector<512x768xf32>
    %mul3A_49 = arith.mulf %sub3A_43, %logistic3A_48 : vector<512x768xf32>
    %add3A_50 = arith.addf %dot_general3A_39, %mul3A_49 : vector<512x768xf32>
    %logistic3A_51 = arith.negf %dot_general3A_29 : vector<512x768xf32>
    %logistic3A_52 = math.exp %logistic3A_51 : vector<512x768xf32>
    %logistic3A_53 = arith.constant 1.000000e+00 : f32
    %logistic3A_54 = vector.broadcast %logistic3A_53 : f32 to vector<512x768xf32>
    %logistic3A_55 = arith.addf %logistic3A_54, %logistic3A_52 : vector<512x768xf32>
    %logistic3A_56 = arith.divf %logistic3A_54, %logistic3A_55 : vector<512x768xf32>
    %mul3A_57 = arith.mulf %logistic3A_56, %add3A_50 : vector<512x768xf32>
    %get3A_58 = arith.constant 0 : index
    %get3A_59 = arith.constant 0 : index
    %get3A_60 = vector.load %arg6[%get3A_58, %get3A_59] : memref<768x768xf32, #tpu.memory_space<vmem>>, vector<768x768xf32>
    %dot_general3A_61 = arith.constant dense<0.000000e+00> : vector<512x768xf32>
    %dot_general3A_62 = tpu.matmul %mul3A_57, %get3A_60, %dot_general3A_61 {dimension_numbers = #tpu.dot_dimension_numbers<[1], [0], [0], [1], [0, 0, 1, 1], [], []>, transpose_lhs_hint = false} : vector<512x768xf32>, vector<768x768xf32>, vector<512x768xf32> -> vector<512x768xf32>
    %get3A_63 = arith.constant 0 : index
    %get3A_64 = arith.constant 0 : index
    %get3A_65 = vector.load %arg7[%get3A_63, %get3A_64] : memref<768x768xf32, #tpu.memory_space<vmem>>, vector<768x768xf32>
    %dot_general3A_66 = arith.constant dense<0.000000e+00> : vector<512x768xf32>
    %dot_general3A_67 = tpu.matmul %add3A_25, %get3A_65, %dot_general3A_66 {dimension_numbers = #tpu.dot_dimension_numbers<[1], [0], [0], [1], [0, 0, 1, 1], [], []>, transpose_lhs_hint = false} : vector<512x768xf32>, vector<768x768xf32>, vector<512x768xf32> -> vector<512x768xf32>
    %tanh3A = math.tanh %dot_general3A_67 : vector<512x768xf32>
    %add3A_68 = arith.addf %get3A_1, %dot_general3A_62 : vector<512x768xf32>
    %swap3A = arith.constant 0 : index
    %swap3A_69 = arith.constant 0 : index
    %swap3A_70 = vector.load %arg15[%swap3A, %swap3A_69] : memref<512x768xf32, #tpu.memory_space<vmem>>, vector<512x768xf32>
    tpu.vector_store %arg15[%swap3A, %swap3A_69], %add3A_68 {strides = array<i32>} : memref<512x768xf32, #tpu.memory_space<vmem>>, vector<512x768xf32>,
    %get3A_71 = arith.constant 2 : index
    %get3A_72 = arith.constant 0 : index
    %get3A_73 = vector.load %arg13[%get3A_71, %get3A_72] : memref<4x768xf32, #tpu.memory_space<vmem>>, vector<1x768xf32>
    %get3A_74 = arith.constant 3 : index
    %get3A_75 = arith.constant 0 : index
    %get3A_76 = vector.load %arg13[%get3A_74, %get3A_75] : memref<4x768xf32, #tpu.memory_space<vmem>>, vector<1x768xf32>
    %reduce_sum3A_77 = arith.constant dense<0.000000e+00> : vector<512xf32>
    %reduce_sum3A_78 = vector.multi_reduction <add>, %add3A_68, %reduce_sum3A_77 [1] : vector<512x768xf32> to vector<512xf32>
    %broadcast_in_dim3A_79 = vector.shape_cast %reduce_sum3A_78 : vector<512xf32> to vector<512x1xf32>
    %div3A_80 = arith.constant 7.680000e+02 : f32
    %div3A_81 = vector.broadcast %div3A_80 : f32 to vector<512x1xf32>
    %div3A_82 = arith.divf %broadcast_in_dim3A_79, %div3A_81 : vector<512x1xf32>
    %sub3A_83 = vector.broadcast %div3A_82 : vector<512x1xf32> to vector<512x768xf32>
    %sub3A_84 = arith.subf %add3A_68, %sub3A_83 : vector<512x768xf32>
    %mul3A_85 = arith.mulf %sub3A_84, %sub3A_84 : vector<512x768xf32>
    %reduce_sum3A_86 = arith.constant dense<0.000000e+00> : vector<512xf32>
    %reduce_sum3A_87 = vector.multi_reduction <add>, %mul3A_85, %reduce_sum3A_86 [1] : vector<512x768xf32> to vector<512xf32>
    %broadcast_in_dim3A_88 = vector.shape_cast %reduce_sum3A_87 : vector<512xf32> to vector<512x1xf32>
    %div3A_89 = arith.constant 7.680000e+02 : f32
    %div3A_90 = vector.broadcast %div3A_89 : f32 to vector<512x1xf32>
    %div3A_91 = arith.divf %broadcast_in_dim3A_88, %div3A_90 : vector<512x1xf32>
    %add3A_92 = arith.constant 9.99999974E-6 : f32
    %add3A_93 = vector.broadcast %add3A_92 : f32 to vector<512x1xf32>
    %add3A_94 = arith.addf %div3A_91, %add3A_93 : vector<512x1xf32>
    %sqrt3A_95 = math.sqrt %add3A_94 : vector<512x1xf32>
    %div3A_96 = vector.broadcast %sqrt3A_95 : vector<512x1xf32> to vector<512x768xf32>
    %div3A_97 = arith.divf %sub3A_84, %div3A_96 : vector<512x768xf32>
    %mul3A_98 = vector.broadcast %get3A_73 : vector<1x768xf32> to vector<512x768xf32>
    %mul3A_99 = arith.mulf %div3A_97, %mul3A_98 : vector<512x768xf32>
    %add3A_100 = vector.broadcast %get3A_76 : vector<1x768xf32> to vector<512x768xf32>
    %add3A_101 = arith.addf %mul3A_99, %add3A_100 : vector<512x768xf32>
    %get3A_102 = arith.constant 0 : index
    %get3A_103 = arith.constant 0 : index
    %get3A_104 = vector.load %arg8[%get3A_102, %get3A_103] : memref<768x8xf32, #tpu.memory_space<vmem>>, vector<768x8xf32>
    %dot_general3A_105 = arith.constant dense<0.000000e+00> : vector<512x8xf32>
    %dot_general3A_106 = tpu.matmul %add3A_101, %get3A_104, %dot_general3A_105 {dimension_numbers = #tpu.dot_dimension_numbers<[1], [0], [0], [1], [0, 0, 1, 1], [], []>, transpose_lhs_hint = false} : vector<512x768xf32>, vector<768x8xf32>, vector<512x8xf32> -> vector<512x8xf32>
    %logistic3A_107 = arith.negf %dot_general3A_106 : vector<512x8xf32>
    %logistic3A_108 = math.exp %logistic3A_107 : vector<512x8xf32>
    %logistic3A_109 = arith.constant 1.000000e+00 : f32
    %logistic3A_110 = vector.broadcast %logistic3A_109 : f32 to vector<512x8xf32>
    %logistic3A_111 = arith.addf %logistic3A_110, %logistic3A_108 : vector<512x8xf32>
    %logistic3A_112 = arith.divf %logistic3A_110, %logistic3A_111 : vector<512x8xf32>
    %get3A_113 = arith.constant 0 : index
    %get3A_114 = arith.constant 0 : index
    %get3A_115 = vector.load %arg9[%get3A_113, %get3A_114] : memref<768x8xf32, #tpu.memory_space<vmem>>, vector<768x8xf32>
    %dot_general3A_116 = arith.constant dense<0.000000e+00> : vector<512x8xf32>
    %dot_general3A_117 = tpu.matmul %add3A_101, %get3A_115, %dot_general3A_116 {dimension_numbers = #tpu.dot_dimension_numbers<[1], [0], [0], [1], [0, 0, 1, 1], [], []>, transpose_lhs_hint = false} : vector<512x768xf32>, vector<768x8xf32>, vector<512x8xf32> -> vector<512x8xf32>
    %get3A_118 = arith.constant 0 : index
    %get3A_119 = arith.constant 0 : index
    %get3A_120 = vector.load %arg10[%get3A_118, %get3A_119] : memref<768x8xf32, #tpu.memory_space<vmem>>, vector<768x8xf32>
    %dot_general3A_121 = arith.constant dense<0.000000e+00> : vector<512x8xf32>
    %dot_general3A_122 = tpu.matmul %add3A_101, %get3A_120, %dot_general3A_121 {dimension_numbers = #tpu.dot_dimension_numbers<[1], [0], [0], [1], [0, 0, 1, 1], [], []>, transpose_lhs_hint = false} : vector<512x768xf32>, vector<768x8xf32>, vector<512x8xf32> -> vector<512x8xf32>
    %slice3A = vector.extract_strided_slice %dot_general3A_122 {offsets = [0, 0], sizes = [512, 1], strides = [1, 1]} : vector<512x8xf32> to vector<512x1xf32>
    %custom_jvp_call3A = arith.constant 0.000000e+00 : f32
    %max3A = vector.broadcast %custom_jvp_call3A : f32 to vector<512x1xf32>
    %max3A_123 = arith.maximumf %slice3A, %max3A : vector<512x1xf32>
    %sub3A_124 = vector.broadcast %custom_jvp_call3A : f32 to vector<512x1xf32>
    %sub3A_125 = arith.subf %slice3A, %sub3A_124 : vector<512x1xf32>
    %ne3A = arith.cmpf one, %sub3A_125, %sub3A_125 : vector<512x1xf32>
    %add3A_126 = vector.broadcast %custom_jvp_call3A : f32 to vector<512x1xf32>
    %add3A_127 = arith.addf %slice3A, %add3A_126 : vector<512x1xf32>
    %abs3A = math.absf %sub3A_125 : vector<512x1xf32>
    %neg3A = arith.constant 0.000000e+00 : f32
    %neg3A_128 = vector.broadcast %neg3A : f32 to vector<512x1xf32>
    %neg3A_129 = arith.subf %neg3A_128, %abs3A : vector<512x1xf32>
    %exp3A = math.exp %neg3A_129 : vector<512x1xf32>
    %log1p3A = math.log1p %exp3A : vector<512x1xf32>
    %add3A_130 = arith.addf %max3A_123, %log1p3A : vector<512x1xf32>
    %select_n3A = arith.select %ne3A, %add3A_127, %add3A_130 : vector<512x1xi1>, vector<512x1xf32>
    %mul3A_131 = vector.broadcast %select_n3A : vector<512x1xf32> to vector<512x8xf32>
    %mul3A_132 = arith.mulf %logistic3A_112, %mul3A_131 : vector<512x8xf32>
    %mul3A_133 = arith.constant 1.000000e-01 : f32
    %mul3A_134 = vector.broadcast %mul3A_133 : f32 to vector<512x8xf32>
    %mul3A_135 = arith.mulf %mul3A_134, %dot_general3A_117 : vector<512x8xf32>
    %add3A_136 = arith.addf %mul3A_132, %mul3A_135 : vector<512x8xf32>
    %get3A_137 = arith.constant 0 : index
    %get3A_138 = arith.constant 0 : index
    %get3A_139 = vector.load %arg14[%get3A_137, %get3A_138] : memref<1x8xf32, #tpu.memory_space<vmem>>, vector<1x8xf32>
    %add3A_140 = arith.constant 9.99999997E-7 : f32
    %add3A_141 = vector.broadcast %add3A_140 : f32 to vector<1x8xf32>
    %add3A_142 = arith.addf %get3A_139, %add3A_141 : vector<1x8xf32>
    %log3A = math.log %add3A_142 : vector<1x8xf32>
    %add3A_143 = vector.broadcast %log3A : vector<1x8xf32> to vector<512x8xf32>
    %add3A_144 = arith.addf %add3A_136, %add3A_143 : vector<512x8xf32>
    %reduce_max3A = arith.constant dense<0xFF800000> : vector<512xf32>
    %reduce_max3A_145 = vector.multi_reduction <maximumf>, %add3A_144, %reduce_max3A [1] : vector<512x8xf32> to vector<512xf32>
    %iota3A = tpu.iota {dimensions = array<i32: 1>} : vector<512x8xi32>
    %broadcast_in_dim3A_146 = vector.shape_cast %reduce_max3A_145 : vector<512xf32> to vector<512x1xf32>
    %eq3A = vector.broadcast %broadcast_in_dim3A_146 : vector<512x1xf32> to vector<512x8xf32>
    %eq3A_147 = arith.cmpf oeq, %add3A_144, %eq3A : vector<512x8xf32>
    %jit3A = arith.constant 8 : i32
    %broadcast_in_dim3A_148 = vector.broadcast %jit3A : i32 to vector<512x8xi32>
    %select_n3A_149 = arith.select %eq3A_147, %iota3A, %broadcast_in_dim3A_148 : vector<512x8xi1>, vector<512x8xi32>
    %reduce_min3A = arith.constant dense<2147483647> : vector<512xi32>
    %reduce_min3A_150 = vector.multi_reduction <minsi>, %select_n3A_149, %reduce_min3A [1] : vector<512x8xi32> to vector<512xi32>
    %broadcast_in_dim3A_151 = vector.shape_cast %reduce_min3A_150 : vector<512xi32> to vector<512x1xi32>
    %swap3A_152 = arith.constant 0 : index
    %swap3A_153 = arith.constant 0 : index
    %swap3A_154 = vector.load %arg18[%swap3A_152, %swap3A_153] : memref<512x1xi32, #tpu.memory_space<vmem>>, vector<512x1xi32>
    tpu.vector_store %arg18[%swap3A_152, %swap3A_153], %broadcast_in_dim3A_151 {strides = array<i32>} : memref<512x1xi32, #tpu.memory_space<vmem>>, vector<512x1xi32>,
    %broadcast_in_dim3A_155 = vector.shape_cast %reduce_max3A_145 : vector<512xf32> to vector<512x1xf32>
    %swap3A_156 = arith.constant 0 : index
    %swap3A_157 = arith.constant 0 : index
    %swap3A_158 = vector.load %arg19[%swap3A_156, %swap3A_157] : memref<512x1xf32, #tpu.memory_space<vmem>>, vector<512x1xf32>
    tpu.vector_store %arg19[%swap3A_156, %swap3A_157], %broadcast_in_dim3A_155 {strides = array<i32>} : memref<512x1xf32, #tpu.memory_space<vmem>>, vector<512x1xf32>,
    %broadcast_in_dim3A_159 = vector.shape_cast %reduce_min3A_150 : vector<512xi32> to vector<512x1xi32>
    %eq3A_160 = vector.broadcast %broadcast_in_dim3A_159 : vector<512x1xi32> to vector<512x8xi32>
    %eq3A_161 = arith.cmpi eq, %iota3A, %eq3A_160 : vector<512x8xi32>
    %jit3A_162 = arith.constant 0.000000e+00 : f32
    %broadcast_in_dim3A_163 = vector.broadcast %jit3A_162 : f32 to vector<512x8xf32>
    %select_n3A_164 = arith.select %eq3A_161, %logistic3A_112, %broadcast_in_dim3A_163 : vector<512x8xi1>, vector<512x8xf32>
    %reduce_sum3A_165 = arith.constant dense<0.000000e+00> : vector<512xf32>
    %reduce_sum3A_166 = vector.multi_reduction <add>, %select_n3A_164, %reduce_sum3A_165 [1] : vector<512x8xf32> to vector<512xf32>
    %add3A_167 = arith.constant 9.99999997E-7 : f32
    %add3A_168 = vector.broadcast %add3A_167 : f32 to vector<512xf32>
    %add3A_169 = arith.addf %reduce_sum3A_166, %add3A_168 : vector<512xf32>
    %div3A_170 = arith.divf %reduce_sum3A_166, %add3A_169 : vector<512xf32>
    %broadcast_in_dim3A_171 = vector.shape_cast %div3A_170 : vector<512xf32> to vector<512x1xf32>
    %mul3A_172 = vector.broadcast %broadcast_in_dim3A_171 : vector<512x1xf32> to vector<512x768xf32>
    %mul3A_173 = arith.mulf %add3A_101, %mul3A_172 : vector<512x768xf32>
    %swap3A_174 = arith.constant 0 : index
    %swap3A_175 = arith.constant 0 : index
    %swap3A_176 = vector.load %arg16[%swap3A_174, %swap3A_175] : memref<512x768xf32, #tpu.memory_space<vmem>>, vector<512x768xf32>
    tpu.vector_store %arg16[%swap3A_174, %swap3A_175], %mul3A_173 {strides = array<i32>} : memref<512x768xf32, #tpu.memory_space<vmem>>, vector<512x768xf32>,
    %mul3A_177 = vector.broadcast %broadcast_in_dim3A_171 : vector<512x1xf32> to vector<512x768xf32>
    %mul3A_178 = arith.mulf %tanh3A, %mul3A_177 : vector<512x768xf32>
    %swap3A_179 = arith.constant 0 : index
    %swap3A_180 = arith.constant 0 : index
    %swap3A_181 = vector.load %arg17[%swap3A_179, %swap3A_180] : memref<512x768xf32, #tpu.memory_space<vmem>>, vector<512x768xf32>
    tpu.vector_store %arg17[%swap3A_179, %swap3A_180], %mul3A_178 {strides = array<i32>} : memref<512x768xf32, #tpu.memory_space<vmem>>, vector<512x768xf32>,
    %get3A_182 = arith.constant 0 : index
    %get3A_183 = arith.constant 0 : index
    %get3A_184 = vector.load %arg11[%get3A_182, %get3A_183] : memref<768x384xf32, #tpu.memory_space<vmem>>, vector<768x384xf32>
    %dot_general3A_185 = arith.constant dense<0.000000e+00> : vector<512x384xf32>
    %dot_general3A_186 = tpu.matmul %tanh3A, %get3A_184, %dot_general3A_185 {dimension_numbers = #tpu.dot_dimension_numbers<[1], [0], [0], [1], [0, 0, 1, 1], [], []>, transpose_lhs_hint = false} : vector<512x768xf32>, vector<768x384xf32>, vector<512x384xf32> -> vector<512x384xf32>
    %tanh3A_187 = math.tanh %dot_general3A_186 : vector<512x384xf32>
    %get3A_188 = arith.constant 0 : index
    %get3A_189 = arith.constant 0 : index
    %get3A_190 = vector.load %arg12[%get3A_188, %get3A_189] : memref<384x768xf32, #tpu.memory_space<vmem>>, vector<384x768xf32>
    %dot_general3A_191 = arith.constant dense<0.000000e+00> : vector<512x768xf32>
    %dot_general3A_192 = tpu.matmul %tanh3A_187, %get3A_190, %dot_general3A_191 {dimension_numbers = #tpu.dot_dimension_numbers<[1], [0], [0], [1], [0, 0, 1, 1], [], []>, transpose_lhs_hint = false} : vector<512x384xf32>, vector<384x768xf32>, vector<512x768xf32> -> vector<512x768xf32>
    %sub3A_193 = arith.subf %dot_general3A_192, %add3A_101 : vector<512x768xf32>
    %integer_pow3A = arith.mulf %sub3A_193, %sub3A_193 : vector<512x768xf32>
    %reduce_sum3A_194 = vector.shape_cast %integer_pow3A : vector<512x768xf32> to vector<1x512x768xf32>
    %reduce_sum3A_195 = arith.constant dense<0.000000e+00> : vector<1xf32>
    %reduce_sum3A_196 = vector.multi_reduction <add>, %reduce_sum3A_194, %reduce_sum3A_195 [1, 2] : vector<1x512x768xf32> to vector<1xf32>
    %reduce_sum3A_197 = vector.shape_cast %reduce_sum3A_196 : vector<1xf32> to vector<1x1x1xf32>
    %reduce_sum3A_198 = vector.extract %reduce_sum3A_197[0, 0, 0] : f32 from vector<1x1x1xf32>
    %eq3A_199 = arith.constant 0 : i32
    %eq3A_200 = arith.cmpi eq, %arg0, %eq3A_199 : i32
    %convert_element_type3A = arith.extui %eq3A_200 : i1 to i32
    %cond3A = arith.constant 0 : i32
    %cond3A_201 = arith.cmpi ne, %convert_element_type3A, %cond3A : i32
    scf.if %cond3A_201 {
      %swap3A_207 = arith.constant 0 : index
      %swap3A_208 = arith.constant 0 : index
      %swap3A_209 = memref.load %arg20[%swap3A_207, %swap3A_208] : memref<1x1xf32, #tpu.memory_space<smem>>
      memref.store %reduce_sum3A_198, %arg20[%swap3A_207, %swap3A_208] : memref<1x1xf32, #tpu.memory_space<smem>>
    } else {
    }
    %ne3A_202 = arith.constant 0 : i32
    %ne3A_203 = arith.cmpi ne, %arg0, %ne3A_202 : i32
    %convert_element_type3A_204 = arith.extui %ne3A_203 : i1 to i32
    %cond3A_205 = arith.constant 0 : i32
    %cond3A_206 = arith.cmpi ne, %convert_element_type3A_204, %cond3A_205 : i32
    scf.if %cond3A_206 {
      %get3A_207 = arith.constant 0 : index
      %get3A_208 = arith.constant 0 : index
      %get3A_209 = memref.load %arg20[%get3A_207, %get3A_208] : memref<1x1xf32, #tpu.memory_space<smem>>
      %add3A_210 = arith.addf %get3A_209, %reduce_sum3A_198 : f32
      %swap3A_211 = arith.constant 0 : index
      %swap3A_212 = arith.constant 0 : index
      %swap3A_213 = memref.load %arg20[%swap3A_211, %swap3A_212] : memref<1x1xf32, #tpu.memory_space<smem>>
      memref.store %add3A_210, %arg20[%swap3A_211, %swap3A_212] : memref<1x1xf32, #tpu.memory_space<smem>>
    } else {
    }
    return
  }
  func.func @transform_0(%arg0: i32) -> (i32, i32) {
    %c0_i32 = arith.constant 0 : i32
    %c0_i32_0 = arith.constant 0 : i32
    return %arg0, %c0_i32 : i32, i32
  }
  func.func @transform_1(%arg0: i32) -> (i32, i32) {
    %c0_i32 = arith.constant 0 : i32
    %c0_i32_0 = arith.constant 0 : i32
    return %arg0, %c0_i32 : i32, i32
  }
  func.func @transform_2(%arg0: i32) -> (i32, i32) {
    %c0_i32 = arith.constant 0 : i32
    %c0_i32_0 = arith.constant 0 : i32
    %c0_i32_1 = arith.constant 0 : i32
    return %c0_i32, %c0_i32_0 : i32, i32
  }
  func.func @transform_3(%arg0: i32) -> (i32, i32) {
    %c0_i32 = arith.constant 0 : i32
    %c0_i32_0 = arith.constant 0 : i32
    %c0_i32_1 = arith.constant 0 : i32
    return %c0_i32, %c0_i32_0 : i32, i32
  }
  func.func @transform_4(%arg0: i32) -> (i32, i32) {
    %c0_i32 = arith.constant 0 : i32
    %c0_i32_0 = arith.constant 0 : i32
    %c0_i32_1 = arith.constant 0 : i32
    return %c0_i32, %c0_i32_0 : i32, i32
  }
  func.func @transform_5(%arg0: i32) -> (i32, i32) {
    %c0_i32 = arith.constant 0 : i32
    %c0_i32_0 = arith.constant 0 : i32
    %c0_i32_1 = arith.constant 0 : i32
    return %c0_i32, %c0_i32_0 : i32, i32
  }
  func.func @transform_6(%arg0: i32) -> (i32, i32) {
    %c0_i32 = arith.constant 0 : i32
    %c0_i32_0 = arith.constant 0 : i32
    %c0_i32_1 = arith.constant 0 : i32
    return %c0_i32, %c0_i32_0 : i32, i32
  }
  func.func @transform_7(%arg0: i32) -> (i32, i32) {
    %c0_i32 = arith.constant 0 : i32
    %c0_i32_0 = arith.constant 0 : i32
    %c0_i32_1 = arith.constant 0 : i32
    return %c0_i32, %c0_i32_0 : i32, i32
  }
  func.func @transform_8(%arg0: i32) -> (i32, i32) {
    %c0_i32 = arith.constant 0 : i32
    %c0_i32_0 = arith.constant 0 : i32
    %c0_i32_1 = arith.constant 0 : i32
    return %c0_i32, %c0_i32_0 : i32, i32
  }
  func.func @transform_9(%arg0: i32) -> (i32, i32) {
    %c0_i32 = arith.constant 0 : i32
    %c0_i32_0 = arith.constant 0 : i32
    %c0_i32_1 = arith.constant 0 : i32
    return %c0_i32, %c0_i32_0 : i32, i32
  }
  func.func @transform_10(%arg0: i32) -> (i32, i32) {
    %c0_i32 = arith.constant 0 : i32
    %c0_i32_0 = arith.constant 0 : i32
    %c0_i32_1 = arith.constant 0 : i32
    return %c0_i32, %c0_i32_0 : i32, i32
  }
  func.func @transform_11(%arg0: i32) -> (i32, i32) {
    %c0_i32 = arith.constant 0 : i32
    %c0_i32_0 = arith.constant 0 : i32
    %c0_i32_1 = arith.constant 0 : i32
    return %c0_i32, %c0_i32_0 : i32, i32
  }
  func.func @transform_12(%arg0: i32) -> (i32, i32) {
    %c0_i32 = arith.constant 0 : i32
    %c0_i32_0 = arith.constant 0 : i32
    %c0_i32_1 = arith.constant 0 : i32
    return %c0_i32, %c0_i32_0 : i32, i32
  }
  func.func @transform_13(%arg0: i32) -> (i32, i32) {
    %c0_i32 = arith.constant 0 : i32
    %c0_i32_0 = arith.constant 0 : i32
    %c0_i32_1 = arith.constant 0 : i32
    return %c0_i32, %c0_i32_0 : i32, i32
  }
  func.func @transform_14(%arg0: i32) -> (i32, i32) {
    %c0_i32 = arith.constant 0 : i32
    %c0_i32_0 = arith.constant 0 : i32
    return %arg0, %c0_i32 : i32, i32
  }
  func.func @transform_15(%arg0: i32) -> (i32, i32) {
    %c0_i32 = arith.constant 0 : i32
    %c0_i32_0 = arith.constant 0 : i32
    return %arg0, %c0_i32 : i32, i32
  }
  func.func @transform_16(%arg0: i32) -> (i32, i32) {
    %c0_i32 = arith.constant 0 : i32
    %c0_i32_0 = arith.constant 0 : i32
    return %arg0, %c0_i32 : i32, i32
  }
  func.func @transform_17(%arg0: i32) -> (i32, i32) {
    %c0_i32 = arith.constant 0 : i32
    %c0_i32_0 = arith.constant 0 : i32
    return %arg0, %c0_i32 : i32, i32
  }
  func.func @transform_18(%arg0: i32) -> (i32, i32) {
    %c0_i32 = arith.constant 0 : i32
    %c0_i32_0 = arith.constant 0 : i32
    return %arg0, %c0_i32 : i32, i32
  }
  func.func @transform_19(%arg0: i32) -> (i32, i32) {
    %c0_i32 = arith.constant 0 : i32
    %c0_i32_0 = arith.constant 0 : i32
    %c0_i32_1 = arith.constant 0 : i32
    return %c0_i32, %c0_i32_0 : i32, i32
  }
}

module attributes {stable_mosaic.version = 14 : i64} {
  func.func @_k2_body(%arg0: i32, %arg1: memref<32x128xi32, #tpu.memory_space<vmem>>, %arg2: memref<32x128xi32, #tpu.memory_space<vmem>>, %arg3: memref<16xi32, #tpu.memory_space<smem>>, %arg4: memref<24xi32, #tpu.memory_space<smem>>, %arg5: memref<24xi32, #tpu.memory_space<smem>>, %arg6: memref<24xi32, #tpu.memory_space<smem>>, %arg7: memref<24xi32, #tpu.memory_space<smem>>, %arg8: memref<24xi32, #tpu.memory_space<smem>>) attributes {dimension_semantics = [#tpu.dimension_semantics<arbitrary>], iteration_bounds = array<i64: 1>, scalar_prefetch = 0 : i64, scratch_operands = 0 : i64, tpu.core_type = #tpu.core_type<tc>, window_params = [{pipeline_mode = #tpu.pipeline_mode<synchronous>, transform_indices = @transform_0, window_bounds = array<i64: 32, 128>}, {pipeline_mode = #tpu.pipeline_mode<synchronous>, transform_indices = @transform_1, window_bounds = array<i64: 32, 128>}, {transform_indices = @transform_2, window_bounds = array<i64: 16>}, {transform_indices = @transform_3, window_bounds = array<i64: 24>}, {transform_indices = @transform_4, window_bounds = array<i64: 24>}, {transform_indices = @transform_5, window_bounds = array<i64: 24>}, {transform_indices = @transform_6, window_bounds = array<i64: 24>}, {transform_indices = @transform_7, window_bounds = array<i64: 24>}]} {
    %get3A = arith.constant 0 : index
    %get3A_0 = arith.constant 0 : index
    %get3A_1 = vector.load %arg1[%get3A, %get3A_0] : memref<32x128xi32, #tpu.memory_space<vmem>>, vector<32x128xi32>
    %iota3A = tpu.iota {dimensions = array<i32: 0>} : vector<128x128xi32>
    %iota3A_2 = tpu.iota {dimensions = array<i32: 1>} : vector<128x128xi32>
    %lt3A = arith.cmpi slt, %iota3A, %iota3A_2 : vector<128x128xi32>
    %convert_element_type3A = arith.extui %lt3A : vector<128x128xi1> to vector<128x128xi32>
    %convert_element_type3A_3 = arith.sitofp %convert_element_type3A : vector<128x128xi32> to vector<128x128xf32>
    %convert_element_type3A_4 = arith.truncf %convert_element_type3A_3 : vector<128x128xf32> to vector<128x128xbf16>
    %iota3A_5 = tpu.iota {dimensions = array<i32: 0>} : vector<32x32xi32>
    %iota3A_6 = tpu.iota {dimensions = array<i32: 1>} : vector<32x32xi32>
    %lt3A_7 = arith.cmpi slt, %iota3A_6, %iota3A_5 : vector<32x32xi32>
    %convert_element_type3A_8 = arith.extui %lt3A_7 : vector<32x32xi1> to vector<32x32xi32>
    %convert_element_type3A_9 = arith.sitofp %convert_element_type3A_8 : vector<32x32xi32> to vector<32x32xf32>
    %convert_element_type3A_10 = arith.truncf %convert_element_type3A_9 : vector<32x32xf32> to vector<32x32xbf16>
    %broadcast_in_dim3A = arith.constant 0.000000e+00 : f32
    %broadcast_in_dim3A_11 = vector.broadcast %broadcast_in_dim3A : f32 to vector<32x128xf32>
    %eq3A = arith.constant 0 : i32
    %eq3A_12 = vector.broadcast %eq3A : i32 to vector<32x128xi32>
    %eq3A_13 = arith.cmpi eq, %get3A_1, %eq3A_12 : vector<32x128xi32>
    %convert_element_type3A_14 = arith.extui %eq3A_13 : vector<32x128xi1> to vector<32x128xi32>
    %convert_element_type3A_15 = arith.sitofp %convert_element_type3A_14 : vector<32x128xi32> to vector<32x128xf32>
    %convert_element_type3A_16 = arith.truncf %convert_element_type3A_15 : vector<32x128xf32> to vector<32x128xbf16>
    %dot_general3A = arith.constant dense<0.000000e+00> : vector<32x128xf32>
    %dot_general3A_17 = tpu.matmul %convert_element_type3A_16, %convert_element_type3A_4, %dot_general3A {dimension_numbers = #tpu.dot_dimension_numbers<[1], [0], [0], [1], [0, 0, 1, 1], [], []>, transpose_lhs_hint = false} : vector<32x128xbf16>, vector<128x128xbf16>, vector<32x128xf32> -> vector<32x128xf32>
    %reduce_sum3A = arith.constant dense<0.000000e+00> : vector<32xf32>
    %reduce_sum3A_18 = vector.multi_reduction <add>, %convert_element_type3A_15, %reduce_sum3A [1] : vector<32x128xf32> to vector<32xf32>
    %broadcast_in_dim3A_19 = vector.shape_cast %reduce_sum3A_18 : vector<32xf32> to vector<32x1xf32>
    %convert_element_type3A_20 = arith.truncf %broadcast_in_dim3A_19 : vector<32x1xf32> to vector<32x1xbf16>
    %dot_general3A_21 = arith.constant dense<0.000000e+00> : vector<32x1xf32>
    %dot_general3A_22 = tpu.matmul %convert_element_type3A_10, %convert_element_type3A_20, %dot_general3A_21 {dimension_numbers = #tpu.dot_dimension_numbers<[1], [0], [0], [1], [0, 0, 1, 1], [], []>, transpose_lhs_hint = false} : vector<32x32xbf16>, vector<32x1xbf16>, vector<32x1xf32> -> vector<32x1xf32>
    %swap3A = arith.constant 0 : i32
    %swap3A_23 = arith.constant 0 : index
    %swap3A_24 = memref.load %arg3[%swap3A_23] : memref<16xi32, #tpu.memory_space<smem>>
    memref.store %swap3A, %arg3[%swap3A_23] : memref<16xi32, #tpu.memory_space<smem>>
    %add3A = arith.constant 0.000000e+00 : f32
    %add3A_25 = vector.broadcast %add3A : f32 to vector<32x1xf32>
    %add3A_26 = arith.addf %add3A_25, %dot_general3A_22 : vector<32x1xf32>
    %add3A_27 = vector.broadcast %add3A_26 : vector<32x1xf32> to vector<32x128xf32>
    %add3A_28 = arith.addf %add3A_27, %dot_general3A_17 : vector<32x128xf32>
    %mul3A = arith.mulf %convert_element_type3A_15, %add3A_28 : vector<32x128xf32>
    %add3A_29 = arith.addf %broadcast_in_dim3A_11, %mul3A : vector<32x128xf32>
    %reduce_sum3A_30 = vector.shape_cast %convert_element_type3A_15 : vector<32x128xf32> to vector<1x32x128xf32>
    %reduce_sum3A_31 = arith.constant dense<0.000000e+00> : vector<1xf32>
    %reduce_sum3A_32 = vector.multi_reduction <add>, %reduce_sum3A_30, %reduce_sum3A_31 [1, 2] : vector<1x32x128xf32> to vector<1xf32>
    %reduce_sum3A_33 = vector.shape_cast %reduce_sum3A_32 : vector<1xf32> to vector<1x1x1xf32>
    %reduce_sum3A_34 = vector.extract %reduce_sum3A_33[0, 0, 0] : f32 from vector<1x1x1xf32>
    %add3A_35 = arith.constant 0.000000e+00 : f32
    %add3A_36 = arith.addf %add3A_35, %reduce_sum3A_34 : f32
    %eq3A_37 = arith.constant 1 : i32
    %eq3A_38 = vector.broadcast %eq3A_37 : i32 to vector<32x128xi32>
    %eq3A_39 = arith.cmpi eq, %get3A_1, %eq3A_38 : vector<32x128xi32>
    %convert_element_type3A_40 = arith.extui %eq3A_39 : vector<32x128xi1> to vector<32x128xi32>
    %convert_element_type3A_41 = arith.sitofp %convert_element_type3A_40 : vector<32x128xi32> to vector<32x128xf32>
    %convert_element_type3A_42 = arith.truncf %convert_element_type3A_41 : vector<32x128xf32> to vector<32x128xbf16>
    %dot_general3A_43 = arith.constant dense<0.000000e+00> : vector<32x128xf32>
    %dot_general3A_44 = tpu.matmul %convert_element_type3A_42, %convert_element_type3A_4, %dot_general3A_43 {dimension_numbers = #tpu.dot_dimension_numbers<[1], [0], [0], [1], [0, 0, 1, 1], [], []>, transpose_lhs_hint = false} : vector<32x128xbf16>, vector<128x128xbf16>, vector<32x128xf32> -> vector<32x128xf32>
    %reduce_sum3A_45 = arith.constant dense<0.000000e+00> : vector<32xf32>
    %reduce_sum3A_46 = vector.multi_reduction <add>, %convert_element_type3A_41, %reduce_sum3A_45 [1] : vector<32x128xf32> to vector<32xf32>
    %broadcast_in_dim3A_47 = vector.shape_cast %reduce_sum3A_46 : vector<32xf32> to vector<32x1xf32>
    %convert_element_type3A_48 = arith.truncf %broadcast_in_dim3A_47 : vector<32x1xf32> to vector<32x1xbf16>
    %dot_general3A_49 = arith.constant dense<0.000000e+00> : vector<32x1xf32>
    %dot_general3A_50 = tpu.matmul %convert_element_type3A_10, %convert_element_type3A_48, %dot_general3A_49 {dimension_numbers = #tpu.dot_dimension_numbers<[1], [0], [0], [1], [0, 0, 1, 1], [], []>, transpose_lhs_hint = false} : vector<32x32xbf16>, vector<32x1xbf16>, vector<32x1xf32> -> vector<32x1xf32>
    %convert_element_type3A_51 = arith.fptosi %add3A_36 : f32 to i32
    %swap3A_52 = arith.constant 1 : index
    %swap3A_53 = memref.load %arg3[%swap3A_52] : memref<16xi32, #tpu.memory_space<smem>>
    memref.store %convert_element_type3A_51, %arg3[%swap3A_52] : memref<16xi32, #tpu.memory_space<smem>>
    %add3A_54 = vector.broadcast %add3A_36 : f32 to vector<32x1xf32>
    %add3A_55 = arith.addf %add3A_54, %dot_general3A_50 : vector<32x1xf32>
    %add3A_56 = vector.broadcast %add3A_55 : vector<32x1xf32> to vector<32x128xf32>
    %add3A_57 = arith.addf %add3A_56, %dot_general3A_44 : vector<32x128xf32>
    %mul3A_58 = arith.mulf %convert_element_type3A_41, %add3A_57 : vector<32x128xf32>
    %add3A_59 = arith.addf %add3A_29, %mul3A_58 : vector<32x128xf32>
    %reduce_sum3A_60 = vector.shape_cast %convert_element_type3A_41 : vector<32x128xf32> to vector<1x32x128xf32>
    %reduce_sum3A_61 = arith.constant dense<0.000000e+00> : vector<1xf32>
    %reduce_sum3A_62 = vector.multi_reduction <add>, %reduce_sum3A_60, %reduce_sum3A_61 [1, 2] : vector<1x32x128xf32> to vector<1xf32>
    %reduce_sum3A_63 = vector.shape_cast %reduce_sum3A_62 : vector<1xf32> to vector<1x1x1xf32>
    %reduce_sum3A_64 = vector.extract %reduce_sum3A_63[0, 0, 0] : f32 from vector<1x1x1xf32>
    %add3A_65 = arith.addf %add3A_36, %reduce_sum3A_64 : f32
    %eq3A_66 = arith.constant 2 : i32
    %eq3A_67 = vector.broadcast %eq3A_66 : i32 to vector<32x128xi32>
    %eq3A_68 = arith.cmpi eq, %get3A_1, %eq3A_67 : vector<32x128xi32>
    %convert_element_type3A_69 = arith.extui %eq3A_68 : vector<32x128xi1> to vector<32x128xi32>
    %convert_element_type3A_70 = arith.sitofp %convert_element_type3A_69 : vector<32x128xi32> to vector<32x128xf32>
    %convert_element_type3A_71 = arith.truncf %convert_element_type3A_70 : vector<32x128xf32> to vector<32x128xbf16>
    %dot_general3A_72 = arith.constant dense<0.000000e+00> : vector<32x128xf32>
    %dot_general3A_73 = tpu.matmul %convert_element_type3A_71, %convert_element_type3A_4, %dot_general3A_72 {dimension_numbers = #tpu.dot_dimension_numbers<[1], [0], [0], [1], [0, 0, 1, 1], [], []>, transpose_lhs_hint = false} : vector<32x128xbf16>, vector<128x128xbf16>, vector<32x128xf32> -> vector<32x128xf32>
    %reduce_sum3A_74 = arith.constant dense<0.000000e+00> : vector<32xf32>
    %reduce_sum3A_75 = vector.multi_reduction <add>, %convert_element_type3A_70, %reduce_sum3A_74 [1] : vector<32x128xf32> to vector<32xf32>
    %broadcast_in_dim3A_76 = vector.shape_cast %reduce_sum3A_75 : vector<32xf32> to vector<32x1xf32>
    %convert_element_type3A_77 = arith.truncf %broadcast_in_dim3A_76 : vector<32x1xf32> to vector<32x1xbf16>
    %dot_general3A_78 = arith.constant dense<0.000000e+00> : vector<32x1xf32>
    %dot_general3A_79 = tpu.matmul %convert_element_type3A_10, %convert_element_type3A_77, %dot_general3A_78 {dimension_numbers = #tpu.dot_dimension_numbers<[1], [0], [0], [1], [0, 0, 1, 1], [], []>, transpose_lhs_hint = false} : vector<32x32xbf16>, vector<32x1xbf16>, vector<32x1xf32> -> vector<32x1xf32>
    %convert_element_type3A_80 = arith.fptosi %add3A_65 : f32 to i32
    %swap3A_81 = arith.constant 2 : index
    %swap3A_82 = memref.load %arg3[%swap3A_81] : memref<16xi32, #tpu.memory_space<smem>>
    memref.store %convert_element_type3A_80, %arg3[%swap3A_81] : memref<16xi32, #tpu.memory_space<smem>>
    %add3A_83 = vector.broadcast %add3A_65 : f32 to vector<32x1xf32>
    %add3A_84 = arith.addf %add3A_83, %dot_general3A_79 : vector<32x1xf32>
    %add3A_85 = vector.broadcast %add3A_84 : vector<32x1xf32> to vector<32x128xf32>
    %add3A_86 = arith.addf %add3A_85, %dot_general3A_73 : vector<32x128xf32>
    %mul3A_87 = arith.mulf %convert_element_type3A_70, %add3A_86 : vector<32x128xf32>
    %add3A_88 = arith.addf %add3A_59, %mul3A_87 : vector<32x128xf32>
    %reduce_sum3A_89 = vector.shape_cast %convert_element_type3A_70 : vector<32x128xf32> to vector<1x32x128xf32>
    %reduce_sum3A_90 = arith.constant dense<0.000000e+00> : vector<1xf32>
    %reduce_sum3A_91 = vector.multi_reduction <add>, %reduce_sum3A_89, %reduce_sum3A_90 [1, 2] : vector<1x32x128xf32> to vector<1xf32>
    %reduce_sum3A_92 = vector.shape_cast %reduce_sum3A_91 : vector<1xf32> to vector<1x1x1xf32>
    %reduce_sum3A_93 = vector.extract %reduce_sum3A_92[0, 0, 0] : f32 from vector<1x1x1xf32>
    %add3A_94 = arith.addf %add3A_65, %reduce_sum3A_93 : f32
    %eq3A_95 = arith.constant 3 : i32
    %eq3A_96 = vector.broadcast %eq3A_95 : i32 to vector<32x128xi32>
    %eq3A_97 = arith.cmpi eq, %get3A_1, %eq3A_96 : vector<32x128xi32>
    %convert_element_type3A_98 = arith.extui %eq3A_97 : vector<32x128xi1> to vector<32x128xi32>
    %convert_element_type3A_99 = arith.sitofp %convert_element_type3A_98 : vector<32x128xi32> to vector<32x128xf32>
    %convert_element_type3A_100 = arith.truncf %convert_element_type3A_99 : vector<32x128xf32> to vector<32x128xbf16>
    %dot_general3A_101 = arith.constant dense<0.000000e+00> : vector<32x128xf32>
    %dot_general3A_102 = tpu.matmul %convert_element_type3A_100, %convert_element_type3A_4, %dot_general3A_101 {dimension_numbers = #tpu.dot_dimension_numbers<[1], [0], [0], [1], [0, 0, 1, 1], [], []>, transpose_lhs_hint = false} : vector<32x128xbf16>, vector<128x128xbf16>, vector<32x128xf32> -> vector<32x128xf32>
    %reduce_sum3A_103 = arith.constant dense<0.000000e+00> : vector<32xf32>
    %reduce_sum3A_104 = vector.multi_reduction <add>, %convert_element_type3A_99, %reduce_sum3A_103 [1] : vector<32x128xf32> to vector<32xf32>
    %broadcast_in_dim3A_105 = vector.shape_cast %reduce_sum3A_104 : vector<32xf32> to vector<32x1xf32>
    %convert_element_type3A_106 = arith.truncf %broadcast_in_dim3A_105 : vector<32x1xf32> to vector<32x1xbf16>
    %dot_general3A_107 = arith.constant dense<0.000000e+00> : vector<32x1xf32>
    %dot_general3A_108 = tpu.matmul %convert_element_type3A_10, %convert_element_type3A_106, %dot_general3A_107 {dimension_numbers = #tpu.dot_dimension_numbers<[1], [0], [0], [1], [0, 0, 1, 1], [], []>, transpose_lhs_hint = false} : vector<32x32xbf16>, vector<32x1xbf16>, vector<32x1xf32> -> vector<32x1xf32>
    %convert_element_type3A_109 = arith.fptosi %add3A_94 : f32 to i32
    %swap3A_110 = arith.constant 3 : index
    %swap3A_111 = memref.load %arg3[%swap3A_110] : memref<16xi32, #tpu.memory_space<smem>>
    memref.store %convert_element_type3A_109, %arg3[%swap3A_110] : memref<16xi32, #tpu.memory_space<smem>>
    %add3A_112 = vector.broadcast %add3A_94 : f32 to vector<32x1xf32>
    %add3A_113 = arith.addf %add3A_112, %dot_general3A_108 : vector<32x1xf32>
    %add3A_114 = vector.broadcast %add3A_113 : vector<32x1xf32> to vector<32x128xf32>
    %add3A_115 = arith.addf %add3A_114, %dot_general3A_102 : vector<32x128xf32>
    %mul3A_116 = arith.mulf %convert_element_type3A_99, %add3A_115 : vector<32x128xf32>
    %add3A_117 = arith.addf %add3A_88, %mul3A_116 : vector<32x128xf32>
    %reduce_sum3A_118 = vector.shape_cast %convert_element_type3A_99 : vector<32x128xf32> to vector<1x32x128xf32>
    %reduce_sum3A_119 = arith.constant dense<0.000000e+00> : vector<1xf32>
    %reduce_sum3A_120 = vector.multi_reduction <add>, %reduce_sum3A_118, %reduce_sum3A_119 [1, 2] : vector<1x32x128xf32> to vector<1xf32>
    %reduce_sum3A_121 = vector.shape_cast %reduce_sum3A_120 : vector<1xf32> to vector<1x1x1xf32>
    %reduce_sum3A_122 = vector.extract %reduce_sum3A_121[0, 0, 0] : f32 from vector<1x1x1xf32>
    %add3A_123 = arith.addf %add3A_94, %reduce_sum3A_122 : f32
    %eq3A_124 = arith.constant 4 : i32
    %eq3A_125 = vector.broadcast %eq3A_124 : i32 to vector<32x128xi32>
    %eq3A_126 = arith.cmpi eq, %get3A_1, %eq3A_125 : vector<32x128xi32>
    %convert_element_type3A_127 = arith.extui %eq3A_126 : vector<32x128xi1> to vector<32x128xi32>
    %convert_element_type3A_128 = arith.sitofp %convert_element_type3A_127 : vector<32x128xi32> to vector<32x128xf32>
    %convert_element_type3A_129 = arith.truncf %convert_element_type3A_128 : vector<32x128xf32> to vector<32x128xbf16>
    %dot_general3A_130 = arith.constant dense<0.000000e+00> : vector<32x128xf32>
    %dot_general3A_131 = tpu.matmul %convert_element_type3A_129, %convert_element_type3A_4, %dot_general3A_130 {dimension_numbers = #tpu.dot_dimension_numbers<[1], [0], [0], [1], [0, 0, 1, 1], [], []>, transpose_lhs_hint = false} : vector<32x128xbf16>, vector<128x128xbf16>, vector<32x128xf32> -> vector<32x128xf32>
    %reduce_sum3A_132 = arith.constant dense<0.000000e+00> : vector<32xf32>
    %reduce_sum3A_133 = vector.multi_reduction <add>, %convert_element_type3A_128, %reduce_sum3A_132 [1] : vector<32x128xf32> to vector<32xf32>
    %broadcast_in_dim3A_134 = vector.shape_cast %reduce_sum3A_133 : vector<32xf32> to vector<32x1xf32>
    %convert_element_type3A_135 = arith.truncf %broadcast_in_dim3A_134 : vector<32x1xf32> to vector<32x1xbf16>
    %dot_general3A_136 = arith.constant dense<0.000000e+00> : vector<32x1xf32>
    %dot_general3A_137 = tpu.matmul %convert_element_type3A_10, %convert_element_type3A_135, %dot_general3A_136 {dimension_numbers = #tpu.dot_dimension_numbers<[1], [0], [0], [1], [0, 0, 1, 1], [], []>, transpose_lhs_hint = false} : vector<32x32xbf16>, vector<32x1xbf16>, vector<32x1xf32> -> vector<32x1xf32>
    %convert_element_type3A_138 = arith.fptosi %add3A_123 : f32 to i32
    %swap3A_139 = arith.constant 4 : index
    %swap3A_140 = memref.load %arg3[%swap3A_139] : memref<16xi32, #tpu.memory_space<smem>>
    memref.store %convert_element_type3A_138, %arg3[%swap3A_139] : memref<16xi32, #tpu.memory_space<smem>>
    %add3A_141 = vector.broadcast %add3A_123 : f32 to vector<32x1xf32>
    %add3A_142 = arith.addf %add3A_141, %dot_general3A_137 : vector<32x1xf32>
    %add3A_143 = vector.broadcast %add3A_142 : vector<32x1xf32> to vector<32x128xf32>
    %add3A_144 = arith.addf %add3A_143, %dot_general3A_131 : vector<32x128xf32>
    %mul3A_145 = arith.mulf %convert_element_type3A_128, %add3A_144 : vector<32x128xf32>
    %add3A_146 = arith.addf %add3A_117, %mul3A_145 : vector<32x128xf32>
    %reduce_sum3A_147 = vector.shape_cast %convert_element_type3A_128 : vector<32x128xf32> to vector<1x32x128xf32>
    %reduce_sum3A_148 = arith.constant dense<0.000000e+00> : vector<1xf32>
    %reduce_sum3A_149 = vector.multi_reduction <add>, %reduce_sum3A_147, %reduce_sum3A_148 [1, 2] : vector<1x32x128xf32> to vector<1xf32>
    %reduce_sum3A_150 = vector.shape_cast %reduce_sum3A_149 : vector<1xf32> to vector<1x1x1xf32>
    %reduce_sum3A_151 = vector.extract %reduce_sum3A_150[0, 0, 0] : f32 from vector<1x1x1xf32>
    %add3A_152 = arith.addf %add3A_123, %reduce_sum3A_151 : f32
    %eq3A_153 = arith.constant 5 : i32
    %eq3A_154 = vector.broadcast %eq3A_153 : i32 to vector<32x128xi32>
    %eq3A_155 = arith.cmpi eq, %get3A_1, %eq3A_154 : vector<32x128xi32>
    %convert_element_type3A_156 = arith.extui %eq3A_155 : vector<32x128xi1> to vector<32x128xi32>
    %convert_element_type3A_157 = arith.sitofp %convert_element_type3A_156 : vector<32x128xi32> to vector<32x128xf32>
    %convert_element_type3A_158 = arith.truncf %convert_element_type3A_157 : vector<32x128xf32> to vector<32x128xbf16>
    %dot_general3A_159 = arith.constant dense<0.000000e+00> : vector<32x128xf32>
    %dot_general3A_160 = tpu.matmul %convert_element_type3A_158, %convert_element_type3A_4, %dot_general3A_159 {dimension_numbers = #tpu.dot_dimension_numbers<[1], [0], [0], [1], [0, 0, 1, 1], [], []>, transpose_lhs_hint = false} : vector<32x128xbf16>, vector<128x128xbf16>, vector<32x128xf32> -> vector<32x128xf32>
    %reduce_sum3A_161 = arith.constant dense<0.000000e+00> : vector<32xf32>
    %reduce_sum3A_162 = vector.multi_reduction <add>, %convert_element_type3A_157, %reduce_sum3A_161 [1] : vector<32x128xf32> to vector<32xf32>
    %broadcast_in_dim3A_163 = vector.shape_cast %reduce_sum3A_162 : vector<32xf32> to vector<32x1xf32>
    %convert_element_type3A_164 = arith.truncf %broadcast_in_dim3A_163 : vector<32x1xf32> to vector<32x1xbf16>
    %dot_general3A_165 = arith.constant dense<0.000000e+00> : vector<32x1xf32>
    %dot_general3A_166 = tpu.matmul %convert_element_type3A_10, %convert_element_type3A_164, %dot_general3A_165 {dimension_numbers = #tpu.dot_dimension_numbers<[1], [0], [0], [1], [0, 0, 1, 1], [], []>, transpose_lhs_hint = false} : vector<32x32xbf16>, vector<32x1xbf16>, vector<32x1xf32> -> vector<32x1xf32>
    %convert_element_type3A_167 = arith.fptosi %add3A_152 : f32 to i32
    %swap3A_168 = arith.constant 5 : index
    %swap3A_169 = memref.load %arg3[%swap3A_168] : memref<16xi32, #tpu.memory_space<smem>>
    memref.store %convert_element_type3A_167, %arg3[%swap3A_168] : memref<16xi32, #tpu.memory_space<smem>>
    %add3A_170 = vector.broadcast %add3A_152 : f32 to vector<32x1xf32>
    %add3A_171 = arith.addf %add3A_170, %dot_general3A_166 : vector<32x1xf32>
    %add3A_172 = vector.broadcast %add3A_171 : vector<32x1xf32> to vector<32x128xf32>
    %add3A_173 = arith.addf %add3A_172, %dot_general3A_160 : vector<32x128xf32>
    %mul3A_174 = arith.mulf %convert_element_type3A_157, %add3A_173 : vector<32x128xf32>
    %add3A_175 = arith.addf %add3A_146, %mul3A_174 : vector<32x128xf32>
    %reduce_sum3A_176 = vector.shape_cast %convert_element_type3A_157 : vector<32x128xf32> to vector<1x32x128xf32>
    %reduce_sum3A_177 = arith.constant dense<0.000000e+00> : vector<1xf32>
    %reduce_sum3A_178 = vector.multi_reduction <add>, %reduce_sum3A_176, %reduce_sum3A_177 [1, 2] : vector<1x32x128xf32> to vector<1xf32>
    %reduce_sum3A_179 = vector.shape_cast %reduce_sum3A_178 : vector<1xf32> to vector<1x1x1xf32>
    %reduce_sum3A_180 = vector.extract %reduce_sum3A_179[0, 0, 0] : f32 from vector<1x1x1xf32>
    %add3A_181 = arith.addf %add3A_152, %reduce_sum3A_180 : f32
    %eq3A_182 = arith.constant 6 : i32
    %eq3A_183 = vector.broadcast %eq3A_182 : i32 to vector<32x128xi32>
    %eq3A_184 = arith.cmpi eq, %get3A_1, %eq3A_183 : vector<32x128xi32>
    %convert_element_type3A_185 = arith.extui %eq3A_184 : vector<32x128xi1> to vector<32x128xi32>
    %convert_element_type3A_186 = arith.sitofp %convert_element_type3A_185 : vector<32x128xi32> to vector<32x128xf32>
    %convert_element_type3A_187 = arith.truncf %convert_element_type3A_186 : vector<32x128xf32> to vector<32x128xbf16>
    %dot_general3A_188 = arith.constant dense<0.000000e+00> : vector<32x128xf32>
    %dot_general3A_189 = tpu.matmul %convert_element_type3A_187, %convert_element_type3A_4, %dot_general3A_188 {dimension_numbers = #tpu.dot_dimension_numbers<[1], [0], [0], [1], [0, 0, 1, 1], [], []>, transpose_lhs_hint = false} : vector<32x128xbf16>, vector<128x128xbf16>, vector<32x128xf32> -> vector<32x128xf32>
    %reduce_sum3A_190 = arith.constant dense<0.000000e+00> : vector<32xf32>
    %reduce_sum3A_191 = vector.multi_reduction <add>, %convert_element_type3A_186, %reduce_sum3A_190 [1] : vector<32x128xf32> to vector<32xf32>
    %broadcast_in_dim3A_192 = vector.shape_cast %reduce_sum3A_191 : vector<32xf32> to vector<32x1xf32>
    %convert_element_type3A_193 = arith.truncf %broadcast_in_dim3A_192 : vector<32x1xf32> to vector<32x1xbf16>
    %dot_general3A_194 = arith.constant dense<0.000000e+00> : vector<32x1xf32>
    %dot_general3A_195 = tpu.matmul %convert_element_type3A_10, %convert_element_type3A_193, %dot_general3A_194 {dimension_numbers = #tpu.dot_dimension_numbers<[1], [0], [0], [1], [0, 0, 1, 1], [], []>, transpose_lhs_hint = false} : vector<32x32xbf16>, vector<32x1xbf16>, vector<32x1xf32> -> vector<32x1xf32>
    %convert_element_type3A_196 = arith.fptosi %add3A_181 : f32 to i32
    %swap3A_197 = arith.constant 6 : index
    %swap3A_198 = memref.load %arg3[%swap3A_197] : memref<16xi32, #tpu.memory_space<smem>>
    memref.store %convert_element_type3A_196, %arg3[%swap3A_197] : memref<16xi32, #tpu.memory_space<smem>>
    %add3A_199 = vector.broadcast %add3A_181 : f32 to vector<32x1xf32>
    %add3A_200 = arith.addf %add3A_199, %dot_general3A_195 : vector<32x1xf32>
    %add3A_201 = vector.broadcast %add3A_200 : vector<32x1xf32> to vector<32x128xf32>
    %add3A_202 = arith.addf %add3A_201, %dot_general3A_189 : vector<32x128xf32>
    %mul3A_203 = arith.mulf %convert_element_type3A_186, %add3A_202 : vector<32x128xf32>
    %add3A_204 = arith.addf %add3A_175, %mul3A_203 : vector<32x128xf32>
    %reduce_sum3A_205 = vector.shape_cast %convert_element_type3A_186 : vector<32x128xf32> to vector<1x32x128xf32>
    %reduce_sum3A_206 = arith.constant dense<0.000000e+00> : vector<1xf32>
    %reduce_sum3A_207 = vector.multi_reduction <add>, %reduce_sum3A_205, %reduce_sum3A_206 [1, 2] : vector<1x32x128xf32> to vector<1xf32>
    %reduce_sum3A_208 = vector.shape_cast %reduce_sum3A_207 : vector<1xf32> to vector<1x1x1xf32>
    %reduce_sum3A_209 = vector.extract %reduce_sum3A_208[0, 0, 0] : f32 from vector<1x1x1xf32>
    %add3A_210 = arith.addf %add3A_181, %reduce_sum3A_209 : f32
    %eq3A_211 = arith.constant 7 : i32
    %eq3A_212 = vector.broadcast %eq3A_211 : i32 to vector<32x128xi32>
    %eq3A_213 = arith.cmpi eq, %get3A_1, %eq3A_212 : vector<32x128xi32>
    %convert_element_type3A_214 = arith.extui %eq3A_213 : vector<32x128xi1> to vector<32x128xi32>
    %convert_element_type3A_215 = arith.sitofp %convert_element_type3A_214 : vector<32x128xi32> to vector<32x128xf32>
    %convert_element_type3A_216 = arith.truncf %convert_element_type3A_215 : vector<32x128xf32> to vector<32x128xbf16>
    %dot_general3A_217 = arith.constant dense<0.000000e+00> : vector<32x128xf32>
    %dot_general3A_218 = tpu.matmul %convert_element_type3A_216, %convert_element_type3A_4, %dot_general3A_217 {dimension_numbers = #tpu.dot_dimension_numbers<[1], [0], [0], [1], [0, 0, 1, 1], [], []>, transpose_lhs_hint = false} : vector<32x128xbf16>, vector<128x128xbf16>, vector<32x128xf32> -> vector<32x128xf32>
    %reduce_sum3A_219 = arith.constant dense<0.000000e+00> : vector<32xf32>
    %reduce_sum3A_220 = vector.multi_reduction <add>, %convert_element_type3A_215, %reduce_sum3A_219 [1] : vector<32x128xf32> to vector<32xf32>
    %broadcast_in_dim3A_221 = vector.shape_cast %reduce_sum3A_220 : vector<32xf32> to vector<32x1xf32>
    %convert_element_type3A_222 = arith.truncf %broadcast_in_dim3A_221 : vector<32x1xf32> to vector<32x1xbf16>
    %dot_general3A_223 = arith.constant dense<0.000000e+00> : vector<32x1xf32>
    %dot_general3A_224 = tpu.matmul %convert_element_type3A_10, %convert_element_type3A_222, %dot_general3A_223 {dimension_numbers = #tpu.dot_dimension_numbers<[1], [0], [0], [1], [0, 0, 1, 1], [], []>, transpose_lhs_hint = false} : vector<32x32xbf16>, vector<32x1xbf16>, vector<32x1xf32> -> vector<32x1xf32>
    %convert_element_type3A_225 = arith.fptosi %add3A_210 : f32 to i32
    %swap3A_226 = arith.constant 7 : index
    %swap3A_227 = memref.load %arg3[%swap3A_226] : memref<16xi32, #tpu.memory_space<smem>>
    memref.store %convert_element_type3A_225, %arg3[%swap3A_226] : memref<16xi32, #tpu.memory_space<smem>>
    %add3A_228 = vector.broadcast %add3A_210 : f32 to vector<32x1xf32>
    %add3A_229 = arith.addf %add3A_228, %dot_general3A_224 : vector<32x1xf32>
    %add3A_230 = vector.broadcast %add3A_229 : vector<32x1xf32> to vector<32x128xf32>
    %add3A_231 = arith.addf %add3A_230, %dot_general3A_218 : vector<32x128xf32>
    %mul3A_232 = arith.mulf %convert_element_type3A_215, %add3A_231 : vector<32x128xf32>
    %add3A_233 = arith.addf %add3A_204, %mul3A_232 : vector<32x128xf32>
    %swap3A_234 = arith.constant 4096 : i32
    %swap3A_235 = arith.constant 8 : index
    %swap3A_236 = memref.load %arg3[%swap3A_235] : memref<16xi32, #tpu.memory_space<smem>>
    memref.store %swap3A_234, %arg3[%swap3A_235] : memref<16xi32, #tpu.memory_space<smem>>
    %swap3A_237 = arith.constant 4096 : i32
    %swap3A_238 = arith.constant 9 : index
    %swap3A_239 = memref.load %arg3[%swap3A_238] : memref<16xi32, #tpu.memory_space<smem>>
    memref.store %swap3A_237, %arg3[%swap3A_238] : memref<16xi32, #tpu.memory_space<smem>>
    %swap3A_240 = arith.constant 4096 : i32
    %swap3A_241 = arith.constant 10 : index
    %swap3A_242 = memref.load %arg3[%swap3A_241] : memref<16xi32, #tpu.memory_space<smem>>
    memref.store %swap3A_240, %arg3[%swap3A_241] : memref<16xi32, #tpu.memory_space<smem>>
    %swap3A_243 = arith.constant 4096 : i32
    %swap3A_244 = arith.constant 11 : index
    %swap3A_245 = memref.load %arg3[%swap3A_244] : memref<16xi32, #tpu.memory_space<smem>>
    memref.store %swap3A_243, %arg3[%swap3A_244] : memref<16xi32, #tpu.memory_space<smem>>
    %swap3A_246 = arith.constant 4096 : i32
    %swap3A_247 = arith.constant 12 : index
    %swap3A_248 = memref.load %arg3[%swap3A_247] : memref<16xi32, #tpu.memory_space<smem>>
    memref.store %swap3A_246, %arg3[%swap3A_247] : memref<16xi32, #tpu.memory_space<smem>>
    %swap3A_249 = arith.constant 4096 : i32
    %swap3A_250 = arith.constant 13 : index
    %swap3A_251 = memref.load %arg3[%swap3A_250] : memref<16xi32, #tpu.memory_space<smem>>
    memref.store %swap3A_249, %arg3[%swap3A_250] : memref<16xi32, #tpu.memory_space<smem>>
    %swap3A_252 = arith.constant 4096 : i32
    %swap3A_253 = arith.constant 14 : index
    %swap3A_254 = memref.load %arg3[%swap3A_253] : memref<16xi32, #tpu.memory_space<smem>>
    memref.store %swap3A_252, %arg3[%swap3A_253] : memref<16xi32, #tpu.memory_space<smem>>
    %swap3A_255 = arith.constant 4096 : i32
    %swap3A_256 = arith.constant 15 : index
    %swap3A_257 = memref.load %arg3[%swap3A_256] : memref<16xi32, #tpu.memory_space<smem>>
    memref.store %swap3A_255, %arg3[%swap3A_256] : memref<16xi32, #tpu.memory_space<smem>>
    %convert_element_type3A_258 = arith.fptosi %add3A_233 : vector<32x128xf32> to vector<32x128xi32>
    %swap3A_259 = arith.constant 0 : index
    %swap3A_260 = arith.constant 0 : index
    %swap3A_261 = vector.load %arg2[%swap3A_259, %swap3A_260] : memref<32x128xi32, #tpu.memory_space<vmem>>, vector<32x128xi32>
    tpu.vector_store %arg2[%swap3A_259, %swap3A_260], %convert_element_type3A_258 {strides = array<i32>} : memref<32x128xi32, #tpu.memory_space<vmem>>, vector<32x128xi32>,
    %scan3A = arith.constant 0 : i32
    %scan3A_262 = arith.constant -1 : i32
    %scan3A_263 = arith.constant 0 : i32
    %scan3A_264 = arith.constant 128 : i32
    %scan3A_265 = arith.addi %scan3A_263, %scan3A_264 : i32
    %scan3A_266 = arith.constant 1 : i32
    %scan3A_267:2 = scf.for %scan3A_278 = %scan3A_263 to %scan3A_265 step %scan3A_266 iter_args(%scan3A_279 = %scan3A, %scan3A_280 = %scan3A_262) -> (i32, i32)  : i32 {
      %jit3A = arith.constant 8 : i32
      %div3A = arith.divsi %scan3A_278, %jit3A : i32
      %sign3A = arith.constant 0 : i32
      %sign3A_281 = arith.cmpi sgt, %scan3A_278, %sign3A : i32
      %sign3A_282 = arith.extui %sign3A_281 : i1 to i32
      %sign3A_283 = arith.constant 0 : i32
      %sign3A_284 = arith.cmpi slt, %scan3A_278, %sign3A_283 : i32
      %sign3A_285 = arith.extui %sign3A_284 : i1 to i32
      %sign3A_286 = arith.subi %sign3A_282, %sign3A_285 : i32
      %sign3A_287 = arith.constant 0 : i32
      %sign3A_288 = arith.cmpi sgt, %jit3A, %sign3A_287 : i32
      %sign3A_289 = arith.extui %sign3A_288 : i1 to i32
      %sign3A_290 = arith.constant 0 : i32
      %sign3A_291 = arith.cmpi slt, %jit3A, %sign3A_290 : i32
      %sign3A_292 = arith.extui %sign3A_291 : i1 to i32
      %sign3A_293 = arith.subi %sign3A_289, %sign3A_292 : i32
      %ne3A = arith.cmpi ne, %sign3A_286, %sign3A_293 : i32
      %rem3A = arith.remsi %scan3A_278, %jit3A : i32
      %ne3A_294 = arith.constant 0 : i32
      %ne3A_295 = arith.cmpi ne, %rem3A, %ne3A_294 : i32
      %and3A = arith.andi %ne3A, %ne3A_295 : i1
      %sub3A = arith.constant 1 : i32
      %sub3A_296 = arith.subi %div3A, %sub3A : i32
      %select_n3A = arith.select %and3A, %sub3A_296, %div3A : i32
      %mul3A_297 = arith.constant 8 : i32
      %mul3A_298 = arith.muli %select_n3A, %mul3A_297 : i32
      %sub3A_299 = arith.subi %scan3A_278, %mul3A_298 : i32
      %get3A_300 = arith.index_cast %sub3A_299 : i32 to index
      %get3A_301 = memref.load %arg3[%get3A_300] : memref<16xi32, #tpu.memory_space<smem>>
      %add3A_302 = arith.constant 1 : i32
      %add3A_303 = arith.addi %sub3A_299, %add3A_302 : i32
      %get3A_304 = arith.index_cast %add3A_303 : i32 to index
      %get3A_305 = memref.load %arg3[%get3A_304] : memref<16xi32, #tpu.memory_space<smem>>
      %add3A_306 = arith.constant 1 : i32
      %add3A_307 = arith.addi %select_n3A, %add3A_306 : i32
      %mul3A_308 = arith.constant 256 : i32
      %mul3A_309 = arith.muli %add3A_307, %mul3A_308 : i32
      %lt3A_310 = arith.cmpi slt, %get3A_301, %mul3A_309 : i32
      %mul3A_311 = arith.constant 256 : i32
      %mul3A_312 = arith.muli %select_n3A, %mul3A_311 : i32
      %gt3A = arith.cmpi sgt, %get3A_305, %mul3A_312 : i32
      %and3A_313 = arith.andi %lt3A_310, %gt3A : i1
      %convert_element_type3A_314 = arith.extui %and3A_313 : i1 to i32
      %cond3A = arith.constant 0 : i32
      %cond3A_315 = arith.cmpi ne, %convert_element_type3A_314, %cond3A : i32
      scf.if %cond3A_315 {
        %swap3A_319 = arith.index_cast %scan3A_279 : i32 to index
        %swap3A_320 = memref.load %arg4[%swap3A_319] : memref<24xi32, #tpu.memory_space<smem>>
        memref.store %select_n3A, %arg4[%swap3A_319] : memref<24xi32, #tpu.memory_space<smem>>
        %swap3A_321 = arith.index_cast %scan3A_279 : i32 to index
        %swap3A_322 = memref.load %arg8[%swap3A_321] : memref<24xi32, #tpu.memory_space<smem>>
        memref.store %sub3A_299, %arg8[%swap3A_321] : memref<24xi32, #tpu.memory_space<smem>>
        %swap3A_323 = arith.index_cast %scan3A_279 : i32 to index
        %swap3A_324 = memref.load %arg5[%swap3A_323] : memref<24xi32, #tpu.memory_space<smem>>
        memref.store %sub3A_299, %arg5[%swap3A_323] : memref<24xi32, #tpu.memory_space<smem>>
        %sub3A_325 = arith.constant 6 : i32
        %sub3A_326 = arith.subi %sub3A_299, %sub3A_325 : i32
        %jit3A_327 = arith.constant 0 : i32
        %jit3A_328 = arith.constant 1 : i32
        %max3A = arith.maxsi %jit3A_327, %sub3A_326 : i32
        %min3A = arith.minsi %jit3A_328, %max3A : i32
        %swap3A_329 = arith.index_cast %scan3A_279 : i32 to index
        %swap3A_330 = memref.load %arg6[%swap3A_329] : memref<24xi32, #tpu.memory_space<smem>>
        memref.store %min3A, %arg6[%swap3A_329] : memref<24xi32, #tpu.memory_space<smem>>
        %ne3A_331 = arith.cmpi ne, %select_n3A, %scan3A_280 : i32
        %jit3A_332 = arith.constant 1 : i32
        %jit3A_333 = arith.constant 0 : i32
        %select_n3A_334 = arith.select %ne3A_331, %jit3A_332, %jit3A_333 : i32
        %swap3A_335 = arith.index_cast %scan3A_279 : i32 to index
        %swap3A_336 = memref.load %arg7[%swap3A_335] : memref<24xi32, #tpu.memory_space<smem>>
        memref.store %select_n3A_334, %arg7[%swap3A_335] : memref<24xi32, #tpu.memory_space<smem>>
      } else {
      }
      %convert_element_type3A_316 = arith.extui %and3A_313 : i1 to i32
      %add3A_317 = arith.addi %scan3A_279, %convert_element_type3A_316 : i32
      %select_n3A_318 = arith.select %and3A_313, %select_n3A, %scan3A_280 : i32
      scf.yield %add3A_317, %select_n3A_318 : i32, i32
    }
    %scan3A_268 = arith.constant 128 : i32
    %while3A = arith.constant 0 : i32
    %while3A_269 = arith.constant 24 : i32
    %while3A_270 = arith.subi %while3A_269, %scan3A_267#0 : i32
    %while3A_271 = arith.addi %scan3A_267#0, %while3A_270 : i32
    %while3A_272 = arith.constant 1 : i32
    %while3A_273 = arith.divsi %while3A_270, %while3A_272 : i32
    %while3A_274 = arith.muli %while3A_273, %while3A_272 : i32
    %while3A_275 = arith.addi %scan3A_267#0, %while3A_274 : i32
    %while3A_276 = arith.constant 1 : i32
    scf.for %while3A_278 = %scan3A_267#0 to %while3A_275 step %while3A_276  : i32 {
      %swap3A_279 = arith.constant 15 : i32
      %swap3A_280 = arith.index_cast %while3A_278 : i32 to index
      %swap3A_281 = memref.load %arg4[%swap3A_280] : memref<24xi32, #tpu.memory_space<smem>>
      memref.store %swap3A_279, %arg4[%swap3A_280] : memref<24xi32, #tpu.memory_space<smem>>
      %swap3A_282 = arith.constant 8 : i32
      %swap3A_283 = arith.index_cast %while3A_278 : i32 to index
      %swap3A_284 = memref.load %arg8[%swap3A_283] : memref<24xi32, #tpu.memory_space<smem>>
      memref.store %swap3A_282, %arg8[%swap3A_283] : memref<24xi32, #tpu.memory_space<smem>>
      %swap3A_285 = arith.constant 7 : i32
      %swap3A_286 = arith.index_cast %while3A_278 : i32 to index
      %swap3A_287 = memref.load %arg5[%swap3A_286] : memref<24xi32, #tpu.memory_space<smem>>
      memref.store %swap3A_285, %arg5[%swap3A_286] : memref<24xi32, #tpu.memory_space<smem>>
      %swap3A_288 = arith.constant 0 : i32
      %swap3A_289 = arith.index_cast %while3A_278 : i32 to index
      %swap3A_290 = memref.load %arg6[%swap3A_289] : memref<24xi32, #tpu.memory_space<smem>>
      memref.store %swap3A_288, %arg6[%swap3A_289] : memref<24xi32, #tpu.memory_space<smem>>
      %swap3A_291 = arith.constant 0 : i32
      %swap3A_292 = arith.index_cast %while3A_278 : i32 to index
      %swap3A_293 = memref.load %arg7[%swap3A_292] : memref<24xi32, #tpu.memory_space<smem>>
      memref.store %swap3A_291, %arg7[%swap3A_292] : memref<24xi32, #tpu.memory_space<smem>>
    }
    %while3A_277 = arith.constant 1 : i32
    scf.for %while3A_278 = %while3A_275 to %while3A_271 step %while3A_277  : i32 {
      %swap3A_279 = arith.constant 15 : i32
      %swap3A_280 = arith.index_cast %while3A_278 : i32 to index
      %swap3A_281 = memref.load %arg4[%swap3A_280] : memref<24xi32, #tpu.memory_space<smem>>
      memref.store %swap3A_279, %arg4[%swap3A_280] : memref<24xi32, #tpu.memory_space<smem>>
      %swap3A_282 = arith.constant 8 : i32
      %swap3A_283 = arith.index_cast %while3A_278 : i32 to index
      %swap3A_284 = memref.load %arg8[%swap3A_283] : memref<24xi32, #tpu.memory_space<smem>>
      memref.store %swap3A_282, %arg8[%swap3A_283] : memref<24xi32, #tpu.memory_space<smem>>
      %swap3A_285 = arith.constant 7 : i32
      %swap3A_286 = arith.index_cast %while3A_278 : i32 to index
      %swap3A_287 = memref.load %arg5[%swap3A_286] : memref<24xi32, #tpu.memory_space<smem>>
      memref.store %swap3A_285, %arg5[%swap3A_286] : memref<24xi32, #tpu.memory_space<smem>>
      %swap3A_288 = arith.constant 0 : i32
      %swap3A_289 = arith.index_cast %while3A_278 : i32 to index
      %swap3A_290 = memref.load %arg6[%swap3A_289] : memref<24xi32, #tpu.memory_space<smem>>
      memref.store %swap3A_288, %arg6[%swap3A_289] : memref<24xi32, #tpu.memory_space<smem>>
      %swap3A_291 = arith.constant 0 : i32
      %swap3A_292 = arith.index_cast %while3A_278 : i32 to index
      %swap3A_293 = memref.load %arg7[%swap3A_292] : memref<24xi32, #tpu.memory_space<smem>>
      memref.store %swap3A_291, %arg7[%swap3A_292] : memref<24xi32, #tpu.memory_space<smem>>
    }
    return
  }
  func.func @transform_0(%arg0: i32) -> (i32, i32) {
    %c0_i32 = arith.constant 0 : i32
    %c0_i32_0 = arith.constant 0 : i32
    %c0_i32_1 = arith.constant 0 : i32
    return %c0_i32, %c0_i32_0 : i32, i32
  }
  func.func @transform_1(%arg0: i32) -> (i32, i32) {
    %c0_i32 = arith.constant 0 : i32
    %c0_i32_0 = arith.constant 0 : i32
    %c0_i32_1 = arith.constant 0 : i32
    return %c0_i32, %c0_i32_0 : i32, i32
  }
  func.func @transform_2(%arg0: i32) -> i32 {
    %c0_i32 = arith.constant 0 : i32
    %c0_i32_0 = arith.constant 0 : i32
    return %c0_i32 : i32
  }
  func.func @transform_3(%arg0: i32) -> i32 {
    %c0_i32 = arith.constant 0 : i32
    %c0_i32_0 = arith.constant 0 : i32
    return %c0_i32 : i32
  }
  func.func @transform_4(%arg0: i32) -> i32 {
    %c0_i32 = arith.constant 0 : i32
    %c0_i32_0 = arith.constant 0 : i32
    return %c0_i32 : i32
  }
  func.func @transform_5(%arg0: i32) -> i32 {
    %c0_i32 = arith.constant 0 : i32
    %c0_i32_0 = arith.constant 0 : i32
    return %c0_i32 : i32
  }
  func.func @transform_6(%arg0: i32) -> i32 {
    %c0_i32 = arith.constant 0 : i32
    %c0_i32_0 = arith.constant 0 : i32
    return %c0_i32 : i32
  }
  func.func @transform_7(%arg0: i32) -> i32 {
    %c0_i32 = arith.constant 0 : i32
    %c0_i32_0 = arith.constant 0 : i32
    return %c0_i32 : i32
  }
}

module attributes {stable_mosaic.version = 14 : i64} {
  func.func @_k4_body(%arg0: i32, %arg1: memref<24xi32, #tpu.memory_space<smem>>, %arg2: memref<24xi32, #tpu.memory_space<smem>>, %arg3: memref<24xi32, #tpu.memory_space<smem>>, %arg4: memref<24xi32, #tpu.memory_space<smem>>, %arg5: memref<24xi32, #tpu.memory_space<smem>>, %arg6: memref<16xi32, #tpu.memory_space<smem>>, %arg7: memref<256x768xf32, #tpu.memory_space<vmem>>, %arg8: memref<256x768xf32, #tpu.memory_space<vmem>>, %arg9: memref<256x768xf32, #tpu.memory_space<vmem>>, %arg10: memref<1x768x768xf32, #tpu.memory_space<vmem>>, %arg11: memref<1x768x768xf32, #tpu.memory_space<vmem>>, %arg12: memref<1x768x768xf32, #tpu.memory_space<vmem>>, %arg13: memref<256x768xf32, #tpu.memory_space<vmem>>, %arg14: memref<256x768xf32, #tpu.memory_space<vmem>>) attributes {dimension_semantics = [#tpu.dimension_semantics<arbitrary>], iteration_bounds = array<i64: 23>, scalar_prefetch = 6 : i64, scratch_operands = 1 : i64, tpu.core_type = #tpu.core_type<tc>, window_params = [{transform_indices = @transform_0, window_bounds = array<i64: 256, 768>}, {transform_indices = @transform_1, window_bounds = array<i64: 256, 768>}, {transform_indices = @transform_2, window_bounds = array<i64: 256, 768>}, {transform_indices = @transform_3, window_bounds = array<i64: 1, 768, 768>}, {transform_indices = @transform_4, window_bounds = array<i64: 1, 768, 768>}, {transform_indices = @transform_5, window_bounds = array<i64: 1, 768, 768>}, {transform_indices = @transform_6, window_bounds = array<i64: 256, 768>}]} {
    %get3A = arith.index_cast %arg0 : i32 to index
    %get3A_0 = memref.load %arg5[%get3A] : memref<24xi32, #tpu.memory_space<smem>>
    %get3A_1 = arith.index_cast %get3A_0 : i32 to index
    %get3A_2 = memref.load %arg6[%get3A_1] : memref<16xi32, #tpu.memory_space<smem>>
    %add3A = arith.constant 1 : i32
    %add3A_3 = arith.addi %get3A_0, %add3A : i32
    %get3A_4 = arith.index_cast %add3A_3 : i32 to index
    %get3A_5 = memref.load %arg6[%get3A_4] : memref<16xi32, #tpu.memory_space<smem>>
    %ge3A = arith.constant 6 : i32
    %ge3A_6 = arith.cmpi sge, %get3A_0, %ge3A : i32
    %convert_element_type3A = arith.extui %ge3A_6 : i1 to i32
    %cond3A = arith.constant 0 : i32
    %cond3A_7 = arith.cmpi ne, %convert_element_type3A, %cond3A : i32
    scf.if %cond3A_7 {
      %get3A_51 = arith.constant 0 : index
      %get3A_52 = arith.constant 0 : index
      %get3A_53 = vector.load %arg7[%get3A_51, %get3A_52] : memref<256x768xf32, #tpu.memory_space<vmem>>, vector<256x768xf32>
      %get3A_54 = arith.constant 0 : index
      %get3A_55 = arith.constant 0 : index
      %get3A_56 = vector.load %arg8[%get3A_54, %get3A_55] : memref<256x768xf32, #tpu.memory_space<vmem>>, vector<256x768xf32>
      %get3A_57 = arith.constant 0 : index
      %get3A_58 = arith.constant 0 : index
      %get3A_59 = arith.constant 0 : index
      %get3A_60 = vector.load %arg12[%get3A_57, %get3A_58, %get3A_59] : memref<1x768x768xf32, #tpu.memory_space<vmem>>, vector<1x768x768xf32>
      %get3A_61 = vector.shape_cast %get3A_60 : vector<1x768x768xf32> to vector<768x768xf32>
      %dot_general3A_62 = arith.constant dense<0.000000e+00> : vector<256x768xf32>
      %dot_general3A_63 = tpu.matmul %get3A_56, %get3A_61, %dot_general3A_62 {dimension_numbers = #tpu.dot_dimension_numbers<[1], [0], [0], [1], [0, 0, 1, 1], [], []>, transpose_lhs_hint = false} : vector<256x768xf32>, vector<768x768xf32>, vector<256x768xf32> -> vector<256x768xf32>
      %add3A_64 = arith.addf %get3A_53, %dot_general3A_63 : vector<256x768xf32>
      %swap3A = arith.constant 0 : index
      %swap3A_65 = arith.constant 0 : index
      %swap3A_66 = vector.load %arg14[%swap3A, %swap3A_65] : memref<256x768xf32, #tpu.memory_space<vmem>>, vector<256x768xf32>
      tpu.vector_store %arg14[%swap3A, %swap3A_65], %add3A_64 {strides = array<i32>} : memref<256x768xf32, #tpu.memory_space<vmem>>, vector<256x768xf32>,
    } else {
    }
    %not3A = arith.constant true
    %not3A_8 = arith.xori %ge3A_6, %not3A : i1
    %convert_element_type3A_9 = arith.extui %not3A_8 : i1 to i32
    %cond3A_10 = arith.constant 0 : i32
    %cond3A_11 = arith.cmpi ne, %convert_element_type3A_9, %cond3A_10 : i32
    scf.if %cond3A_11 {
      %get3A_51 = arith.constant 0 : index
      %get3A_52 = arith.constant 0 : index
      %get3A_53 = vector.load %arg7[%get3A_51, %get3A_52] : memref<256x768xf32, #tpu.memory_space<vmem>>, vector<256x768xf32>
      %swap3A = arith.constant 0 : index
      %swap3A_54 = arith.constant 0 : index
      %swap3A_55 = vector.load %arg14[%swap3A, %swap3A_54] : memref<256x768xf32, #tpu.memory_space<vmem>>, vector<256x768xf32>
      tpu.vector_store %arg14[%swap3A, %swap3A_54], %get3A_53 {strides = array<i32>} : memref<256x768xf32, #tpu.memory_space<vmem>>, vector<256x768xf32>,
    } else {
    }
    %get3A_12 = arith.constant 0 : index
    %get3A_13 = arith.constant 0 : index
    %get3A_14 = vector.load %arg14[%get3A_12, %get3A_13] : memref<256x768xf32, #tpu.memory_space<vmem>>, vector<256x768xf32>
    %get3A_15 = arith.constant 0 : index
    %get3A_16 = arith.constant 0 : index
    %get3A_17 = arith.constant 0 : index
    %get3A_18 = vector.load %arg10[%get3A_15, %get3A_16, %get3A_17] : memref<1x768x768xf32, #tpu.memory_space<vmem>>, vector<1x768x768xf32>
    %get3A_19 = vector.shape_cast %get3A_18 : vector<1x768x768xf32> to vector<768x768xf32>
    %dot_general3A = arith.constant dense<0.000000e+00> : vector<256x768xf32>
    %dot_general3A_20 = tpu.matmul %get3A_14, %get3A_19, %dot_general3A {dimension_numbers = #tpu.dot_dimension_numbers<[1], [0], [0], [1], [0, 0, 1, 1], [], []>, transpose_lhs_hint = false} : vector<256x768xf32>, vector<768x768xf32>, vector<256x768xf32> -> vector<256x768xf32>
    %max3A = arith.constant 0.000000e+00 : f32
    %max3A_21 = vector.broadcast %max3A : f32 to vector<256x768xf32>
    %max3A_22 = arith.maximumf %dot_general3A_20, %max3A_21 : vector<256x768xf32>
    %get3A_23 = arith.constant 0 : index
    %get3A_24 = arith.constant 0 : index
    %get3A_25 = arith.constant 0 : index
    %get3A_26 = vector.load %arg11[%get3A_23, %get3A_24, %get3A_25] : memref<1x768x768xf32, #tpu.memory_space<vmem>>, vector<1x768x768xf32>
    %get3A_27 = vector.shape_cast %get3A_26 : vector<1x768x768xf32> to vector<768x768xf32>
    %dot_general3A_28 = arith.constant dense<0.000000e+00> : vector<256x768xf32>
    %dot_general3A_29 = tpu.matmul %max3A_22, %get3A_27, %dot_general3A_28 {dimension_numbers = #tpu.dot_dimension_numbers<[1], [0], [0], [1], [0, 0, 1, 1], [], []>, transpose_lhs_hint = false} : vector<256x768xf32>, vector<768x768xf32>, vector<256x768xf32> -> vector<256x768xf32>
    %get3A_30 = arith.index_cast %arg0 : i32 to index
    %get3A_31 = memref.load %arg1[%get3A_30] : memref<24xi32, #tpu.memory_space<smem>>
    %mul3A = arith.constant 256 : i32
    %mul3A_32 = arith.muli %get3A_31, %mul3A : i32
    %iota3A = tpu.iota {dimensions = array<i32: 0>} : vector<256x1xi32>
    %add3A_33 = vector.broadcast %mul3A_32 : i32 to vector<256x1xi32>
    %add3A_34 = arith.addi %add3A_33, %iota3A : vector<256x1xi32>
    %ge3A_35 = vector.broadcast %get3A_2 : i32 to vector<256x1xi32>
    %ge3A_36 = arith.cmpi sge, %add3A_34, %ge3A_35 : vector<256x1xi32>
    %lt3A = vector.broadcast %get3A_5 : i32 to vector<256x1xi32>
    %lt3A_37 = arith.cmpi slt, %add3A_34, %lt3A : vector<256x1xi32>
    %and3A = arith.andi %ge3A_36, %lt3A_37 : vector<256x1xi1>
    %jit3A = arith.constant 0.000000e+00 : f32
    %broadcast_in_dim3A = vector.shape_cast %and3A : vector<256x1xi1> to vector<256x1xi1>
    %broadcast_in_dim3A_38 = vector.broadcast %broadcast_in_dim3A : vector<256x1xi1> to vector<256x768xi1>
    %broadcast_in_dim3A_39 = vector.broadcast %jit3A : f32 to vector<256x768xf32>
    %select_n3A = arith.select %broadcast_in_dim3A_38, %dot_general3A_29, %broadcast_in_dim3A_39 : vector<256x768xi1>, vector<256x768xf32>
    %get3A_40 = arith.index_cast %arg0 : i32 to index
    %get3A_41 = memref.load %arg4[%get3A_40] : memref<24xi32, #tpu.memory_space<smem>>
    %eq3A = arith.constant 1 : i32
    %eq3A_42 = arith.cmpi eq, %get3A_41, %eq3A : i32
    %convert_element_type3A_43 = arith.extui %eq3A_42 : i1 to i32
    %cond3A_44 = arith.constant 0 : i32
    %cond3A_45 = arith.cmpi ne, %convert_element_type3A_43, %cond3A_44 : i32
    scf.if %cond3A_45 {
      %get3A_51 = arith.constant 0 : index
      %get3A_52 = arith.constant 0 : index
      %get3A_53 = vector.load %arg9[%get3A_51, %get3A_52] : memref<256x768xf32, #tpu.memory_space<vmem>>, vector<256x768xf32>
      %add3A_54 = arith.addf %get3A_53, %select_n3A : vector<256x768xf32>
      %swap3A = arith.constant 0 : index
      %swap3A_55 = arith.constant 0 : index
      %swap3A_56 = vector.load %arg13[%swap3A, %swap3A_55] : memref<256x768xf32, #tpu.memory_space<vmem>>, vector<256x768xf32>
      tpu.vector_store %arg13[%swap3A, %swap3A_55], %add3A_54 {strides = array<i32>} : memref<256x768xf32, #tpu.memory_space<vmem>>, vector<256x768xf32>,
    } else {
    }
    %not3A_46 = arith.constant true
    %not3A_47 = arith.xori %eq3A_42, %not3A_46 : i1
    %convert_element_type3A_48 = arith.extui %not3A_47 : i1 to i32
    %cond3A_49 = arith.constant 0 : i32
    %cond3A_50 = arith.cmpi ne, %convert_element_type3A_48, %cond3A_49 : i32
    scf.if %cond3A_50 {
      %get3A_51 = arith.constant 0 : index
      %get3A_52 = arith.constant 0 : index
      %get3A_53 = vector.load %arg13[%get3A_51, %get3A_52] : memref<256x768xf32, #tpu.memory_space<vmem>>, vector<256x768xf32>
      %add3A_54 = arith.addf %get3A_53, %select_n3A : vector<256x768xf32>
      %swap3A = arith.constant 0 : index
      %swap3A_55 = arith.constant 0 : index
      %swap3A_56 = vector.load %arg13[%swap3A, %swap3A_55] : memref<256x768xf32, #tpu.memory_space<vmem>>, vector<256x768xf32>
      tpu.vector_store %arg13[%swap3A, %swap3A_55], %add3A_54 {strides = array<i32>} : memref<256x768xf32, #tpu.memory_space<vmem>>, vector<256x768xf32>,
    } else {
    }
    return
  }
  func.func @transform_0(%arg0: i32, %arg1: memref<24xi32, #tpu.memory_space<smem>>, %arg2: memref<24xi32, #tpu.memory_space<smem>>, %arg3: memref<24xi32, #tpu.memory_space<smem>>, %arg4: memref<24xi32, #tpu.memory_space<smem>>, %arg5: memref<24xi32, #tpu.memory_space<smem>>, %arg6: memref<16xi32, #tpu.memory_space<smem>>) -> (i32, i32) {
    %get3A = arith.index_cast %arg0 : i32 to index
    %get3A_0 = memref.load %arg1[%get3A] : memref<24xi32, #tpu.memory_space<smem>>
    %c0_i32 = arith.constant 0 : i32
    %c0_i32_1 = arith.constant 0 : i32
    return %get3A_0, %c0_i32 : i32, i32
  }
  func.func @transform_1(%arg0: i32, %arg1: memref<24xi32, #tpu.memory_space<smem>>, %arg2: memref<24xi32, #tpu.memory_space<smem>>, %arg3: memref<24xi32, #tpu.memory_space<smem>>, %arg4: memref<24xi32, #tpu.memory_space<smem>>, %arg5: memref<24xi32, #tpu.memory_space<smem>>, %arg6: memref<16xi32, #tpu.memory_space<smem>>) -> (i32, i32) {
    %get3A = arith.index_cast %arg0 : i32 to index
    %get3A_0 = memref.load %arg1[%get3A] : memref<24xi32, #tpu.memory_space<smem>>
    %c0_i32 = arith.constant 0 : i32
    %c0_i32_1 = arith.constant 0 : i32
    return %get3A_0, %c0_i32 : i32, i32
  }
  func.func @transform_2(%arg0: i32, %arg1: memref<24xi32, #tpu.memory_space<smem>>, %arg2: memref<24xi32, #tpu.memory_space<smem>>, %arg3: memref<24xi32, #tpu.memory_space<smem>>, %arg4: memref<24xi32, #tpu.memory_space<smem>>, %arg5: memref<24xi32, #tpu.memory_space<smem>>, %arg6: memref<16xi32, #tpu.memory_space<smem>>) -> (i32, i32) {
    %get3A = arith.index_cast %arg0 : i32 to index
    %get3A_0 = memref.load %arg1[%get3A] : memref<24xi32, #tpu.memory_space<smem>>
    %c0_i32 = arith.constant 0 : i32
    %c0_i32_1 = arith.constant 0 : i32
    return %get3A_0, %c0_i32 : i32, i32
  }
  func.func @transform_3(%arg0: i32, %arg1: memref<24xi32, #tpu.memory_space<smem>>, %arg2: memref<24xi32, #tpu.memory_space<smem>>, %arg3: memref<24xi32, #tpu.memory_space<smem>>, %arg4: memref<24xi32, #tpu.memory_space<smem>>, %arg5: memref<24xi32, #tpu.memory_space<smem>>, %arg6: memref<16xi32, #tpu.memory_space<smem>>) -> (i32, i32, i32) {
    %get3A = arith.index_cast %arg0 : i32 to index
    %get3A_0 = memref.load %arg2[%get3A] : memref<24xi32, #tpu.memory_space<smem>>
    %c0_i32 = arith.constant 0 : i32
    %c0_i32_1 = arith.constant 0 : i32
    %c0_i32_2 = arith.constant 0 : i32
    return %get3A_0, %c0_i32, %c0_i32_1 : i32, i32, i32
  }
  func.func @transform_4(%arg0: i32, %arg1: memref<24xi32, #tpu.memory_space<smem>>, %arg2: memref<24xi32, #tpu.memory_space<smem>>, %arg3: memref<24xi32, #tpu.memory_space<smem>>, %arg4: memref<24xi32, #tpu.memory_space<smem>>, %arg5: memref<24xi32, #tpu.memory_space<smem>>, %arg6: memref<16xi32, #tpu.memory_space<smem>>) -> (i32, i32, i32) {
    %get3A = arith.index_cast %arg0 : i32 to index
    %get3A_0 = memref.load %arg2[%get3A] : memref<24xi32, #tpu.memory_space<smem>>
    %c0_i32 = arith.constant 0 : i32
    %c0_i32_1 = arith.constant 0 : i32
    %c0_i32_2 = arith.constant 0 : i32
    return %get3A_0, %c0_i32, %c0_i32_1 : i32, i32, i32
  }
  func.func @transform_5(%arg0: i32, %arg1: memref<24xi32, #tpu.memory_space<smem>>, %arg2: memref<24xi32, #tpu.memory_space<smem>>, %arg3: memref<24xi32, #tpu.memory_space<smem>>, %arg4: memref<24xi32, #tpu.memory_space<smem>>, %arg5: memref<24xi32, #tpu.memory_space<smem>>, %arg6: memref<16xi32, #tpu.memory_space<smem>>) -> (i32, i32, i32) {
    %get3A = arith.index_cast %arg0 : i32 to index
    %get3A_0 = memref.load %arg3[%get3A] : memref<24xi32, #tpu.memory_space<smem>>
    %c0_i32 = arith.constant 0 : i32
    %c0_i32_1 = arith.constant 0 : i32
    %c0_i32_2 = arith.constant 0 : i32
    return %get3A_0, %c0_i32, %c0_i32_1 : i32, i32, i32
  }
  func.func @transform_6(%arg0: i32, %arg1: memref<24xi32, #tpu.memory_space<smem>>, %arg2: memref<24xi32, #tpu.memory_space<smem>>, %arg3: memref<24xi32, #tpu.memory_space<smem>>, %arg4: memref<24xi32, #tpu.memory_space<smem>>, %arg5: memref<24xi32, #tpu.memory_space<smem>>, %arg6: memref<16xi32, #tpu.memory_space<smem>>) -> (i32, i32) {
    %get3A = arith.index_cast %arg0 : i32 to index
    %get3A_0 = memref.load %arg1[%get3A] : memref<24xi32, #tpu.memory_space<smem>>
    %c0_i32 = arith.constant 0 : i32
    %c0_i32_1 = arith.constant 0 : i32
    return %get3A_0, %c0_i32 : i32, i32
  }
}

</mosaic_0001>

<sc_bundles>
// kernel: kernel.10.cloned.1.call-start
scs
__scs_entry_jumppad:
0x0: {  	(pc) =	sbr.rel $0x88, $3  }
0x1: {  	(tag) =	ssettag $0x0;
	lr =	simm.s32 $0x1  }
0x2: {  	[smem:$0x3F8D] =	sst lr;
	_ =	strace $0xD0000000  }
0x3: {  	_ = 	snop  }
0x4: {  	_ = 	snop  }
0x5: {  	_ = 	snop  }
0x6: {  	_ = 	snop  }
0x7: {  	_ = 	snop  }
__scs_overlays_trampoline_lowered:
0x8: {  	[smem:$0x3F9C] =	sst s0  }
0x9: {  	[smem:$0x3F9D] =	sst s1  }
0xa: {  	[smem:$0x3F9E] =	sst s2  }
0xb: {  	[smem:$0x3F9F] =	sst s3  }
0xc: {  	[smem:$0x3FA0] =	sst s4  }
0xd: {  	[smem:$0x3FA1] =	sst s5  }
0xe: {  	[smem:$0x3FA2] =	sst s6  }
0xf: {  	[smem:$0x3FA3] =	sst s7  }
0x10: {  	[smem:$0x3FA4] =	sst s8  }
0x11: {  	[smem:$0x3FA5] =	sst s9;
	s0 =	simm.s32 @!p0 $0x0  }
0x12: {  	s1 =	sld [smem:$0x3F8B];
	s0 =	simm.s32 @p0 $0x1  }
0x13: {  	[smem:$0x3FA6] =	sst s0;
	s0 =	simm.s32 @!p1 $0x0  }
0x14: {  	s2 =	sld [smem:$0x3F8A];
	s0 =	simm.s32 @p1 $0x1  }
0x15: {  	[smem:$0x3FA7] =	sst s0;
	s0 =	simm.s32 @!p2 $0x0  }
0x16: {  	s3 =	sld [smem:$0x3FDB];
	s0 =	simm.s32 @p2 $0x1  }
0x17: {  	s4 =	simm.s32 $0x1BF5;
	[smem:$0x3FA9] =	sst s0  }
0x18: {  	s0 =	sld [smem:$0x3F8C];
	_ =	swait.ge [sflag:s4], $0x0  }
0x19: {  	s7 =	sld [smem:$0x3F8D]  }
0x1a: {  	s8 =	sadd.s32 $0xFFFFE003, lr  }
0x1b: {  	s9 =	sadd.s32 $0xFFFFFEF7, lr;
	s5 =	simm.s32 $0xFFFFFFFF;
	p2 =	slt.u32 s8, $0xFFFFF086  }
0x1c: {  	p1 =	slt.u32 s9, $0xF7A;
	s5 =	simm.s32 @!p2 $0x0  }
0x1d: {  	s5 =	simm.s32 @p1 $0x1;
	p0 =	seq.s32 s7, s2  }
0x1e: {  	s7 =	smul.u32 @!p0 $0xF7A, s2;
	p2 =	seq.s32 @!p0 s5, $0x0  }
0x1f: {  	s9 =	smul.u32 $0xF7A, s1;
	s8 =	simm.s32 @!p0 $0x1BF5;
	p2 =	por !p2, p0  }
0x20: {  	[sflag:s8] =	ssyncset.s32 @!p0 $0xFFFFF086;
	s6 =	sadd.s32 @!p0 s3, s7;
	s7 =	simm.s32 @!p0 $0x108  }
0x21: {  	s3 =	sadd.s32 s3, s9;
	s6 =	sadd.s32 @!p0 $0x88, s6;
	s7 =	simm.s32 @p2 $0x1082  }
0x22: {  	[simem:s7], [sflag:s8] =	dma.local @!p0 [hbm:s6], $0xF7A  }
0x23: {  	s9 =	sor.u32 $0xD0000000, s2;
	s6 =	simm.s32 $0x108;
	_ =	swait.ge @!p0 [sflag:s8], $0x0  }
0x24: {  	s3 =	sadd.s32 $0x88, s3;
	s6 =	simm.s32 @!p1 $0x1082;
	[sflag:s4] =	ssyncset.s32 $0xFFFFF086  }
0x25: {  	[simem:s6], [sflag:s4] =	dma.local [hbm:s3], $0xF7A  }
0x26: {  	[smem:$0x3F8D] =	sst s1;
	(tag) =	ssettag s2;
	_ =	strace s9  }
0x27: {  	s1 =	sld [smem:$0x3F9D]  }
0x28: {  	s2 =	sld [smem:$0x3F9E]  }
0x29: {  	s4 =	sld [smem:$0x3FA0]  }
0x2a: {  	p0 =	seq.s32 s5, $0x0;
	s5 =	sld [smem:$0x3FA1]  }
0x2b: {  	s6 =	sld [smem:$0x3FA2]  }
0x2c: {  	s7 =	sld [smem:$0x3FA3]  }
0x2d: {  	s3 =	simm.s32 $0x108;
	s8 =	sld [smem:$0x3FA4]  }
0x2e: {  	s3 =	simm.s32 @!p0 $0x1082;
	s9 =	sld [smem:$0x3FA5]  }
0x2f: {  	lr =	sadd.s32 s0, s3;
	s0 =	sld [smem:$0x3F9C]  }
0x30: {  	s3 =	sld [smem:$0x3F9F]  }
0x31: {  	[smem:$0x3FA8] =	sst s10  }
0x32: {  	s10 =	sld [smem:$0x3FA6];
	_ =	sdelay $0x3  }
0x33: {  	p0 =	seq.s32 s10, $0x1;
	s10 =	sld [smem:$0x3FA8];
	_ =	sdelay $0x3  }
0x34: {  	[smem:$0x3FA8] =	sst s10  }
0x35: {  	s10 =	sld [smem:$0x3FA7];
	_ =	sdelay $0x3  }
0x36: {  	p1 =	seq.s32 s10, $0x1;
	s10 =	sld [smem:$0x3FA8];
	_ =	sdelay $0x3  }
0x37: {  	[smem:$0x3FA8] =	sst s10  }
0x38: {  	s10 =	sld [smem:$0x3FA9]  }
0x39: {  	_ = 	snop;
	(pc) =	sbr.ind lr, $3  }
0x3a: {  	_ = 	snop  }
0x3b: {  	_ = 	snop  }
0x3c: {  	p2 =	seq.s32 s10, $0x1;
	s10 =	sld [smem:$0x3FA8]  }
0x3d: {  	_ =	shalt  }
0x3e: {  	_ =	shalt  }
0x3f: {  	_ =	shalt  }
0x40: {  	_ =	shalt  }
0x41: {  	_ =	shalt  }
0x42: {  	_ =	shalt  }
0x43: {  	_ =	shalt  }
0x44: {  	_ =	shalt  }
0x45: {  	_ =	shalt  }
0x46: {  	_ =	shalt  }
0x47: {  	_ =	shalt  }
0x48: {  	_ =	shalt  }
0x49: {  	_ =	shalt  }
0x4a: {  	_ =	shalt  }
0x4b: {  	_ =	shalt  }
0x4c: {  	_ =	shalt  }
0x4d: {  	_ =	shalt  }
0x4e: {  	_ =	shalt  }
0x4f: {  	_ =	shalt  }
0x50: {  	_ =	shalt  }
0x51: {  	_ =	shalt  }
0x52: {  	_ =	shalt  }
0x53: {  	_ =	shalt  }
0x54: {  	_ =	shalt  }
0x55: {  	_ =	shalt  }
0x56: {  	_ =	shalt  }
0x57: {  	_ =	shalt  }
0x58: {  	_ =	shalt  }
0x59: {  	_ =	shalt  }
0x5a: {  	_ =	shalt  }
0x5b: {  	_ =	shalt  }
0x5c: {  	_ =	shalt  }
0x5d: {  	_ =	shalt  }
0x5e: {  	_ =	shalt  }
0x5f: {  	_ =	shalt  }
0x60: {  	_ =	shalt  }
0x61: {  	_ =	shalt  }
0x62: {  	_ =	shalt  }
0x63: {  	_ =	shalt  }
0x64: {  	_ =	shalt  }
0x65: {  	_ =	shalt  }
0x66: {  	_ =	shalt  }
0x67: {  	_ =	shalt  }
0x68: {  	_ =	shalt  }
0x69: {  	_ =	shalt  }
0x6a: {  	_ =	shalt  }
0x6b: {  	_ =	shalt  }
0x6c: {  	_ =	shalt  }
0x6d: {  	_ =	shalt  }
0x6e: {  	_ =	shalt  }
0x6f: {  	_ =	shalt  }
0x70: {  	_ =	shalt  }
0x71: {  	_ =	shalt  }
0x72: {  	_ =	shalt  }
0x73: {  	_ =	shalt  }
0x74: {  	_ =	shalt  }
0x75: {  	_ =	shalt  }
0x76: {  	_ =	shalt  }
0x77: {  	_ =	shalt  }
0x78: {  	_ =	shalt  }
0x79: {  	_ =	shalt  }
0x7a: {  	_ =	shalt  }
0x7b: {  	_ =	shalt  }
0x7c: {  	_ =	shalt  }
0x7d: {  	_ =	shalt  }
0x7e: {  	_ =	shalt  }
0x7f: {  	_ =	shalt  }
0x80: {  	_ =	shalt  }
0x81: {  	_ =	shalt  }
0x82: {  	_ =	shalt  }
0x83: {  	_ =	shalt  }
0x84: {  	_ =	shalt  }
0x85: {  	_ =	shalt  }
0x86: {  	_ =	shalt  }
0x87: {  	_ =	shalt  }
.Lfunc_end0:
.L_simem_size_0:
called_computation.1_lowered:
.L_overlay_start_0:
0x88: {  	s2 =	sld [smem:$0x3FD9]  }
0x89: {  	s3 =	sld [smem:$0x3FFE];
	_ =	sdelay $0x1  }
0x8a: {  	s1 =	srdreg.scid  }
0x8b: {  	s0 =	sand.u32 $0x1, s1  }
0x8c: {  	s14 =	sshll.u32 s0, $0xA;
	s2 =	sadd.s32 s3, s2  }
0x8d: {  	s2 =	sadd.s32 s2, s14  }
0x8e: {  	[smem:$0x3FB4] =	sst s2  }
0x8f: {  	_ = 	snop  }
0x90: {  	s2 =	sld [smem:$0x3FD0];
	_ =	sdelay $0x2  }
0x91: {  	s15 =	simm.s32 $0xA;
	s4 =	simm.s32 $0x10  }
0x92: {  	[smem:s4], [sflag:s15] =	dma.local [hbm:s2], $0x1  }
0x93: {  	_ =	swait.eq [sflag:s15], $0x1  }
0x94: {  	[sflag:s15] =	ssyncset.done $0x0  }
0x95: {  	s16 =	sld [smem:$0x10];
	[sflag:s15] =	ssyncadd.s32 $0xFFFFFFFF  }
0x96: {  	s17 =	sld [smem:$0x11];
	(tm) =	ssettm $0x1  }
0x97: {  	s18 =	sld [smem:$0x3FFB];
	_ =	sdelay $0x3  }
0x98: {  	_ =	strace s18  }
0x99: {  	s4 =	sld [smem:$0x3FFC];
	_ =	sdelay $0x3  }
0x9a: {  	_ =	strace s4  }
0x9b: {  	s4 =	sld [smem:$0x3FFD];
	_ =	sdelay $0x3  }
0x9c: {  	_ =	strace s4  }
0x9d: {  	_ =	strace $0x8FFFFFFF  }
0x9e: {  	s19 =	sld [smem:$0x3FDB];
	_ =	sdelay $0x1  }
0x9f: {  	s5 =	simm.s32 $_scs_section_size  }
0xa0: {  	s6 =	simm.s32 $_size__tile_overlayer_lowered;
	s7 =	simm.s32 $_tile_overlayer_lowered  }
0xa1: {  	s22 =	simm.s32 $0x1BFF;
	s21 =	sshll.u32 s7, $0x1;
	s4 =	sadd.s32 s5, s19  }
0xa2: {  	s8 =	simm.s32 $0x0;
	s20 =	sshll.u32 s6, $0x1;
	s6 =	sadd.s32 s21, s4  }
0xa3: {  	[timem:s8], [sflag:s22] =	dma.local [hbm:s6], s20  }
0xa4: {  	_ =	swait.ge [sflag:s22], s20  }
0xa5: {  	s5 =	ssub.s32 $0x0, s20;
	[sflag:s22] =	ssyncset.done $0x0  }
0xa6: {  	[sflag:s22] =	ssyncadd.s32 s5;
	_ =	sdelay $0x1  }
0xa7: {  	s23 =	simm.s32 $0x1B8B  }
0xa8: {  	_ =	swait.ge [sflag:s23], $0x1  }
0xa9: {  	[sflag:s23] =	ssyncset.done $0x0  }
0xaa: {  	s25 =	simm.s32 $0x1B8E;
	s24 =	sld [smem:$0x3FFE];
	[sflag:s23] =	ssyncadd.s32 $0xFFFFFFFF  }
0xab: {  	s26 =	simm.s32 $execute0_lowered;
	[smem:$0x3FD2] =	sst s25  }
0xac: {  	s6 =	sshll.u32 s26, $0x1;
	_ =	strace $0x80000049;
	[dreg:$0x1] =	wrdreg $0xFFFFFFFF  }
0xad: {  	s28 =	simm.s32 $_size_execute0_lowered;
	s4 =	sadd.s32 s4, s6;
	[dreg:$0x0] =	wrdreg $0x0  }
0xae: {  	s6 =	sshll.u32 s28, $0x1;
	[dreg:$0x2] =	wrdreg s4  }
0xaf: {  	[dreg:$0x3] =	wrdreg s6  }
0xb0: {  	[dreg:$0x4] =	wrdreg $0xC0  }
0xb1: {  	_ =	task [dreg:s8], $0x5FFFF  }
0xb2: {  	[dreg:$0x1] =	wrdreg $0xFFFFFFFF  }
0xb3: {  	[dreg:$0x0] =	wrdreg $0x60  }
0xb4: {  	[dreg:$0x2] =	wrdreg s24  }
0xb5: {  	[dreg:$0x3] =	wrdreg s17  }
0xb6: {  	[dreg:$0x4] =	wrdreg s16  }
0xb7: {  	[dreg:$0x5] =	wrdreg $0x9  }
0xb8: {  	_ =	task.clear_ibuf [dreg:s8], $0x6FFFF;
	_ =	strace $0x90000049  }
0xb9: {  	s29 =	simm.s32 $0x9;
	_ =	strace $0x8000004B  }
0xba: {  	_ =	swait.ge [sflag:s29], $0x1  }
0xbb: {  	[sflag:s29] =	ssyncadd.s32 $0xFFFFFFFF  }
0xbc: {  	_ =	strace $0x9000004B  }
0xbd: {  	_ =	sfence  }
0xbe: {  	s30 =	sld [smem:$0x0];
	_ =	sdelay $0x2  }
0xbf: {  	s31 =	sshll.u32 s1, $0xD;
	s1 =	sshrl.u32 s1, $0x2  }
0xc0: {  	s3 =	sand.u32 $0x4000, s31;
	s1 =	sadd.s32 s1, s30  }
0xc1: {  	s0 =	sor.u32 s3, s0;
	s1 =	sshll.u32 s1, $0x11  }
0xc2: {  	s0 =	sor.u32 s1, s0  }
0xc3: {  	s0 =	sadd.s32 $0x8F2B, s0  }
0xc4: {  	[sflag:s0] =	ssyncadd.remote.s32 $0x1  }
0xc5: {  	_ =	sfence.sel $0xFFFF  }
0xc6: {  	[dreg:$0x0] =	wrdreg $0xFFFFFFFF;
	(pc) =	sbr.abs _section_cstart, $3  }
0xc7: {  	[dreg:$0x1] =	wrdreg $0xFFFFFFFF  }
0xc8: {  	_ =	task.clear_ibuf [dreg:s8], $0x2FFFF;
	_ =	strace $0x9FFFFFFF  }
0xc9: {  	(tm) =	ssettm $0x7FFFFFFF  }
tec
execute0_lowered:
.L_overlay_start_1:
0x0: {  	(tag) =	ssettag $0x1  }
0x1: {  	s1 =	rddreg [dreg:$0x0]  }
0x2: {  	s3 =	srdreg.scid;
	s2 =	rddreg [dreg:$0x1]  }
0x3: {  	s5 =	rddreg [dreg:$0x2];
	s4 =	sand.u32 $0x1, s3;
	s3 =	simm.s32 $0x0  }
0x4: {  	s23 =	simm.s32 $0x880;
	[smem:$0x7FF] =	sst s3  }
0x5: {  	s24 =	simm.s32 $0x1080;
	_ =	strace $0x8000004A;
	[dreg:$0x6] =	wrdreg s23  }
0x6: {  	s25 =	simm.s32 $0x1880;
	[dreg:$0x7] =	wrdreg s24  }
0x7: {  	s0 =	stileid.u32;
	s26 =	simm.s32 $0x2080;
	[dreg:$0x8] =	wrdreg s25  }
0x8: {  	s21 =	sshll.u32 s0, $0x1;
	s0 =	simm.s32 $0x2880;
	[dreg:$0x9] =	wrdreg s26  }
0x9: {  	s8 =	simm.s32 $0x4880;
	[dreg:$0xa] =	wrdreg s0  }
0xa: {  	s9 =	simm.s32 $0x5080;
	[dreg:$0xe] =	wrdreg s8  }
0xb: {  	s10 =	simm.s32 $0x5880;
	[dreg:$0xf] =	wrdreg s9  }
0xc: {  	s11 =	simm.s32 $0x6080;
	[dreg:$0x10] =	wrdreg s10  }
0xd: {  	s12 =	simm.s32 $0x6880;
	[dreg:$0x11] =	wrdreg s11  }
0xe: {  	s13 =	simm.s32 $0x7080;
	s14 =	simm.s32 $0x7880;
	[dreg:$0x12] =	wrdreg s12  }
0xf: {  	s15 =	simm.s32 $0x8080;
	s16 =	simm.s32 $0x8880;
	[dreg:$0x13] =	wrdreg s13  }
0x10: {  	s17 =	simm.s32 $0x9080;
	s19 =	simm.s32 $0x9880;
	[dreg:$0x14] =	wrdreg s14  }
0x11: {  	s28 =	simm.s32 $0x16080;
	s29 =	simm.s32 $0x16880;
	[dreg:$0x15] =	wrdreg s15  }
0x12: {  	s30 =	simm.s32 $0x17080;
	s31 =	simm.s32 $0x17880;
	[dreg:$0x16] =	wrdreg s16  }
0x13: {  	s6 =	sor.u32 s4, s21;
	s4 =	ssub.s32 $0x2, s4;
	[dreg:$0x17] =	wrdreg s17  }
0x14: {  	s21 =	simm.s32 $0xA080;
	s7 =	sshll.u32 s6, $0x4;
	[dreg:$0x18] =	wrdreg s19  }
0x15: {  	s6 =	smul.u32 $0x3000, s6;
	s18 =	sshrl.u32 s4, $0x1;
	[dreg:$0x19] =	wrdreg s21  }
0x16: {  	s23 =	simm.s32 $0xB080;
	s24 =	simm.s32 $0xB880;
	s25 =	simm.s32 $0xC080  }
0x17: {  	s8 =	simm.s32 $0x80;
	s26 =	simm.s32 $0xC880;
	s10 =	simm.s32 $0xD880  }
0x18: {  	s11 =	simm.s32 $0xE080;
	s12 =	simm.s32 $0xE880;
	s13 =	simm.s32 $0xF080  }
0x19: {  	s14 =	simm.s32 $0xF880;
	s15 =	simm.s32 $0x10080;
	s16 =	simm.s32 $0x10880  }
0x1a: {  	s17 =	simm.s32 $0x11080;
	s19 =	simm.s32 $0x12080;
	[dreg:$0x1b] =	wrdreg s23  }
0x1b: {  	s21 =	simm.s32 $0x13080;
	s1 =	sadd.s32 s7, s1;
	[dreg:$0x1c] =	wrdreg s24  }
0x1c: {  	s7 =	simm.s32 $0x4080;
	s20 =	ssub.s32 s4, s18;
	[dreg:$0x1d] =	wrdreg s25  }
0x1d: {  	s4 =	sadd.s32 $0x100, s2;
	[dreg:$0x1e] =	wrdreg s26;
	s18 =	simm.s32 $0x11880  }
0x1e: {  	s23 =	simm.s32 $0x14080;
	s1 =	sadd.s32 $0x62E00, s1;
	[dreg:$0xd] =	wrdreg s7  }
0x1f: {  	s24 =	simm.s32 $0x14880;
	s22 =	sadd.s32 s5, s6;
	[dreg:$0x4] =	wrdreg s1  }
0x20: {  	s25 =	simm.s32 $0x15080;
	s5 =	simm.s32 $0x3080;
	[dreg:$0x5] =	wrdreg s22  }
0x21: {  	s26 =	simm.s32 $0x15880;
	s6 =	simm.s32 $0x3880;
	[dreg:$0xb] =	wrdreg s5  }
0x22: {  	v2 =	vlaneseq.u32;
	s7 =	simm.s32 $0x2;
	[dreg:$0xc] =	wrdreg s6;
	s22 =	simm.s32 $0xA880  }
0x23: {  	vm0 =	vmmov $0xffff;
	v1 =	vshrl.u32 v2, $0x3;
	s5 =	sadd.s32 $0x200, s2;
	s6 =	smax.u32 s20, $0x1;
	s20 =	simm.s32 $0x12880  }
0x24: {  	v0 =	vand.u32 $0x7, v2;
	v2 =	vor.u32 $0x8, v2;
	v1 =	vmul.u32 $0x8, v1;
	s1 =	simm.s32 $0x1;
	[dreg:$0x1a] =	wrdreg s22;
	s22 =	simm.s32 $0x13880  }
.LBB2_1:
0x25: {  	s0 =	rddreg [dreg:$0x4]  }
0x26: {  	[tilespmem:s3], [sflag:$0x2] =	stream.linear.gather [hbm4b:s0+s3], $0x80, $0x38;
	[tilespmem:$0x18080] =	vst v63  }
0x27: {  	_ =	swait.ge [sflag:s7], $0x80  }
0x28: {  	[sflag:s7] =	ssyncset.done $0x0  }
0x29: {  	[sflag:s7] =	ssyncadd.s32 $0xFFFFFF80  }
0x2a: {  	v3 =	vld [tilespmem:$0x0];
	_ =	sdelay $0x4  }
0x2b: {  	v4 =	vshrl.u32 v3, $0x3  }
0x2c: {  	v4 =	vmul.u32 $0x30, v4  }
0x2d: {  	v3 =	vand.u32 $0x7, v3  }
0x2e: {  	v3 =	vor.u32 v3, v4  }
0x2f: {  	v4 =	vperm.xlane v3, v0;
	_ =	sdelay $0x1  }
0x30: {  	v4 =	vadd.s32 v1, v4;
	_ =	sdelay $0x3  }
0x31: {  	v3 =	vperm.xlane v3, v2  }
0x32: {  	[tilespmem:s8], [sflag:$0x1] =	stream.indirect_vreg.gather [hbm4b:s2+s3], $0x80, v4, vm0, $0xb8;
	[tilespmem:$0x18080] =	vst v63  }
0x33: {  	s0 =	rddreg [dreg:$0x6];
	v3 =	vadd.s32 v1, v3  }
0x34: {  	[tilespmem:s0], [sflag:$0x1] =	stream.indirect_vreg.gather [hbm4b:s4+s3], $0x80, v4, vm0, $0xb8;
	[tilespmem:$0x18080] =	vst v63  }
0x35: {  	s9 =	rddreg [dreg:$0x7]  }
0x36: {  	[tilespmem:s9], [sflag:$0x1] =	stream.indirect_vreg.gather [hbm4b:s5+s3], $0x80, v4, vm0, $0xb8;
	[tilespmem:$0x18080] =	vst v63  }
0x37: {  	s0 =	rddreg [dreg:$0x8]  }
0x38: {  	[tilespmem:s0], [sflag:$0x1] =	stream.indirect_vreg.gather [hbm4b:s2+s3], $0x80, v3, vm0, $0xb8;
	[tilespmem:$0x18080] =	vst v63  }
0x39: {  	s9 =	rddreg [dreg:$0x9]  }
0x3a: {  	[tilespmem:s9], [sflag:$0x1] =	stream.indirect_vreg.gather [hbm4b:s4+s3], $0x80, v3, vm0, $0xb8;
	[tilespmem:$0x18080] =	vst v63  }
0x3b: {  	s0 =	rddreg [dreg:$0xa]  }
0x3c: {  	[tilespmem:s0], [sflag:$0x1] =	stream.indirect_vreg.gather [hbm4b:s5+s3], $0x80, v3, vm0, $0xb8;
	[tilespmem:$0x18080] =	vst v63  }
0x3d: {  	v3 =	vld [tilespmem:$0x10];
	_ =	sdelay $0x4  }
0x3e: {  	v57 =	vshrl.u32 v3, $0x3  }
0x3f: {  	v4 =	vmul.u32 $0x30, v57  }
0x40: {  	v3 =	vand.u32 $0x7, v3  }
0x41: {  	v3 =	vor.u32 v3, v4  }
0x42: {  	v4 =	vperm.xlane v3, v0;
	_ =	sdelay $0x1  }
0x43: {  	v4 =	vadd.s32 v1, v4;
	_ =	sdelay $0x3  }
0x44: {  	s0 =	rddreg [dreg:$0xb];
	v3 =	vperm.xlane v3, v2  }
0x45: {  	[tilespmem:s0], [sflag:$0x1] =	stream.indirect_vreg.gather [hbm4b:s2+s3], $0x80, v4, vm0, $0xb8;
	[tilespmem:$0x18080] =	vst v63  }
0x46: {  	s9 =	rddreg [dreg:$0xc];
	v3 =	vadd.s32 v1, v3  }
0x47: {  	[tilespmem:s9], [sflag:$0x1] =	stream.indirect_vreg.gather [hbm4b:s4+s3], $0x80, v4, vm0, $0xb8;
	[tilespmem:$0x18080] =	vst v63  }
0x48: {  	s0 =	rddreg [dreg:$0xd]  }
0x49: {  	[tilespmem:s0], [sflag:$0x1] =	stream.indirect_vreg.gather [hbm4b:s5+s3], $0x80, v4, vm0, $0xb8;
	[tilespmem:$0x18080] =	vst v63  }
0x4a: {  	s9 =	rddreg [dreg:$0xe]  }
0x4b: {  	[tilespmem:s9], [sflag:$0x1] =	stream.indirect_vreg.gather [hbm4b:s2+s3], $0x80, v3, vm0, $0xb8;
	[tilespmem:$0x18080] =	vst v63  }
0x4c: {  	s0 =	rddreg [dreg:$0xf]  }
0x4d: {  	[tilespmem:s0], [sflag:$0x1] =	stream.indirect_vreg.gather [hbm4b:s4+s3], $0x80, v3, vm0, $0xb8;
	[tilespmem:$0x18080] =	vst v63  }
0x4e: {  	s9 =	rddreg [dreg:$0x10]  }
0x4f: {  	[tilespmem:s9], [sflag:$0x1] =	stream.indirect_vreg.gather [hbm4b:s5+s3], $0x80, v3, vm0, $0xb8;
	[tilespmem:$0x18080] =	vst v63  }
0x50: {  	v3 =	vld [tilespmem:$0x20];
	_ =	sdelay $0x4  }
0x51: {  	v58 =	vshrl.u32 v3, $0x3  }
0x52: {  	v4 =	vmul.u32 $0x30, v58  }
0x53: {  	v3 =	vand.u32 $0x7, v3  }
0x54: {  	v3 =	vor.u32 v3, v4  }
0x55: {  	v4 =	vperm.xlane v3, v0;
	_ =	sdelay $0x1  }
0x56: {  	v4 =	vadd.s32 v1, v4;
	_ =	sdelay $0x3  }
0x57: {  	s0 =	rddreg [dreg:$0x11];
	v3 =	vperm.xlane v3, v2  }
0x58: {  	[tilespmem:s0], [sflag:$0x1] =	stream.indirect_vreg.gather [hbm4b:s2+s3], $0x80, v4, vm0, $0xb8;
	[tilespmem:$0x18080] =	vst v63  }
0x59: {  	s9 =	rddreg [dreg:$0x12];
	v3 =	vadd.s32 v1, v3  }
0x5a: {  	[tilespmem:s9], [sflag:$0x1] =	stream.indirect_vreg.gather [hbm4b:s4+s3], $0x80, v4, vm0, $0xb8;
	[tilespmem:$0x18080] =	vst v63  }
0x5b: {  	s0 =	rddreg [dreg:$0x13]  }
0x5c: {  	[tilespmem:s0], [sflag:$0x1] =	stream.indirect_vreg.gather [hbm4b:s5+s3], $0x80, v4, vm0, $0xb8;
	[tilespmem:$0x18080] =	vst v63  }
0x5d: {  	s9 =	rddreg [dreg:$0x14]  }
0x5e: {  	[tilespmem:s9], [sflag:$0x1] =	stream.indirect_vreg.gather [hbm4b:s2+s3], $0x80, v3, vm0, $0xb8;
	[tilespmem:$0x18080] =	vst v63  }
0x5f: {  	s0 =	rddreg [dreg:$0x15]  }
0x60: {  	[tilespmem:s0], [sflag:$0x1] =	stream.indirect_vreg.gather [hbm4b:s4+s3], $0x80, v3, vm0, $0xb8;
	[tilespmem:$0x18080] =	vst v63  }
0x61: {  	s9 =	rddreg [dreg:$0x16]  }
0x62: {  	[tilespmem:s9], [sflag:$0x1] =	stream.indirect_vreg.gather [hbm4b:s5+s3], $0x80, v3, vm0, $0xb8;
	[tilespmem:$0x18080] =	vst v63  }
0x63: {  	v3 =	vld [tilespmem:$0x30];
	_ =	sdelay $0x4  }
0x64: {  	v59 =	vshrl.u32 v3, $0x3  }
0x65: {  	v4 =	vmul.u32 $0x30, v59  }
0x66: {  	v3 =	vand.u32 $0x7, v3  }
0x67: {  	v3 =	vor.u32 v3, v4  }
0x68: {  	v4 =	vperm.xlane v3, v0;
	_ =	sdelay $0x1  }
0x69: {  	v4 =	vadd.s32 v1, v4;
	_ =	sdelay $0x3  }
0x6a: {  	s0 =	rddreg [dreg:$0x17];
	v3 =	vperm.xlane v3, v2  }
0x6b: {  	[tilespmem:s0], [sflag:$0x1] =	stream.indirect_vreg.gather [hbm4b:s2+s3], $0x80, v4, vm0, $0xb8;
	[tilespmem:$0x18080] =	vst v63  }
0x6c: {  	s9 =	rddreg [dreg:$0x18];
	v3 =	vadd.s32 v1, v3  }
0x6d: {  	[tilespmem:s9], [sflag:$0x1] =	stream.indirect_vreg.gather [hbm4b:s4+s3], $0x80, v4, vm0, $0xb8;
	[tilespmem:$0x18080] =	vst v63  }
0x6e: {  	s0 =	rddreg [dreg:$0x19]  }
0x6f: {  	[tilespmem:s0], [sflag:$0x1] =	stream.indirect_vreg.gather [hbm4b:s5+s3], $0x80, v4, vm0, $0xb8;
	[tilespmem:$0x18080] =	vst v63  }
0x70: {  	s9 =	rddreg [dreg:$0x1a]  }
0x71: {  	[tilespmem:s9], [sflag:$0x1] =	stream.indirect_vreg.gather [hbm4b:s2+s3], $0x80, v3, vm0, $0xb8;
	[tilespmem:$0x18080] =	vst v63  }
0x72: {  	s0 =	rddreg [dreg:$0x1b]  }
0x73: {  	[tilespmem:s0], [sflag:$0x1] =	stream.indirect_vreg.gather [hbm4b:s4+s3], $0x80, v3, vm0, $0xb8;
	[tilespmem:$0x18080] =	vst v63  }
0x74: {  	s9 =	rddreg [dreg:$0x1c]  }
0x75: {  	[tilespmem:s9], [sflag:$0x1] =	stream.indirect_vreg.gather [hbm4b:s5+s3], $0x80, v3, vm0, $0xb8;
	[tilespmem:$0x18080] =	vst v63  }
0x76: {  	v3 =	vld [tilespmem:$0x40];
	_ =	sdelay $0x4  }
0x77: {  	v60 =	vshrl.u32 v3, $0x3  }
0x78: {  	v4 =	vmul.u32 $0x30, v60  }
0x79: {  	v3 =	vand.u32 $0x7, v3  }
0x7a: {  	v3 =	vor.u32 v3, v4  }
0x7b: {  	v4 =	vperm.xlane v3, v0;
	_ =	sdelay $0x1  }
0x7c: {  	v4 =	vadd.s32 v1, v4;
	_ =	sdelay $0x3  }
0x7d: {  	s0 =	rddreg [dreg:$0x1d];
	v3 =	vperm.xlane v3, v2  }
0x7e: {  	[tilespmem:s0], [sflag:$0x1] =	stream.indirect_vreg.gather [hbm4b:s2+s3], $0x80, v4, vm0, $0xb8;
	[tilespmem:$0x18080] =	vst v63  }
0x7f: {  	s9 =	rddreg [dreg:$0x1e];
	v3 =	vadd.s32 v1, v3  }
0x80: {  	[tilespmem:s9], [sflag:$0x1] =	stream.indirect_vreg.gather [hbm4b:s4+s3], $0x80, v4, vm0, $0xb8;
	[tilespmem:$0x18080] =	vst v63  }
0x81: {  	s9 =	simm.s32 $0xD080  }
0x82: {  	[tilespmem:s9], [sflag:$0x1] =	stream.indirect_vreg.gather [hbm4b:s5+s3], $0x80, v4, vm0, $0xb8;
	[tilespmem:$0x18080] =	vst v63  }
0x83: {  	_ = 	snop  }
0x84: {  	[tilespmem:s10], [sflag:$0x1] =	stream.indirect_vreg.gather [hbm4b:s2+s3], $0x80, v3, vm0, $0xb8;
	[tilespmem:$0x18080] =	vst v63  }
0x85: {  	_ = 	snop  }
0x86: {  	[tilespmem:s11], [sflag:$0x1] =	stream.indirect_vreg.gather [hbm4b:s4+s3], $0x80, v3, vm0, $0xb8;
	[tilespmem:$0x18080] =	vst v63  }
0x87: {  	_ = 	snop  }
0x88: {  	[tilespmem:s12], [sflag:$0x1] =	stream.indirect_vreg.gather [hbm4b:s5+s3], $0x80, v3, vm0, $0xb8;
	[tilespmem:$0x18080] =	vst v63  }
0x89: {  	v3 =	vld [tilespmem:$0x50];
	_ =	sdelay $0x4  }
0x8a: {  	v61 =	vshrl.u32 v3, $0x3  }
0x8b: {  	v4 =	vmul.u32 $0x30, v61  }
0x8c: {  	v3 =	vand.u32 $0x7, v3  }
0x8d: {  	v3 =	vor.u32 v3, v4  }
0x8e: {  	v4 =	vperm.xlane v3, v0;
	_ =	sdelay $0x1  }
0x8f: {  	v4 =	vadd.s32 v1, v4;
	_ =	sdelay $0x3  }
0x90: {  	v3 =	vperm.xlane v3, v2  }
0x91: {  	[tilespmem:s13], [sflag:$0x1] =	stream.indirect_vreg.gather [hbm4b:s2+s3], $0x80, v4, vm0, $0xb8;
	[tilespmem:$0x18080] =	vst v63  }
0x92: {  	v3 =	vadd.s32 v1, v3  }
0x93: {  	[tilespmem:s14], [sflag:$0x1] =	stream.indirect_vreg.gather [hbm4b:s4+s3], $0x80, v4, vm0, $0xb8;
	[tilespmem:$0x18080] =	vst v63  }
0x94: {  	_ = 	snop  }
0x95: {  	[tilespmem:s15], [sflag:$0x1] =	stream.indirect_vreg.gather [hbm4b:s5+s3], $0x80, v4, vm0, $0xb8;
	[tilespmem:$0x18080] =	vst v63  }
0x96: {  	_ = 	snop  }
0x97: {  	[tilespmem:s16], [sflag:$0x1] =	stream.indirect_vreg.gather [hbm4b:s2+s3], $0x80, v3, vm0, $0xb8;
	[tilespmem:$0x18080] =	vst v63  }
0x98: {  	_ = 	snop  }
0x99: {  	[tilespmem:s17], [sflag:$0x1] =	stream.indirect_vreg.gather [hbm4b:s4+s3], $0x80, v3, vm0, $0xb8;
	[tilespmem:$0x18080] =	vst v63  }
0x9a: {  	_ = 	snop  }
0x9b: {  	[tilespmem:s18], [sflag:$0x1] =	stream.indirect_vreg.gather [hbm4b:s5+s3], $0x80, v3, vm0, $0xb8;
	[tilespmem:$0x18080] =	vst v63  }
0x9c: {  	v3 =	vld [tilespmem:$0x60];
	_ =	sdelay $0x4  }
0x9d: {  	v62 =	vshrl.u32 v3, $0x3  }
0x9e: {  	v4 =	vmul.u32 $0x30, v62  }
0x9f: {  	v3 =	vand.u32 $0x7, v3  }
0xa0: {  	v3 =	vor.u32 v3, v4  }
0xa1: {  	v4 =	vperm.xlane v3, v0;
	_ =	sdelay $0x1  }
0xa2: {  	v4 =	vadd.s32 v1, v4;
	_ =	sdelay $0x3  }
0xa3: {  	v3 =	vperm.xlane v3, v2  }
0xa4: {  	[tilespmem:s19], [sflag:$0x1] =	stream.indirect_vreg.gather [hbm4b:s2+s3], $0x80, v4, vm0, $0xb8;
	[tilespmem:$0x18080] =	vst v63  }
0xa5: {  	v3 =	vadd.s32 v1, v3  }
0xa6: {  	[tilespmem:s20], [sflag:$0x1] =	stream.indirect_vreg.gather [hbm4b:s4+s3], $0x80, v4, vm0, $0xb8;
	[tilespmem:$0x18080] =	vst v63  }
0xa7: {  	_ = 	snop  }
0xa8: {  	[tilespmem:s21], [sflag:$0x1] =	stream.indirect_vreg.gather [hbm4b:s5+s3], $0x80, v4, vm0, $0xb8;
	[tilespmem:$0x18080] =	vst v63  }
0xa9: {  	_ = 	snop  }
0xaa: {  	[tilespmem:s22], [sflag:$0x1] =	stream.indirect_vreg.gather [hbm4b:s2+s3], $0x80, v3, vm0, $0xb8;
	[tilespmem:$0x18080] =	vst v63  }
0xab: {  	_ = 	snop  }
0xac: {  	[tilespmem:s23], [sflag:$0x1] =	stream.indirect_vreg.gather [hbm4b:s4+s3], $0x80, v3, vm0, $0xb8;
	[tilespmem:$0x18080] =	vst v63  }
0xad: {  	_ = 	snop  }
0xae: {  	[tilespmem:s24], [sflag:$0x1] =	stream.indirect_vreg.gather [hbm4b:s5+s3], $0x80, v3, vm0, $0xb8;
	[tilespmem:$0x18080] =	vst v63  }
0xaf: {  	v3 =	vld [tilespmem:$0x70];
	_ =	sdelay $0x4  }
0xb0: {  	v63 =	vshrl.u32 v3, $0x3  }
0xb1: {  	v4 =	vmul.u32 $0x30, v63  }
0xb2: {  	v3 =	vand.u32 $0x7, v3  }
0xb3: {  	v3 =	vor.u32 v3, v4  }
0xb4: {  	v4 =	vperm.xlane v3, v0;
	_ =	sdelay $0x1  }
0xb5: {  	v4 =	vadd.s32 v1, v4;
	_ =	sdelay $0x3  }
0xb6: {  	v3 =	vperm.xlane v3, v2  }
0xb7: {  	[tilespmem:s25], [sflag:$0x1] =	stream.indirect_vreg.gather [hbm4b:s2+s3], $0x80, v4, vm0, $0xb8;
	[tilespmem:$0x18080] =	vst v63  }
0xb8: {  	v3 =	vadd.s32 v1, v3  }
0xb9: {  	[tilespmem:s26], [sflag:$0x1] =	stream.indirect_vreg.gather [hbm4b:s4+s3], $0x80, v4, vm0, $0xb8;
	[tilespmem:$0x18080] =	vst v63  }
0xba: {  	_ = 	snop  }
0xbb: {  	[tilespmem:s28], [sflag:$0x1] =	stream.indirect_vreg.gather [hbm4b:s5+s3], $0x80, v4, vm0, $0xb8;
	[tilespmem:$0x18080] =	vst v63  }
0xbc: {  	_ = 	snop  }
0xbd: {  	[tilespmem:s29], [sflag:$0x1] =	stream.indirect_vreg.gather [hbm4b:s2+s3], $0x80, v3, vm0, $0xb8;
	[tilespmem:$0x18080] =	vst v63  }
0xbe: {  	_ = 	snop  }
0xbf: {  	[tilespmem:s30], [sflag:$0x1] =	stream.indirect_vreg.gather [hbm4b:s4+s3], $0x80, v3, vm0, $0xb8;
	[tilespmem:$0x18080] =	vst v63  }
0xc0: {  	_ = 	snop  }
0xc1: {  	[tilespmem:s31], [sflag:$0x1] =	stream.indirect_vreg.gather [hbm4b:s5+s3], $0x80, v3, vm0, $0xb8;
	[tilespmem:$0x18080] =	vst v63  }
0xc2: {  	_ =	swait.ge [sflag:s1], $0x18000  }
0xc3: {  	p0 =	sne.s32 s6, $0x1;
	[sflag:s1] =	ssyncset.done $0x0  }
.Ltmp0:
0xc4: {  	s9 =	rddreg [dreg:$0x5];
	[sflag:s1] =	ssyncadd.s32 $0xFFFE8000;
	(pc) =	sbr.rel @p0 .LBB2_1-.Ltmp0, $4  }
0xc5: {  	[hbm4b:s9+s3] =	stream.linear.scatter [tilespmem:s8], [sflag:$0x2], $0x18000, $0x38;
	[tilespmem:$0x18080] =	vst v63  }
0xc6: {  	_ =	swait.ge [sflag:s7], $0x18000  }
0xc7: {  	[sflag:s7] =	ssyncset.done $0x0  }
0xc8: {  	s6 =	sadd.s32 $0xFFFFFFFF, s6;
	[sflag:s7] =	ssyncadd.s32 $0xFFFE8000  }
0xc9: {  	_ =	sfence.sel $0x180000  }
0xca: {  	[bflag:$0x0] =	sbarrier.arrive $0xFFFF  }
0xcb: {  	_ =	strace $0x9000004A  }
0xcc: {  	s0 =	stileid.u32;
	[bflag:$0x2] =	sbarrier.arrive $0xFFFF  }
0xcd: {  	p0 =	sne.s32 s0, $0x0;
	s0 =	rddreg [dreg:$0x3]  }
0xce: {  	s0 =	sadd.s32 @!p0 $0x100000, s0  }
0xcf: {  	[sflag:s0] =	ssyncadd.tile.s32 @!p0 $0x1;
	_ =	shalt  }
.Lfunc_end2:
_tile_overlayer_lowered:
.L_overlay_start_2:
0xd0: {  	(tag) =	ssettag $0x2  }
0xd1: {  	s0 =	rddreg [dreg:$0x0];
	s2 =	stileid.u32  }
0xd2: {  	s1 =	rddreg [dreg:$0x1];
	p0 =	sne.s32 s2, $0x0  }
0xd3: {  	s3 =	rddreg [dreg:$0x2];
	[bflag:$0x3] =	sbarrier.arrive $0xFFFF;
	s2 =	simm.s32 @!p0 $0x1C02  }
0xd4: {  	[timem:s3], [sflag:s2] =	dma.local @!p0 [hbm:s0], s1  }
0xd5: {  	s0 =	simm.s32 @!p0 $0x2  }
0xd6: {  	_ =	swait.ge @!p0 [sflag:s0], s1  }
0xd7: {  	s1 =	ssub.s32 @!p0 $0x0, s1;
	[sflag:s0] =	ssyncset.done @!p0 $0x0  }
0xd8: {  	[sflag:s0] =	ssyncadd.s32 @!p0 s1  }
0xd9: {  	[bflag:$0x3] =	sbarrier.arrive $0xFFFF  }
0xda: {  	_ =	shalt  }

// kernel: kernel.7.cloned.1.call-start
scs
__scs_entry_jumppad:
0x0: {  	(pc) =	sbr.rel $0x88, $3  }
0x1: {  	(tag) =	ssettag $0x0;
	lr =	simm.s32 $0x1  }
0x2: {  	[smem:$0x3F8D] =	sst lr;
	_ =	strace $0xD0000000  }
0x3: {  	_ = 	snop  }
0x4: {  	_ = 	snop  }
0x5: {  	_ = 	snop  }
0x6: {  	_ = 	snop  }
0x7: {  	_ = 	snop  }
__scs_overlays_trampoline_lowered:
0x8: {  	[smem:$0x3F9C] =	sst s0  }
0x9: {  	[smem:$0x3F9D] =	sst s1  }
0xa: {  	[smem:$0x3F9E] =	sst s2  }
0xb: {  	[smem:$0x3F9F] =	sst s3  }
0xc: {  	[smem:$0x3FA0] =	sst s4  }
0xd: {  	[smem:$0x3FA1] =	sst s5  }
0xe: {  	[smem:$0x3FA2] =	sst s6  }
0xf: {  	[smem:$0x3FA3] =	sst s7  }
0x10: {  	[smem:$0x3FA4] =	sst s8  }
0x11: {  	[smem:$0x3FA5] =	sst s9;
	s0 =	simm.s32 @!p0 $0x0  }
0x12: {  	s1 =	sld [smem:$0x3F8B];
	s0 =	simm.s32 @p0 $0x1  }
0x13: {  	[smem:$0x3FA6] =	sst s0;
	s0 =	simm.s32 @!p1 $0x0  }
0x14: {  	s2 =	sld [smem:$0x3F8A];
	s0 =	simm.s32 @p1 $0x1  }
0x15: {  	[smem:$0x3FA7] =	sst s0;
	s0 =	simm.s32 @!p2 $0x0  }
0x16: {  	s3 =	sld [smem:$0x3FDB];
	s0 =	simm.s32 @p2 $0x1  }
0x17: {  	s4 =	simm.s32 $0x1BF5;
	[smem:$0x3FA9] =	sst s0  }
0x18: {  	s0 =	sld [smem:$0x3F8C];
	_ =	swait.ge [sflag:s4], $0x0  }
0x19: {  	s7 =	sld [smem:$0x3F8D]  }
0x1a: {  	s8 =	sadd.s32 $0xFFFFE003, lr  }
0x1b: {  	s9 =	sadd.s32 $0xFFFFFEF7, lr;
	s5 =	simm.s32 $0xFFFFFFFF;
	p2 =	slt.u32 s8, $0xFFFFF086  }
0x1c: {  	p1 =	slt.u32 s9, $0xF7A;
	s5 =	simm.s32 @!p2 $0x0  }
0x1d: {  	s5 =	simm.s32 @p1 $0x1;
	p0 =	seq.s32 s7, s2  }
0x1e: {  	s7 =	smul.u32 @!p0 $0xF7A, s2;
	p2 =	seq.s32 @!p0 s5, $0x0  }
0x1f: {  	s9 =	smul.u32 $0xF7A, s1;
	s8 =	simm.s32 @!p0 $0x1BF5;
	p2 =	por !p2, p0  }
0x20: {  	[sflag:s8] =	ssyncset.s32 @!p0 $0xFFFFF086;
	s6 =	sadd.s32 @!p0 s3, s7;
	s7 =	simm.s32 @!p0 $0x108  }
0x21: {  	s3 =	sadd.s32 s3, s9;
	s6 =	sadd.s32 @!p0 $0x88, s6;
	s7 =	simm.s32 @p2 $0x1082  }
0x22: {  	[simem:s7], [sflag:s8] =	dma.local @!p0 [hbm:s6], $0xF7A  }
0x23: {  	s9 =	sor.u32 $0xD0000000, s2;
	s6 =	simm.s32 $0x108;
	_ =	swait.ge @!p0 [sflag:s8], $0x0  }
0x24: {  	s3 =	sadd.s32 $0x88, s3;
	s6 =	simm.s32 @!p1 $0x1082;
	[sflag:s4] =	ssyncset.s32 $0xFFFFF086  }
0x25: {  	[simem:s6], [sflag:s4] =	dma.local [hbm:s3], $0xF7A  }
0x26: {  	[smem:$0x3F8D] =	sst s1;
	(tag) =	ssettag s2;
	_ =	strace s9  }
0x27: {  	s1 =	sld [smem:$0x3F9D]  }
0x28: {  	s2 =	sld [smem:$0x3F9E]  }
0x29: {  	s4 =	sld [smem:$0x3FA0]  }
0x2a: {  	p0 =	seq.s32 s5, $0x0;
	s5 =	sld [smem:$0x3FA1]  }
0x2b: {  	s6 =	sld [smem:$0x3FA2]  }
0x2c: {  	s7 =	sld [smem:$0x3FA3]  }
0x2d: {  	s3 =	simm.s32 $0x108;
	s8 =	sld [smem:$0x3FA4]  }
0x2e: {  	s3 =	simm.s32 @!p0 $0x1082;
	s9 =	sld [smem:$0x3FA5]  }
0x2f: {  	lr =	sadd.s32 s0, s3;
	s0 =	sld [smem:$0x3F9C]  }
0x30: {  	s3 =	sld [smem:$0x3F9F]  }
0x31: {  	[smem:$0x3FA8] =	sst s10  }
0x32: {  	s10 =	sld [smem:$0x3FA6];
	_ =	sdelay $0x3  }
0x33: {  	p0 =	seq.s32 s10, $0x1;
	s10 =	sld [smem:$0x3FA8];
	_ =	sdelay $0x3  }
0x34: {  	[smem:$0x3FA8] =	sst s10  }
0x35: {  	s10 =	sld [smem:$0x3FA7];
	_ =	sdelay $0x3  }
0x36: {  	p1 =	seq.s32 s10, $0x1;
	s10 =	sld [smem:$0x3FA8];
	_ =	sdelay $0x3  }
0x37: {  	[smem:$0x3FA8] =	sst s10  }
0x38: {  	s10 =	sld [smem:$0x3FA9]  }
0x39: {  	_ = 	snop;
	(pc) =	sbr.ind lr, $3  }
0x3a: {  	_ = 	snop  }
0x3b: {  	_ = 	snop  }
0x3c: {  	p2 =	seq.s32 s10, $0x1;
	s10 =	sld [smem:$0x3FA8]  }
0x3d: {  	_ =	shalt  }
0x3e: {  	_ =	shalt  }
0x3f: {  	_ =	shalt  }
0x40: {  	_ =	shalt  }
0x41: {  	_ =	shalt  }
0x42: {  	_ =	shalt  }
0x43: {  	_ =	shalt  }
0x44: {  	_ =	shalt  }
0x45: {  	_ =	shalt  }
0x46: {  	_ =	shalt  }
0x47: {  	_ =	shalt  }
0x48: {  	_ =	shalt  }
0x49: {  	_ =	shalt  }
0x4a: {  	_ =	shalt  }
0x4b: {  	_ =	shalt  }
0x4c: {  	_ =	shalt  }
0x4d: {  	_ =	shalt  }
0x4e: {  	_ =	shalt  }
0x4f: {  	_ =	shalt  }
0x50: {  	_ =	shalt  }
0x51: {  	_ =	shalt  }
0x52: {  	_ =	shalt  }
0x53: {  	_ =	shalt  }
0x54: {  	_ =	shalt  }
0x55: {  	_ =	shalt  }
0x56: {  	_ =	shalt  }
0x57: {  	_ =	shalt  }
0x58: {  	_ =	shalt  }
0x59: {  	_ =	shalt  }
0x5a: {  	_ =	shalt  }
0x5b: {  	_ =	shalt  }
0x5c: {  	_ =	shalt  }
0x5d: {  	_ =	shalt  }
0x5e: {  	_ =	shalt  }
0x5f: {  	_ =	shalt  }
0x60: {  	_ =	shalt  }
0x61: {  	_ =	shalt  }
0x62: {  	_ =	shalt  }
0x63: {  	_ =	shalt  }
0x64: {  	_ =	shalt  }
0x65: {  	_ =	shalt  }
0x66: {  	_ =	shalt  }
0x67: {  	_ =	shalt  }
0x68: {  	_ =	shalt  }
0x69: {  	_ =	shalt  }
0x6a: {  	_ =	shalt  }
0x6b: {  	_ =	shalt  }
0x6c: {  	_ =	shalt  }
0x6d: {  	_ =	shalt  }
0x6e: {  	_ =	shalt  }
0x6f: {  	_ =	shalt  }
0x70: {  	_ =	shalt  }
0x71: {  	_ =	shalt  }
0x72: {  	_ =	shalt  }
0x73: {  	_ =	shalt  }
0x74: {  	_ =	shalt  }
0x75: {  	_ =	shalt  }
0x76: {  	_ =	shalt  }
0x77: {  	_ =	shalt  }
0x78: {  	_ =	shalt  }
0x79: {  	_ =	shalt  }
0x7a: {  	_ =	shalt  }
0x7b: {  	_ =	shalt  }
0x7c: {  	_ =	shalt  }
0x7d: {  	_ =	shalt  }
0x7e: {  	_ =	shalt  }
0x7f: {  	_ =	shalt  }
0x80: {  	_ =	shalt  }
0x81: {  	_ =	shalt  }
0x82: {  	_ =	shalt  }
0x83: {  	_ =	shalt  }
0x84: {  	_ =	shalt  }
0x85: {  	_ =	shalt  }
0x86: {  	_ =	shalt  }
0x87: {  	_ =	shalt  }
.Lfunc_end0:
.L_simem_size_0:
called_computation_lowered:
.L_overlay_start_0:
0x88: {  	s2 =	sld [smem:$0x3FD9]  }
0x89: {  	s3 =	sld [smem:$0x3FFE];
	_ =	sdelay $0x1  }
0x8a: {  	s1 =	srdreg.scid  }
0x8b: {  	s0 =	sand.u32 $0x1, s1  }
0x8c: {  	s14 =	sshll.u32 s0, $0xA;
	s2 =	sadd.s32 s3, s2  }
0x8d: {  	s2 =	sadd.s32 s2, s14  }
0x8e: {  	[smem:$0x3FB4] =	sst s2  }
0x8f: {  	_ = 	snop  }
0x90: {  	s2 =	sld [smem:$0x3FD0];
	_ =	sdelay $0x2  }
0x91: {  	s15 =	simm.s32 $0xA;
	s4 =	simm.s32 $0x10  }
0x92: {  	[smem:s4], [sflag:s15] =	dma.local [hbm:s2], $0x1  }
0x93: {  	_ =	swait.eq [sflag:s15], $0x1  }
0x94: {  	[sflag:s15] =	ssyncset.done $0x0  }
0x95: {  	s16 =	sld [smem:$0x10];
	[sflag:s15] =	ssyncadd.s32 $0xFFFFFFFF  }
0x96: {  	s17 =	sld [smem:$0x11];
	(tm) =	ssettm $0x1  }
0x97: {  	s18 =	sld [smem:$0x3FFB];
	_ =	sdelay $0x3  }
0x98: {  	_ =	strace s18  }
0x99: {  	s4 =	sld [smem:$0x3FFC];
	_ =	sdelay $0x3  }
0x9a: {  	_ =	strace s4  }
0x9b: {  	s4 =	sld [smem:$0x3FFD];
	_ =	sdelay $0x3  }
0x9c: {  	_ =	strace s4  }
0x9d: {  	_ =	strace $0x8FFFFFFF  }
0x9e: {  	s19 =	sld [smem:$0x3FDB];
	_ =	sdelay $0x1  }
0x9f: {  	s5 =	simm.s32 $_scs_section_size  }
0xa0: {  	s6 =	simm.s32 $_size__tile_overlayer_lowered;
	s7 =	simm.s32 $_tile_overlayer_lowered  }
0xa1: {  	s22 =	simm.s32 $0x1BFF;
	s21 =	sshll.u32 s7, $0x1;
	s4 =	sadd.s32 s5, s19  }
0xa2: {  	s8 =	simm.s32 $0x0;
	s20 =	sshll.u32 s6, $0x1;
	s6 =	sadd.s32 s21, s4  }
0xa3: {  	[timem:s8], [sflag:s22] =	dma.local [hbm:s6], s20  }
0xa4: {  	_ =	swait.ge [sflag:s22], s20  }
0xa5: {  	s5 =	ssub.s32 $0x0, s20;
	[sflag:s22] =	ssyncset.done $0x0  }
0xa6: {  	[sflag:s22] =	ssyncadd.s32 s5;
	_ =	sdelay $0x1  }
0xa7: {  	s23 =	simm.s32 $0x1B8B  }
0xa8: {  	_ =	swait.ge [sflag:s23], $0x1  }
0xa9: {  	[sflag:s23] =	ssyncset.done $0x0  }
0xaa: {  	s25 =	simm.s32 $0x1B8E;
	s24 =	sld [smem:$0x3FFE];
	[sflag:s23] =	ssyncadd.s32 $0xFFFFFFFF  }
0xab: {  	s26 =	simm.s32 $execute0_lowered;
	[smem:$0x3FD2] =	sst s25  }
0xac: {  	s6 =	sshll.u32 s26, $0x1;
	_ =	strace $0x80000046;
	[dreg:$0x1] =	wrdreg $0xFFFFFFFF  }
0xad: {  	s28 =	simm.s32 $_size_execute0_lowered;
	s4 =	sadd.s32 s4, s6;
	[dreg:$0x0] =	wrdreg $0x0  }
0xae: {  	s6 =	sshll.u32 s28, $0x1;
	[dreg:$0x2] =	wrdreg s4  }
0xaf: {  	[dreg:$0x3] =	wrdreg s6  }
0xb0: {  	[dreg:$0x4] =	wrdreg $0xC0  }
0xb1: {  	_ =	task [dreg:s8], $0x5FFFF  }
0xb2: {  	[dreg:$0x1] =	wrdreg $0xFFFFFFFF  }
0xb3: {  	[dreg:$0x0] =	wrdreg $0x60  }
0xb4: {  	[dreg:$0x2] =	wrdreg s24  }
0xb5: {  	[dreg:$0x3] =	wrdreg s17  }
0xb6: {  	[dreg:$0x4] =	wrdreg s16  }
0xb7: {  	[dreg:$0x5] =	wrdreg $0x9  }
0xb8: {  	_ =	task.clear_ibuf [dreg:s8], $0x6FFFF;
	_ =	strace $0x90000046  }
0xb9: {  	s29 =	simm.s32 $0x9;
	_ =	strace $0x80000048  }
0xba: {  	_ =	swait.ge [sflag:s29], $0x1  }
0xbb: {  	[sflag:s29] =	ssyncadd.s32 $0xFFFFFFFF  }
0xbc: {  	_ =	strace $0x90000048  }
0xbd: {  	_ =	sfence  }
0xbe: {  	s30 =	sld [smem:$0x0];
	_ =	sdelay $0x2  }
0xbf: {  	s31 =	sshll.u32 s1, $0xD;
	s1 =	sshrl.u32 s1, $0x2  }
0xc0: {  	s3 =	sand.u32 $0x4000, s31;
	s1 =	sadd.s32 s1, s30  }
0xc1: {  	s0 =	sor.u32 s3, s0;
	s1 =	sshll.u32 s1, $0x11  }
0xc2: {  	s0 =	sor.u32 s1, s0  }
0xc3: {  	s0 =	sadd.s32 $0x8F2B, s0  }
0xc4: {  	[sflag:s0] =	ssyncadd.remote.s32 $0x1  }
0xc5: {  	_ =	sfence.sel $0xFFFF  }
0xc6: {  	[dreg:$0x0] =	wrdreg $0xFFFFFFFF;
	(pc) =	sbr.abs _section_cstart, $3  }
0xc7: {  	[dreg:$0x1] =	wrdreg $0xFFFFFFFF  }
0xc8: {  	_ =	task.clear_ibuf [dreg:s8], $0x2FFFF;
	_ =	strace $0x9FFFFFFF  }
0xc9: {  	(tm) =	ssettm $0x7FFFFFFF  }
tec
execute0_lowered:
.L_overlay_start_1:
0x0: {  	(tag) =	ssettag $0x1  }
0x1: {  	s0 =	rddreg [dreg:$0x0]  }
0x2: {  	s1 =	rddreg [dreg:$0x1];
	s2 =	srdreg.scid  }
0x3: {  	s3 =	stileid.u32;
	s11 =	rddreg [dreg:$0x2];
	s6 =	sand.u32 $0x1, s2  }
0x4: {  	s3 =	sshll.u32 s3, $0x1;
	s2 =	simm.s32 $0x0;
	s8 =	sadd.s32 $0x2E00, s0  }
0x5: {  	s4 =	sor.u32 s6, s3;
	[smem:$0x7FF] =	sst s2;
	s6 =	ssub.s32 $0x2, s6  }
0x6: {  	s3 =	sshll.u32 s4, $0x6;
	_ =	strace $0x80000047;
	s7 =	smul.u32 $0x3000, s4  }
0x7: {  	s10 =	smul.u32 $0x18000, s4;
	s4 =	sadd.s32 $0xC3800, s0;
	s5 =	sadd.s32 s3, s0  }
0x8: {  	s23 =	sshrl.u32 s6, $0x1;
	s3 =	sadd.s32 $0x63800, s0;
	s5 =	sadd.s32 $0x63000, s5  }
0x9: {  	s15 =	ssub.s32 s6, s23;
	s9 =	sadd.s32 s1, s7;
	[dreg:$0x4] =	wrdreg s5  }
0xa: {  	s6 =	sadd.s32 $0x63900, s0;
	s20 =	sadd.s32 s11, s7;
	[dreg:$0x5] =	wrdreg s9  }
0xb: {  	s12 =	sor.u32 $0xC00, s7;
	s24 =	sadd.s32 s8, s7;
	[dreg:$0x6] =	wrdreg s20  }
0xc: {  	s10 =	sshrl.u32 s10, $0x3;
	s21 =	sadd.s32 s1, s12;
	[dreg:$0xa] =	wrdreg s24  }
0xd: {  	s7 =	sadd.s32 $0x63A00, s0;
	s25 =	sadd.s32 s8, s12;
	[dreg:$0x7] =	wrdreg s21  }
0xe: {  	s13 =	sadd.s32 $0x1800, s10;
	s29 =	sadd.s32 s11, s12;
	[dreg:$0xb] =	wrdreg s25  }
0xf: {  	s14 =	sadd.s32 $0x2400, s10;
	s22 =	sadd.s32 s1, s13;
	[dreg:$0xe] =	wrdreg s29  }
0x10: {  	s5 =	sadd.s32 $0x123800, s0;
	s1 =	sadd.s32 s1, s14;
	[dreg:$0x8] =	wrdreg s22  }
0x11: {  	s9 =	sadd.s32 $0xC3A00, s0;
	s26 =	sadd.s32 s8, s13;
	[dreg:$0x9] =	wrdreg s1  }
0x12: {  	s10 =	sadd.s32 $0x123900, s0;
	s28 =	sadd.s32 s8, s14;
	[dreg:$0xc] =	wrdreg s26  }
0x13: {  	v2 =	vlaneseq.u32;
	s8 =	sadd.s32 $0xC3900, s0;
	s30 =	sadd.s32 s11, s13;
	[dreg:$0xd] =	wrdreg s28  }
0x14: {  	vm0 =	vmmov $0xffff;
	v1 =	vshrl.u32 v2, $0x3;
	s31 =	sadd.s32 s11, s14;
	s11 =	sadd.s32 $0x123A00, s0;
	[dreg:$0xf] =	wrdreg s30  }
0x15: {  	v0 =	vand.u32 $0x7, v2;
	v2 =	vor.u32 $0x8, v2;
	v1 =	vmul.u32 $0x8, v1;
	s0 =	smax.u32 s15, $0x1;
	s14 =	simm.s32 $0x4;
	[dreg:$0x10] =	wrdreg s31  }
.LBB2_1:
0x16: {  	[dreg:$0x11] =	wrdreg s0  }
0x17: {  	s13 =	rddreg [dreg:$0x4];
	s15 =	simm.s32 $0x9  }
0x18: {  	[tilespmem:s2], [sflag:$0x9] =	stream.linear.gather [hbm4b:s13+s2], $0x200, $0x38;
	[tilespmem:$0x18200] =	vst v63  }
0x19: {  	_ =	swait.ge [sflag:s15], $0x200  }
0x1a: {  	[sflag:s15] =	ssyncset.done $0x0  }
0x1b: {  	s17 =	simm.s32 $0x200;
	s21 =	rddreg [dreg:$0x5];
	[sflag:s15] =	ssyncadd.s32 $0xFFFFFE00  }
0x1c: {  	[tilespmem:s17], [sflag:$0x1] =	stream.linear.gather [hbm4b:s21+s2], $0x6000, $0x38;
	[tilespmem:$0x18200] =	vst v63  }
0x1d: {  	s23 =	simm.s32 $0xC200;
	s16 =	simm.s32 $0x1;
	s22 =	rddreg [dreg:$0x6]  }
0x1e: {  	[tilespmem:s23], [sflag:$0x5] =	stream.linear.gather [hbm4b:s22+s2], $0x6000, $0x38;
	[tilespmem:$0x18200] =	vst v63  }
0x1f: {  	_ =	swait.ge [sflag:s16], $0x6000  }
0x20: {  	[sflag:s16] =	ssyncset.done $0x0  }
0x21: {  	s0 =	simm.s32 $0x6200;
	s24 =	rddreg [dreg:$0x7];
	[sflag:s16] =	ssyncadd.s32 $0xFFFFA000  }
0x22: {  	[tilespmem:s0], [sflag:$0x2] =	stream.linear.gather [hbm4b:s24+s2], $0x6000, $0x38;
	[tilespmem:$0x18200] =	vst v63  }
0x23: {  	v3 =	vld [tilespmem:$0x0];
	_ =	sdelay $0x4  }
0x24: {  	v4 =	vshrl.u32 v3, $0x3  }
0x25: {  	v4 =	vmul.u32 $0x30, v4  }
0x26: {  	v3 =	vand.u32 $0x7, v3  }
0x27: {  	v3 =	vor.u32 v3, v4  }
0x28: {  	v4 =	vperm.xlane v3, v0;
	_ =	sdelay $0x1  }
0x29: {  	v4 =	vadd.s32 v1, v4;
	_ =	sdelay $0x3  }
0x2a: {  	v3 =	vperm.xlane v3, v2  }
0x2b: {  	[hbm4b:s3+s2] =	stream.indirect_vreg.scatter [tilespmem:s17], [sflag:$0x3], $0x80, v4, vm0, $0xb8;
	[tilespmem:$0x18200] =	vst v63  }
0x2c: {  	s1 =	simm.s32 $0xA00;
	v3 =	vadd.s32 v1, v3  }
0x2d: {  	[hbm4b:s6+s2] =	stream.indirect_vreg.scatter [tilespmem:s1], [sflag:$0x3], $0x80, v4, vm0, $0xb8;
	[tilespmem:$0x18200] =	vst v63  }
0x2e: {  	s25 =	simm.s32 $0x1200  }
0x2f: {  	[hbm4b:s7+s2] =	stream.indirect_vreg.scatter [tilespmem:s25], [sflag:$0x3], $0x80, v4, vm0, $0xb8;
	[tilespmem:$0x18200] =	vst v63  }
0x30: {  	s26 =	simm.s32 $0x1A00  }
0x31: {  	[hbm4b:s3+s2] =	stream.indirect_vreg.scatter [tilespmem:s26], [sflag:$0x3], $0x80, v3, vm0, $0xb8;
	[tilespmem:$0x18200] =	vst v63  }
0x32: {  	s28 =	simm.s32 $0x2200  }
0x33: {  	[hbm4b:s6+s2] =	stream.indirect_vreg.scatter [tilespmem:s28], [sflag:$0x3], $0x80, v3, vm0, $0xb8;
	[tilespmem:$0x18200] =	vst v63  }
0x34: {  	s29 =	simm.s32 $0x2A00  }
0x35: {  	[hbm4b:s7+s2] =	stream.indirect_vreg.scatter [tilespmem:s29], [sflag:$0x3], $0x80, v3, vm0, $0xb8;
	[tilespmem:$0x18200] =	vst v63  }
0x36: {  	v3 =	vld [tilespmem:$0x10];
	_ =	sdelay $0x4  }
0x37: {  	v41 =	vshrl.u32 v3, $0x3  }
0x38: {  	v4 =	vmul.u32 $0x30, v41  }
0x39: {  	v3 =	vand.u32 $0x7, v3  }
0x3a: {  	v3 =	vor.u32 v3, v4  }
0x3b: {  	v4 =	vperm.xlane v3, v0;
	_ =	sdelay $0x1  }
0x3c: {  	v4 =	vadd.s32 v1, v4;
	_ =	sdelay $0x3  }
0x3d: {  	s30 =	simm.s32 $0x3200;
	v3 =	vperm.xlane v3, v2  }
0x3e: {  	[hbm4b:s3+s2] =	stream.indirect_vreg.scatter [tilespmem:s30], [sflag:$0x3], $0x80, v4, vm0, $0xb8;
	[tilespmem:$0x18200] =	vst v63  }
0x3f: {  	s31 =	simm.s32 $0x3A00;
	v3 =	vadd.s32 v1, v3  }
0x40: {  	[hbm4b:s6+s2] =	stream.indirect_vreg.scatter [tilespmem:s31], [sflag:$0x3], $0x80, v4, vm0, $0xb8;
	[tilespmem:$0x18200] =	vst v63  }
0x41: {  	s13 =	simm.s32 $0x4200  }
0x42: {  	[hbm4b:s7+s2] =	stream.indirect_vreg.scatter [tilespmem:s13], [sflag:$0x3], $0x80, v4, vm0, $0xb8;
	[tilespmem:$0x18200] =	vst v63  }
0x43: {  	s15 =	simm.s32 $0x4A00  }
0x44: {  	[hbm4b:s3+s2] =	stream.indirect_vreg.scatter [tilespmem:s15], [sflag:$0x3], $0x80, v3, vm0, $0xb8;
	[tilespmem:$0x18200] =	vst v63  }
0x45: {  	s21 =	simm.s32 $0x5200  }
0x46: {  	[hbm4b:s6+s2] =	stream.indirect_vreg.scatter [tilespmem:s21], [sflag:$0x3], $0x80, v3, vm0, $0xb8;
	[tilespmem:$0x18200] =	vst v63  }
0x47: {  	s22 =	simm.s32 $0x5A00;
	s30 =	simm.s32 $0x2  }
0x48: {  	[hbm4b:s7+s2] =	stream.indirect_vreg.scatter [tilespmem:s22], [sflag:$0x3], $0x80, v3, vm0, $0xb8;
	[tilespmem:$0x18200] =	vst v63  }
0x49: {  	_ =	swait.ge [sflag:s30], $0x6000  }
0x4a: {  	[sflag:s30] =	ssyncset.done $0x0  }
0x4b: {  	s31 =	simm.s32 $0x3;
	[sflag:s30] =	ssyncadd.s32 $0xFFFFA000  }
0x4c: {  	_ =	swait.ge [sflag:s31], $0x6000  }
0x4d: {  	[sflag:s31] =	ssyncset.done $0x0  }
0x4e: {  	s23 =	rddreg [dreg:$0x8];
	[sflag:s31] =	ssyncadd.s32 $0xFFFFA000  }
0x4f: {  	[tilespmem:s17], [sflag:$0x1] =	stream.linear.gather [hbm4b:s23+s2], $0x6000, $0x38;
	[tilespmem:$0x18200] =	vst v63  }
0x50: {  	v3 =	vld [tilespmem:$0x80];
	_ =	sdelay $0x4  }
0x51: {  	v42 =	vshrl.u32 v3, $0x3  }
0x52: {  	v4 =	vmul.u32 $0x30, v42  }
0x53: {  	v3 =	vand.u32 $0x7, v3  }
0x54: {  	v3 =	vor.u32 v3, v4  }
0x55: {  	v4 =	vperm.xlane v3, v0;
	_ =	sdelay $0x1  }
0x56: {  	v4 =	vadd.s32 v1, v4;
	_ =	sdelay $0x3  }
0x57: {  	v3 =	vperm.xlane v3, v2  }
0x58: {  	[hbm4b:s3+s2] =	stream.indirect_vreg.scatter [tilespmem:s0], [sflag:$0x4], $0x80, v4, vm0, $0xb8;
	[tilespmem:$0x18200] =	vst v63  }
0x59: {  	s25 =	simm.s32 $0x6A00;
	v3 =	vadd.s32 v1, v3  }
0x5a: {  	[hbm4b:s6+s2] =	stream.indirect_vreg.scatter [tilespmem:s25], [sflag:$0x4], $0x80, v4, vm0, $0xb8;
	[tilespmem:$0x18200] =	vst v63  }
0x5b: {  	s26 =	simm.s32 $0x7200  }
0x5c: {  	[hbm4b:s7+s2] =	stream.indirect_vreg.scatter [tilespmem:s26], [sflag:$0x4], $0x80, v4, vm0, $0xb8;
	[tilespmem:$0x18200] =	vst v63  }
0x5d: {  	s28 =	simm.s32 $0x7A00  }
0x5e: {  	[hbm4b:s3+s2] =	stream.indirect_vreg.scatter [tilespmem:s28], [sflag:$0x4], $0x80, v3, vm0, $0xb8;
	[tilespmem:$0x18200] =	vst v63  }
0x5f: {  	s29 =	simm.s32 $0x8200  }
0x60: {  	[hbm4b:s6+s2] =	stream.indirect_vreg.scatter [tilespmem:s29], [sflag:$0x4], $0x80, v3, vm0, $0xb8;
	[tilespmem:$0x18200] =	vst v63  }
0x61: {  	s13 =	simm.s32 $0x8A00  }
0x62: {  	[hbm4b:s7+s2] =	stream.indirect_vreg.scatter [tilespmem:s13], [sflag:$0x4], $0x80, v3, vm0, $0xb8;
	[tilespmem:$0x18200] =	vst v63  }
0x63: {  	v3 =	vld [tilespmem:$0x90];
	_ =	sdelay $0x4  }
0x64: {  	v43 =	vshrl.u32 v3, $0x3  }
0x65: {  	v4 =	vmul.u32 $0x30, v43  }
0x66: {  	v3 =	vand.u32 $0x7, v3  }
0x67: {  	v3 =	vor.u32 v3, v4  }
0x68: {  	v4 =	vperm.xlane v3, v0;
	_ =	sdelay $0x1  }
0x69: {  	v4 =	vadd.s32 v1, v4;
	_ =	sdelay $0x3  }
0x6a: {  	s15 =	simm.s32 $0x9200;
	v3 =	vperm.xlane v3, v2  }
0x6b: {  	[hbm4b:s3+s2] =	stream.indirect_vreg.scatter [tilespmem:s15], [sflag:$0x4], $0x80, v4, vm0, $0xb8;
	[tilespmem:$0x18200] =	vst v63  }
0x6c: {  	s25 =	simm.s32 $0x9A00;
	v3 =	vadd.s32 v1, v3  }
0x6d: {  	[hbm4b:s6+s2] =	stream.indirect_vreg.scatter [tilespmem:s25], [sflag:$0x4], $0x80, v4, vm0, $0xb8;
	[tilespmem:$0x18200] =	vst v63  }
0x6e: {  	s26 =	simm.s32 $0xA200  }
0x6f: {  	[hbm4b:s7+s2] =	stream.indirect_vreg.scatter [tilespmem:s26], [sflag:$0x4], $0x80, v4, vm0, $0xb8;
	[tilespmem:$0x18200] =	vst v63  }
0x70: {  	s28 =	simm.s32 $0xAA00  }
0x71: {  	[hbm4b:s3+s2] =	stream.indirect_vreg.scatter [tilespmem:s28], [sflag:$0x4], $0x80, v3, vm0, $0xb8;
	[tilespmem:$0x18200] =	vst v63  }
0x72: {  	s29 =	simm.s32 $0xB200  }
0x73: {  	[hbm4b:s6+s2] =	stream.indirect_vreg.scatter [tilespmem:s29], [sflag:$0x4], $0x80, v3, vm0, $0xb8;
	[tilespmem:$0x18200] =	vst v63  }
0x74: {  	s13 =	simm.s32 $0xBA00  }
0x75: {  	[hbm4b:s7+s2] =	stream.indirect_vreg.scatter [tilespmem:s13], [sflag:$0x4], $0x80, v3, vm0, $0xb8;
	[tilespmem:$0x18200] =	vst v63  }
0x76: {  	_ =	swait.ge [sflag:s16], $0x6000  }
0x77: {  	[sflag:s16] =	ssyncset.done $0x0  }
0x78: {  	[sflag:s16] =	ssyncadd.s32 $0xFFFFA000  }
0x79: {  	_ =	swait.ge [sflag:s14], $0x6000  }
0x7a: {  	[sflag:s14] =	ssyncset.done $0x0  }
0x7b: {  	s15 =	rddreg [dreg:$0x9];
	[sflag:s14] =	ssyncadd.s32 $0xFFFFA000  }
0x7c: {  	[tilespmem:s0], [sflag:$0x2] =	stream.linear.gather [hbm4b:s15+s2], $0x6000, $0x38;
	[tilespmem:$0x18200] =	vst v63  }
0x7d: {  	v3 =	vld [tilespmem:$0x100];
	_ =	sdelay $0x4  }
0x7e: {  	v44 =	vshrl.u32 v3, $0x3  }
0x7f: {  	v4 =	vmul.u32 $0x30, v44  }
0x80: {  	v3 =	vand.u32 $0x7, v3  }
0x81: {  	v3 =	vor.u32 v3, v4  }
0x82: {  	v4 =	vperm.xlane v3, v0;
	_ =	sdelay $0x1  }
0x83: {  	v4 =	vadd.s32 v1, v4;
	_ =	sdelay $0x3  }
0x84: {  	v3 =	vperm.xlane v3, v2  }
0x85: {  	[hbm4b:s3+s2] =	stream.indirect_vreg.scatter [tilespmem:s17], [sflag:$0x3], $0x80, v4, vm0, $0xb8;
	[tilespmem:$0x18200] =	vst v63  }
0x86: {  	s12 =	simm.s32 $0xA00;
	v3 =	vadd.s32 v1, v3  }
0x87: {  	[hbm4b:s6+s2] =	stream.indirect_vreg.scatter [tilespmem:s12], [sflag:$0x3], $0x80, v4, vm0, $0xb8;
	[tilespmem:$0x18200] =	vst v63  }
0x88: {  	s1 =	simm.s32 $0x1200  }
0x89: {  	[hbm4b:s7+s2] =	stream.indirect_vreg.scatter [tilespmem:s1], [sflag:$0x3], $0x80, v4, vm0, $0xb8;
	[tilespmem:$0x18200] =	vst v63  }
0x8a: {  	s12 =	simm.s32 $0x1A00  }
0x8b: {  	[hbm4b:s3+s2] =	stream.indirect_vreg.scatter [tilespmem:s12], [sflag:$0x3], $0x80, v3, vm0, $0xb8;
	[tilespmem:$0x18200] =	vst v63  }
0x8c: {  	s15 =	simm.s32 $0x2200  }
0x8d: {  	[hbm4b:s6+s2] =	stream.indirect_vreg.scatter [tilespmem:s15], [sflag:$0x3], $0x80, v3, vm0, $0xb8;
	[tilespmem:$0x18200] =	vst v63  }
0x8e: {  	s18 =	simm.s32 $0x2A00  }
0x8f: {  	[hbm4b:s7+s2] =	stream.indirect_vreg.scatter [tilespmem:s18], [sflag:$0x3], $0x80, v3, vm0, $0xb8;
	[tilespmem:$0x18200] =	vst v63  }
0x90: {  	v3 =	vld [tilespmem:$0x110];
	_ =	sdelay $0x4  }
0x91: {  	v45 =	vshrl.u32 v3, $0x3  }
0x92: {  	v4 =	vmul.u32 $0x30, v45  }
0x93: {  	v3 =	vand.u32 $0x7, v3  }
0x94: {  	v3 =	vor.u32 v3, v4  }
0x95: {  	v4 =	vperm.xlane v3, v0;
	_ =	sdelay $0x1  }
0x96: {  	v4 =	vadd.s32 v1, v4;
	_ =	sdelay $0x3  }
0x97: {  	s20 =	simm.s32 $0x3200;
	v3 =	vperm.xlane v3, v2  }
0x98: {  	[hbm4b:s3+s2] =	stream.indirect_vreg.scatter [tilespmem:s20], [sflag:$0x3], $0x80, v4, vm0, $0xb8;
	[tilespmem:$0x18200] =	vst v63  }
0x99: {  	s18 =	simm.s32 $0x3A00;
	v3 =	vadd.s32 v1, v3  }
0x9a: {  	[hbm4b:s6+s2] =	stream.indirect_vreg.scatter [tilespmem:s18], [sflag:$0x3], $0x80, v4, vm0, $0xb8;
	[tilespmem:$0x18200] =	vst v63  }
0x9b: {  	s19 =	simm.s32 $0x4200  }
0x9c: {  	[hbm4b:s7+s2] =	stream.indirect_vreg.scatter [tilespmem:s19], [sflag:$0x3], $0x80, v4, vm0, $0xb8;
	[tilespmem:$0x18200] =	vst v63  }
0x9d: {  	s19 =	simm.s32 $0x4A00  }
0x9e: {  	[hbm4b:s3+s2] =	stream.indirect_vreg.scatter [tilespmem:s19], [sflag:$0x3], $0x80, v3, vm0, $0xb8;
	[tilespmem:$0x18200] =	vst v63  }
0x9f: {  	s20 =	simm.s32 $0x5200  }
0xa0: {  	[hbm4b:s6+s2] =	stream.indirect_vreg.scatter [tilespmem:s20], [sflag:$0x3], $0x80, v3, vm0, $0xb8;
	[tilespmem:$0x18200] =	vst v63  }
0xa1: {  	s24 =	simm.s32 $0x5A00  }
0xa2: {  	[hbm4b:s7+s2] =	stream.indirect_vreg.scatter [tilespmem:s24], [sflag:$0x3], $0x80, v3, vm0, $0xb8;
	[tilespmem:$0x18200] =	vst v63  }
0xa3: {  	_ =	swait.ge [sflag:s30], $0x6000  }
0xa4: {  	[sflag:s30] =	ssyncset.done $0x0  }
0xa5: {  	[sflag:s30] =	ssyncadd.s32 $0xFFFFA000  }
0xa6: {  	_ =	swait.ge [sflag:s31], $0x6000  }
0xa7: {  	[sflag:s31] =	ssyncset.done $0x0  }
0xa8: {  	s24 =	rddreg [dreg:$0xa];
	[sflag:s31] =	ssyncadd.s32 $0xFFFFA000  }
0xa9: {  	[tilespmem:s17], [sflag:$0x1] =	stream.linear.gather [hbm4b:s24+s2], $0x6000, $0x38;
	[tilespmem:$0x18200] =	vst v63  }
0xaa: {  	v3 =	vld [tilespmem:$0x180];
	_ =	sdelay $0x4  }
0xab: {  	v46 =	vshrl.u32 v3, $0x3  }
0xac: {  	v4 =	vmul.u32 $0x30, v46  }
0xad: {  	v3 =	vand.u32 $0x7, v3  }
0xae: {  	v3 =	vor.u32 v3, v4  }
0xaf: {  	v4 =	vperm.xlane v3, v0;
	_ =	sdelay $0x1  }
0xb0: {  	v4 =	vadd.s32 v1, v4;
	_ =	sdelay $0x3  }
0xb1: {  	v3 =	vperm.xlane v3, v2  }
0xb2: {  	[hbm4b:s3+s2] =	stream.indirect_vreg.scatter [tilespmem:s0], [sflag:$0x4], $0x80, v4, vm0, $0xb8;
	[tilespmem:$0x18200] =	vst v63  }
0xb3: {  	s21 =	simm.s32 $0x6A00;
	v3 =	vadd.s32 v1, v3  }
0xb4: {  	[hbm4b:s6+s2] =	stream.indirect_vreg.scatter [tilespmem:s21], [sflag:$0x4], $0x80, v4, vm0, $0xb8;
	[tilespmem:$0x18200] =	vst v63  }
0xb5: {  	s21 =	simm.s32 $0x7200  }
0xb6: {  	[hbm4b:s7+s2] =	stream.indirect_vreg.scatter [tilespmem:s21], [sflag:$0x4], $0x80, v4, vm0, $0xb8;
	[tilespmem:$0x18200] =	vst v63  }
0xb7: {  	s22 =	simm.s32 $0x7A00  }
0xb8: {  	[hbm4b:s3+s2] =	stream.indirect_vreg.scatter [tilespmem:s22], [sflag:$0x4], $0x80, v3, vm0, $0xb8;
	[tilespmem:$0x18200] =	vst v63  }
0xb9: {  	s23 =	simm.s32 $0x8200  }
0xba: {  	[hbm4b:s6+s2] =	stream.indirect_vreg.scatter [tilespmem:s23], [sflag:$0x4], $0x80, v3, vm0, $0xb8;
	[tilespmem:$0x18200] =	vst v63  }
0xbb: {  	s22 =	simm.s32 $0x8A00  }
0xbc: {  	[hbm4b:s7+s2] =	stream.indirect_vreg.scatter [tilespmem:s22], [sflag:$0x4], $0x80, v3, vm0, $0xb8;
	[tilespmem:$0x18200] =	vst v63  }
0xbd: {  	v3 =	vld [tilespmem:$0x190];
	_ =	sdelay $0x4  }
0xbe: {  	v47 =	vshrl.u32 v3, $0x3  }
0xbf: {  	v4 =	vmul.u32 $0x30, v47  }
0xc0: {  	v3 =	vand.u32 $0x7, v3  }
0xc1: {  	v3 =	vor.u32 v3, v4  }
0xc2: {  	v4 =	vperm.xlane v3, v0;
	_ =	sdelay $0x1  }
0xc3: {  	v4 =	vadd.s32 v1, v4;
	_ =	sdelay $0x3  }
0xc4: {  	s23 =	simm.s32 $0x9200;
	v3 =	vperm.xlane v3, v2  }
0xc5: {  	[hbm4b:s3+s2] =	stream.indirect_vreg.scatter [tilespmem:s23], [sflag:$0x4], $0x80, v4, vm0, $0xb8;
	[tilespmem:$0x18200] =	vst v63  }
0xc6: {  	s13 =	simm.s32 $0x9A00;
	v3 =	vadd.s32 v1, v3  }
0xc7: {  	[hbm4b:s6+s2] =	stream.indirect_vreg.scatter [tilespmem:s13], [sflag:$0x4], $0x80, v4, vm0, $0xb8;
	[tilespmem:$0x18200] =	vst v63  }
0xc8: {  	s13 =	simm.s32 $0xA200  }
0xc9: {  	[hbm4b:s7+s2] =	stream.indirect_vreg.scatter [tilespmem:s13], [sflag:$0x4], $0x80, v4, vm0, $0xb8;
	[tilespmem:$0x18200] =	vst v63  }
0xca: {  	s13 =	simm.s32 $0xAA00  }
0xcb: {  	[hbm4b:s3+s2] =	stream.indirect_vreg.scatter [tilespmem:s13], [sflag:$0x4], $0x80, v3, vm0, $0xb8;
	[tilespmem:$0x18200] =	vst v63  }
0xcc: {  	s13 =	simm.s32 $0xB200  }
0xcd: {  	[hbm4b:s6+s2] =	stream.indirect_vreg.scatter [tilespmem:s13], [sflag:$0x4], $0x80, v3, vm0, $0xb8;
	[tilespmem:$0x18200] =	vst v63  }
0xce: {  	s25 =	simm.s32 $0xBA00  }
0xcf: {  	[hbm4b:s7+s2] =	stream.indirect_vreg.scatter [tilespmem:s25], [sflag:$0x4], $0x80, v3, vm0, $0xb8;
	[tilespmem:$0x18200] =	vst v63  }
0xd0: {  	_ =	swait.ge [sflag:s16], $0x6000  }
0xd1: {  	[sflag:s16] =	ssyncset.done $0x0  }
0xd2: {  	[sflag:s16] =	ssyncadd.s32 $0xFFFFA000  }
0xd3: {  	_ =	swait.ge [sflag:s14], $0x6000  }
0xd4: {  	[sflag:s14] =	ssyncset.done $0x0  }
0xd5: {  	s25 =	rddreg [dreg:$0xb];
	[sflag:s14] =	ssyncadd.s32 $0xFFFFA000  }
0xd6: {  	[tilespmem:s0], [sflag:$0x2] =	stream.linear.gather [hbm4b:s25+s2], $0x6000, $0x38;
	[tilespmem:$0x18200] =	vst v63  }
0xd7: {  	v3 =	vld [tilespmem:$0x0];
	_ =	sdelay $0x4  }
0xd8: {  	v48 =	vshrl.u32 v3, $0x3  }
0xd9: {  	v4 =	vmul.u32 $0x30, v48  }
0xda: {  	v3 =	vand.u32 $0x7, v3  }
0xdb: {  	v3 =	vor.u32 v3, v4  }
0xdc: {  	v4 =	vperm.xlane v3, v0;
	_ =	sdelay $0x1  }
0xdd: {  	v4 =	vadd.s32 v1, v4;
	_ =	sdelay $0x3  }
0xde: {  	v3 =	vperm.xlane v3, v2  }
0xdf: {  	[hbm4b:s4+s2] =	stream.indirect_vreg.scatter [tilespmem:s17], [sflag:$0x3], $0x80, v4, vm0, $0xb8;
	[tilespmem:$0x18200] =	vst v63  }
0xe0: {  	s25 =	simm.s32 $0xA00;
	v3 =	vadd.s32 v1, v3  }
0xe1: {  	[hbm4b:s8+s2] =	stream.indirect_vreg.scatter [tilespmem:s25], [sflag:$0x3], $0x80, v4, vm0, $0xb8;
	[tilespmem:$0x18200] =	vst v63  }
0xe2: {  	_ = 	snop  }
0xe3: {  	[hbm4b:s9+s2] =	stream.indirect_vreg.scatter [tilespmem:s1], [sflag:$0x3], $0x80, v4, vm0, $0xb8;
	[tilespmem:$0x18200] =	vst v63  }
0xe4: {  	_ = 	snop  }
0xe5: {  	[hbm4b:s4+s2] =	stream.indirect_vreg.scatter [tilespmem:s12], [sflag:$0x3], $0x80, v3, vm0, $0xb8;
	[tilespmem:$0x18200] =	vst v63  }
0xe6: {  	_ = 	snop  }
0xe7: {  	[hbm4b:s8+s2] =	stream.indirect_vreg.scatter [tilespmem:s15], [sflag:$0x3], $0x80, v3, vm0, $0xb8;
	[tilespmem:$0x18200] =	vst v63  }
0xe8: {  	s28 =	simm.s32 $0x2A00  }
0xe9: {  	[hbm4b:s9+s2] =	stream.indirect_vreg.scatter [tilespmem:s28], [sflag:$0x3], $0x80, v3, vm0, $0xb8;
	[tilespmem:$0x18200] =	vst v63  }
0xea: {  	v3 =	vld [tilespmem:$0x10];
	_ =	sdelay $0x4  }
0xeb: {  	v49 =	vshrl.u32 v3, $0x3  }
0xec: {  	v4 =	vmul.u32 $0x30, v49  }
0xed: {  	v3 =	vand.u32 $0x7, v3  }
0xee: {  	v3 =	vor.u32 v3, v4  }
0xef: {  	v4 =	vperm.xlane v3, v0;
	_ =	sdelay $0x1  }
0xf0: {  	v4 =	vadd.s32 v1, v4;
	_ =	sdelay $0x3  }
0xf1: {  	s29 =	simm.s32 $0x3200;
	v3 =	vperm.xlane v3, v2  }
0xf2: {  	[hbm4b:s4+s2] =	stream.indirect_vreg.scatter [tilespmem:s29], [sflag:$0x3], $0x80, v4, vm0, $0xb8;
	[tilespmem:$0x18200] =	vst v63  }
0xf3: {  	v3 =	vadd.s32 v1, v3  }
0xf4: {  	[hbm4b:s8+s2] =	stream.indirect_vreg.scatter [tilespmem:s18], [sflag:$0x3], $0x80, v4, vm0, $0xb8;
	[tilespmem:$0x18200] =	vst v63  }
0xf5: {  	s25 =	simm.s32 $0x4200  }
0xf6: {  	[hbm4b:s9+s2] =	stream.indirect_vreg.scatter [tilespmem:s25], [sflag:$0x3], $0x80, v4, vm0, $0xb8;
	[tilespmem:$0x18200] =	vst v63  }
0xf7: {  	_ = 	snop  }
0xf8: {  	[hbm4b:s4+s2] =	stream.indirect_vreg.scatter [tilespmem:s19], [sflag:$0x3], $0x80, v3, vm0, $0xb8;
	[tilespmem:$0x18200] =	vst v63  }
0xf9: {  	_ = 	snop  }
0xfa: {  	[hbm4b:s8+s2] =	stream.indirect_vreg.scatter [tilespmem:s20], [sflag:$0x3], $0x80, v3, vm0, $0xb8;
	[tilespmem:$0x18200] =	vst v63  }
0xfb: {  	s26 =	simm.s32 $0x5A00  }
0xfc: {  	[hbm4b:s9+s2] =	stream.indirect_vreg.scatter [tilespmem:s26], [sflag:$0x3], $0x80, v3, vm0, $0xb8;
	[tilespmem:$0x18200] =	vst v63  }
0xfd: {  	_ =	swait.ge [sflag:s30], $0x6000  }
0xfe: {  	[sflag:s30] =	ssyncset.done $0x0  }
0xff: {  	[sflag:s30] =	ssyncadd.s32 $0xFFFFA000  }
0x100: {  	_ =	swait.ge [sflag:s31], $0x6000  }
0x101: {  	[sflag:s31] =	ssyncset.done $0x0  }
0x102: {  	s1 =	rddreg [dreg:$0xc];
	[sflag:s31] =	ssyncadd.s32 $0xFFFFA000  }
0x103: {  	[tilespmem:s17], [sflag:$0x1] =	stream.linear.gather [hbm4b:s1+s2], $0x6000, $0x38;
	[tilespmem:$0x18200] =	vst v63  }
0x104: {  	v3 =	vld [tilespmem:$0x80];
	_ =	sdelay $0x4  }
0x105: {  	v50 =	vshrl.u32 v3, $0x3  }
0x106: {  	v4 =	vmul.u32 $0x30, v50  }
0x107: {  	v3 =	vand.u32 $0x7, v3  }
0x108: {  	v3 =	vor.u32 v3, v4  }
0x109: {  	v4 =	vperm.xlane v3, v0;
	_ =	sdelay $0x1  }
0x10a: {  	v4 =	vadd.s32 v1, v4;
	_ =	sdelay $0x3  }
0x10b: {  	v3 =	vperm.xlane v3, v2  }
0x10c: {  	[hbm4b:s4+s2] =	stream.indirect_vreg.scatter [tilespmem:s0], [sflag:$0x4], $0x80, v4, vm0, $0xb8;
	[tilespmem:$0x18200] =	vst v63  }
0x10d: {  	s12 =	simm.s32 $0x6A00;
	v3 =	vadd.s32 v1, v3  }
0x10e: {  	[hbm4b:s8+s2] =	stream.indirect_vreg.scatter [tilespmem:s12], [sflag:$0x4], $0x80, v4, vm0, $0xb8;
	[tilespmem:$0x18200] =	vst v63  }
0x10f: {  	_ = 	snop  }
0x110: {  	[hbm4b:s9+s2] =	stream.indirect_vreg.scatter [tilespmem:s21], [sflag:$0x4], $0x80, v4, vm0, $0xb8;
	[tilespmem:$0x18200] =	vst v63  }
0x111: {  	s24 =	simm.s32 $0x7A00  }
0x112: {  	[hbm4b:s4+s2] =	stream.indirect_vreg.scatter [tilespmem:s24], [sflag:$0x4], $0x80, v3, vm0, $0xb8;
	[tilespmem:$0x18200] =	vst v63  }
0x113: {  	s13 =	simm.s32 $0x8200  }
0x114: {  	[hbm4b:s8+s2] =	stream.indirect_vreg.scatter [tilespmem:s13], [sflag:$0x4], $0x80, v3, vm0, $0xb8;
	[tilespmem:$0x18200] =	vst v63  }
0x115: {  	_ = 	snop  }
0x116: {  	[hbm4b:s9+s2] =	stream.indirect_vreg.scatter [tilespmem:s22], [sflag:$0x4], $0x80, v3, vm0, $0xb8;
	[tilespmem:$0x18200] =	vst v63  }
0x117: {  	v3 =	vld [tilespmem:$0x90];
	_ =	sdelay $0x4  }
0x118: {  	v51 =	vshrl.u32 v3, $0x3  }
0x119: {  	v4 =	vmul.u32 $0x30, v51  }
0x11a: {  	v3 =	vand.u32 $0x7, v3  }
0x11b: {  	v3 =	vor.u32 v3, v4  }
0x11c: {  	v4 =	vperm.xlane v3, v0;
	_ =	sdelay $0x1  }
0x11d: {  	v4 =	vadd.s32 v1, v4;
	_ =	sdelay $0x3  }
0x11e: {  	v3 =	vperm.xlane v3, v2  }
0x11f: {  	[hbm4b:s4+s2] =	stream.indirect_vreg.scatter [tilespmem:s23], [sflag:$0x4], $0x80, v4, vm0, $0xb8;
	[tilespmem:$0x18200] =	vst v63  }
0x120: {  	s15 =	simm.s32 $0x9A00;
	v3 =	vadd.s32 v1, v3  }
0x121: {  	[hbm4b:s8+s2] =	stream.indirect_vreg.scatter [tilespmem:s15], [sflag:$0x4], $0x80, v4, vm0, $0xb8;
	[tilespmem:$0x18200] =	vst v63  }
0x122: {  	s18 =	simm.s32 $0xA200  }
0x123: {  	[hbm4b:s9+s2] =	stream.indirect_vreg.scatter [tilespmem:s18], [sflag:$0x4], $0x80, v4, vm0, $0xb8;
	[tilespmem:$0x18200] =	vst v63  }
0x124: {  	s19 =	simm.s32 $0xAA00  }
0x125: {  	[hbm4b:s4+s2] =	stream.indirect_vreg.scatter [tilespmem:s19], [sflag:$0x4], $0x80, v3, vm0, $0xb8;
	[tilespmem:$0x18200] =	vst v63  }
0x126: {  	s20 =	simm.s32 $0xB200  }
0x127: {  	[hbm4b:s8+s2] =	stream.indirect_vreg.scatter [tilespmem:s20], [sflag:$0x4], $0x80, v3, vm0, $0xb8;
	[tilespmem:$0x18200] =	vst v63  }
0x128: {  	s24 =	simm.s32 $0xBA00  }
0x129: {  	[hbm4b:s9+s2] =	stream.indirect_vreg.scatter [tilespmem:s24], [sflag:$0x4], $0x80, v3, vm0, $0xb8;
	[tilespmem:$0x18200] =	vst v63  }
0x12a: {  	_ =	swait.ge [sflag:s16], $0x6000  }
0x12b: {  	[sflag:s16] =	ssyncset.done $0x0  }
0x12c: {  	[sflag:s16] =	ssyncadd.s32 $0xFFFFA000  }
0x12d: {  	_ =	swait.ge [sflag:s14], $0x6000  }
0x12e: {  	[sflag:s14] =	ssyncset.done $0x0  }
0x12f: {  	s16 =	rddreg [dreg:$0xd];
	[sflag:s14] =	ssyncadd.s32 $0xFFFFA000  }
0x130: {  	[tilespmem:s0], [sflag:$0x2] =	stream.linear.gather [hbm4b:s16+s2], $0x6000, $0x38;
	[tilespmem:$0x18200] =	vst v63  }
0x131: {  	v3 =	vld [tilespmem:$0x100];
	_ =	sdelay $0x4  }
0x132: {  	v52 =	vshrl.u32 v3, $0x3  }
0x133: {  	v4 =	vmul.u32 $0x30, v52  }
0x134: {  	v3 =	vand.u32 $0x7, v3  }
0x135: {  	v3 =	vor.u32 v3, v4  }
0x136: {  	v4 =	vperm.xlane v3, v0;
	_ =	sdelay $0x1  }
0x137: {  	v4 =	vadd.s32 v1, v4;
	_ =	sdelay $0x3  }
0x138: {  	v3 =	vperm.xlane v3, v2  }
0x139: {  	[hbm4b:s4+s2] =	stream.indirect_vreg.scatter [tilespmem:s17], [sflag:$0x3], $0x80, v4, vm0, $0xb8;
	[tilespmem:$0x18200] =	vst v63  }
0x13a: {  	s16 =	simm.s32 $0xA00;
	v3 =	vadd.s32 v1, v3  }
0x13b: {  	[hbm4b:s8+s2] =	stream.indirect_vreg.scatter [tilespmem:s16], [sflag:$0x3], $0x80, v4, vm0, $0xb8;
	[tilespmem:$0x18200] =	vst v63  }
0x13c: {  	s17 =	simm.s32 $0x1200  }
0x13d: {  	[hbm4b:s9+s2] =	stream.indirect_vreg.scatter [tilespmem:s17], [sflag:$0x3], $0x80, v4, vm0, $0xb8;
	[tilespmem:$0x18200] =	vst v63  }
0x13e: {  	s16 =	simm.s32 $0x1A00  }
0x13f: {  	[hbm4b:s4+s2] =	stream.indirect_vreg.scatter [tilespmem:s16], [sflag:$0x3], $0x80, v3, vm0, $0xb8;
	[tilespmem:$0x18200] =	vst v63  }
0x140: {  	s17 =	simm.s32 $0x2200  }
0x141: {  	[hbm4b:s8+s2] =	stream.indirect_vreg.scatter [tilespmem:s17], [sflag:$0x3], $0x80, v3, vm0, $0xb8;
	[tilespmem:$0x18200] =	vst v63  }
0x142: {  	s28 =	simm.s32 $0x2A00  }
0x143: {  	[hbm4b:s9+s2] =	stream.indirect_vreg.scatter [tilespmem:s28], [sflag:$0x3], $0x80, v3, vm0, $0xb8;
	[tilespmem:$0x18200] =	vst v63  }
0x144: {  	v3 =	vld [tilespmem:$0x110];
	_ =	sdelay $0x4  }
0x145: {  	v53 =	vshrl.u32 v3, $0x3  }
0x146: {  	v4 =	vmul.u32 $0x30, v53  }
0x147: {  	v3 =	vand.u32 $0x7, v3  }
0x148: {  	v3 =	vor.u32 v3, v4  }
0x149: {  	v4 =	vperm.xlane v3, v0;
	_ =	sdelay $0x1  }
0x14a: {  	v4 =	vadd.s32 v1, v4;
	_ =	sdelay $0x3  }
0x14b: {  	s29 =	simm.s32 $0x3200;
	v3 =	vperm.xlane v3, v2  }
0x14c: {  	[hbm4b:s4+s2] =	stream.indirect_vreg.scatter [tilespmem:s29], [sflag:$0x3], $0x80, v4, vm0, $0xb8;
	[tilespmem:$0x18200] =	vst v63  }
0x14d: {  	s28 =	simm.s32 $0x3A00;
	v3 =	vadd.s32 v1, v3  }
0x14e: {  	[hbm4b:s8+s2] =	stream.indirect_vreg.scatter [tilespmem:s28], [sflag:$0x3], $0x80, v4, vm0, $0xb8;
	[tilespmem:$0x18200] =	vst v63  }
0x14f: {  	s29 =	simm.s32 $0x4200  }
0x150: {  	[hbm4b:s9+s2] =	stream.indirect_vreg.scatter [tilespmem:s29], [sflag:$0x3], $0x80, v4, vm0, $0xb8;
	[tilespmem:$0x18200] =	vst v63  }
0x151: {  	s16 =	simm.s32 $0x4A00  }
0x152: {  	[hbm4b:s4+s2] =	stream.indirect_vreg.scatter [tilespmem:s16], [sflag:$0x3], $0x80, v3, vm0, $0xb8;
	[tilespmem:$0x18200] =	vst v63  }
0x153: {  	s17 =	simm.s32 $0x5200  }
0x154: {  	[hbm4b:s8+s2] =	stream.indirect_vreg.scatter [tilespmem:s17], [sflag:$0x3], $0x80, v3, vm0, $0xb8;
	[tilespmem:$0x18200] =	vst v63  }
0x155: {  	s26 =	simm.s32 $0x5A00  }
0x156: {  	[hbm4b:s9+s2] =	stream.indirect_vreg.scatter [tilespmem:s26], [sflag:$0x3], $0x80, v3, vm0, $0xb8;
	[tilespmem:$0x18200] =	vst v63  }
0x157: {  	_ =	swait.ge [sflag:s30], $0x6000  }
0x158: {  	[sflag:s30] =	ssyncset.done $0x0  }
0x159: {  	[sflag:s30] =	ssyncadd.s32 $0xFFFFA000  }
0x15a: {  	_ =	swait.ge [sflag:s31], $0x6000  }
0x15b: {  	[sflag:s31] =	ssyncset.done $0x0  }
0x15c: {  	[sflag:s31] =	ssyncadd.s32 $0xFFFFA000  }
0x15d: {  	v3 =	vld [tilespmem:$0x180];
	_ =	sdelay $0x4  }
0x15e: {  	v54 =	vshrl.u32 v3, $0x3  }
0x15f: {  	v4 =	vmul.u32 $0x30, v54  }
0x160: {  	v3 =	vand.u32 $0x7, v3  }
0x161: {  	v3 =	vor.u32 v3, v4  }
0x162: {  	v4 =	vperm.xlane v3, v0;
	_ =	sdelay $0x1  }
0x163: {  	v4 =	vadd.s32 v1, v4;
	_ =	sdelay $0x3  }
0x164: {  	v3 =	vperm.xlane v3, v2  }
0x165: {  	[hbm4b:s4+s2] =	stream.indirect_vreg.scatter [tilespmem:s0], [sflag:$0x4], $0x80, v4, vm0, $0xb8;
	[tilespmem:$0x18200] =	vst v63  }
0x166: {  	s1 =	simm.s32 $0x6A00;
	v3 =	vadd.s32 v1, v3  }
0x167: {  	[hbm4b:s8+s2] =	stream.indirect_vreg.scatter [tilespmem:s1], [sflag:$0x4], $0x80, v4, vm0, $0xb8;
	[tilespmem:$0x18200] =	vst v63  }
0x168: {  	s21 =	simm.s32 $0x7200  }
0x169: {  	[hbm4b:s9+s2] =	stream.indirect_vreg.scatter [tilespmem:s21], [sflag:$0x4], $0x80, v4, vm0, $0xb8;
	[tilespmem:$0x18200] =	vst v63  }
0x16a: {  	s25 =	simm.s32 $0x7A00  }
0x16b: {  	[hbm4b:s4+s2] =	stream.indirect_vreg.scatter [tilespmem:s25], [sflag:$0x4], $0x80, v3, vm0, $0xb8;
	[tilespmem:$0x18200] =	vst v63  }
0x16c: {  	s12 =	simm.s32 $0x8200  }
0x16d: {  	[hbm4b:s8+s2] =	stream.indirect_vreg.scatter [tilespmem:s12], [sflag:$0x4], $0x80, v3, vm0, $0xb8;
	[tilespmem:$0x18200] =	vst v63  }
0x16e: {  	s22 =	simm.s32 $0x8A00  }
0x16f: {  	[hbm4b:s9+s2] =	stream.indirect_vreg.scatter [tilespmem:s22], [sflag:$0x4], $0x80, v3, vm0, $0xb8;
	[tilespmem:$0x18200] =	vst v63  }
0x170: {  	v3 =	vld [tilespmem:$0x190];
	_ =	sdelay $0x4  }
0x171: {  	v55 =	vshrl.u32 v3, $0x3  }
0x172: {  	v4 =	vmul.u32 $0x30, v55  }
0x173: {  	v3 =	vand.u32 $0x7, v3  }
0x174: {  	v3 =	vor.u32 v3, v4  }
0x175: {  	v4 =	vperm.xlane v3, v0;
	_ =	sdelay $0x1  }
0x176: {  	v4 =	vadd.s32 v1, v4;
	_ =	sdelay $0x3  }
0x177: {  	s23 =	simm.s32 $0x9200;
	v3 =	vperm.xlane v3, v2  }
0x178: {  	[hbm4b:s4+s2] =	stream.indirect_vreg.scatter [tilespmem:s23], [sflag:$0x4], $0x80, v4, vm0, $0xb8;
	[tilespmem:$0x18200] =	vst v63  }
0x179: {  	s15 =	simm.s32 $0x9A00;
	v3 =	vadd.s32 v1, v3  }
0x17a: {  	[hbm4b:s8+s2] =	stream.indirect_vreg.scatter [tilespmem:s15], [sflag:$0x4], $0x80, v4, vm0, $0xb8;
	[tilespmem:$0x18200] =	vst v63  }
0x17b: {  	s18 =	simm.s32 $0xA200  }
0x17c: {  	[hbm4b:s9+s2] =	stream.indirect_vreg.scatter [tilespmem:s18], [sflag:$0x4], $0x80, v4, vm0, $0xb8;
	[tilespmem:$0x18200] =	vst v63  }
0x17d: {  	s19 =	simm.s32 $0xAA00  }
0x17e: {  	[hbm4b:s4+s2] =	stream.indirect_vreg.scatter [tilespmem:s19], [sflag:$0x4], $0x80, v3, vm0, $0xb8;
	[tilespmem:$0x18200] =	vst v63  }
0x17f: {  	s20 =	simm.s32 $0xB200  }
0x180: {  	[hbm4b:s8+s2] =	stream.indirect_vreg.scatter [tilespmem:s20], [sflag:$0x4], $0x80, v3, vm0, $0xb8;
	[tilespmem:$0x18200] =	vst v63  }
0x181: {  	s24 =	simm.s32 $0xBA00;
	s0 =	simm.s32 $0x5  }
0x182: {  	[hbm4b:s9+s2] =	stream.indirect_vreg.scatter [tilespmem:s24], [sflag:$0x4], $0x80, v3, vm0, $0xb8;
	[tilespmem:$0x18200] =	vst v63  }
0x183: {  	_ =	swait.ge [sflag:s0], $0x6000  }
0x184: {  	[sflag:s0] =	ssyncset.done $0x0  }
0x185: {  	s12 =	simm.s32 $0x12200;
	s20 =	rddreg [dreg:$0xe];
	[sflag:s0] =	ssyncadd.s32 $0xFFFFA000  }
0x186: {  	[tilespmem:s12], [sflag:$0x6] =	stream.linear.gather [hbm4b:s20+s2], $0x6000, $0x38;
	[tilespmem:$0x18200] =	vst v63  }
0x187: {  	v3 =	vld [tilespmem:$0x0];
	_ =	sdelay $0x4  }
0x188: {  	v56 =	vshrl.u32 v3, $0x3  }
0x189: {  	v4 =	vmul.u32 $0x30, v56  }
0x18a: {  	v3 =	vand.u32 $0x7, v3  }
0x18b: {  	v3 =	vor.u32 v3, v4  }
0x18c: {  	v4 =	vperm.xlane v3, v0;
	_ =	sdelay $0x1  }
0x18d: {  	v4 =	vadd.s32 v1, v4;
	_ =	sdelay $0x3  }
0x18e: {  	s21 =	simm.s32 $0xC200;
	v3 =	vperm.xlane v3, v2  }
0x18f: {  	[hbm4b:s5+s2] =	stream.indirect_vreg.scatter [tilespmem:s21], [sflag:$0x7], $0x80, v4, vm0, $0xb8;
	[tilespmem:$0x18200] =	vst v63  }
0x190: {  	s22 =	simm.s32 $0xCA00;
	v3 =	vadd.s32 v1, v3  }
0x191: {  	[hbm4b:s10+s2] =	stream.indirect_vreg.scatter [tilespmem:s22], [sflag:$0x7], $0x80, v4, vm0, $0xb8;
	[tilespmem:$0x18200] =	vst v63  }
0x192: {  	s23 =	simm.s32 $0xD200  }
0x193: {  	[hbm4b:s11+s2] =	stream.indirect_vreg.scatter [tilespmem:s23], [sflag:$0x7], $0x80, v4, vm0, $0xb8;
	[tilespmem:$0x18200] =	vst v63  }
0x194: {  	s24 =	simm.s32 $0xDA00  }
0x195: {  	[hbm4b:s5+s2] =	stream.indirect_vreg.scatter [tilespmem:s24], [sflag:$0x7], $0x80, v3, vm0, $0xb8;
	[tilespmem:$0x18200] =	vst v63  }
0x196: {  	s25 =	simm.s32 $0xE200  }
0x197: {  	[hbm4b:s10+s2] =	stream.indirect_vreg.scatter [tilespmem:s25], [sflag:$0x7], $0x80, v3, vm0, $0xb8;
	[tilespmem:$0x18200] =	vst v63  }
0x198: {  	s26 =	simm.s32 $0xEA00  }
0x199: {  	[hbm4b:s11+s2] =	stream.indirect_vreg.scatter [tilespmem:s26], [sflag:$0x7], $0x80, v3, vm0, $0xb8;
	[tilespmem:$0x18200] =	vst v63  }
0x19a: {  	v3 =	vld [tilespmem:$0x10];
	_ =	sdelay $0x4  }
0x19b: {  	v57 =	vshrl.u32 v3, $0x3  }
0x19c: {  	v4 =	vmul.u32 $0x30, v57  }
0x19d: {  	v3 =	vand.u32 $0x7, v3  }
0x19e: {  	v3 =	vor.u32 v3, v4  }
0x19f: {  	v4 =	vperm.xlane v3, v0;
	_ =	sdelay $0x1  }
0x1a0: {  	v4 =	vadd.s32 v1, v4;
	_ =	sdelay $0x3  }
0x1a1: {  	s28 =	simm.s32 $0xF200;
	v3 =	vperm.xlane v3, v2  }
0x1a2: {  	[hbm4b:s5+s2] =	stream.indirect_vreg.scatter [tilespmem:s28], [sflag:$0x7], $0x80, v4, vm0, $0xb8;
	[tilespmem:$0x18200] =	vst v63  }
0x1a3: {  	s29 =	simm.s32 $0xFA00;
	v3 =	vadd.s32 v1, v3  }
0x1a4: {  	[hbm4b:s10+s2] =	stream.indirect_vreg.scatter [tilespmem:s29], [sflag:$0x7], $0x80, v4, vm0, $0xb8;
	[tilespmem:$0x18200] =	vst v63  }
0x1a5: {  	s30 =	simm.s32 $0x10200  }
0x1a6: {  	[hbm4b:s11+s2] =	stream.indirect_vreg.scatter [tilespmem:s30], [sflag:$0x7], $0x80, v4, vm0, $0xb8;
	[tilespmem:$0x18200] =	vst v63  }
0x1a7: {  	s23 =	simm.s32 $0x10A00  }
0x1a8: {  	[hbm4b:s5+s2] =	stream.indirect_vreg.scatter [tilespmem:s23], [sflag:$0x7], $0x80, v3, vm0, $0xb8;
	[tilespmem:$0x18200] =	vst v63  }
0x1a9: {  	s24 =	simm.s32 $0x11200  }
0x1aa: {  	[hbm4b:s10+s2] =	stream.indirect_vreg.scatter [tilespmem:s24], [sflag:$0x7], $0x80, v3, vm0, $0xb8;
	[tilespmem:$0x18200] =	vst v63  }
0x1ab: {  	s26 =	simm.s32 $0x11A00;
	s28 =	simm.s32 $0x6  }
0x1ac: {  	[hbm4b:s11+s2] =	stream.indirect_vreg.scatter [tilespmem:s26], [sflag:$0x7], $0x80, v3, vm0, $0xb8;
	[tilespmem:$0x18200] =	vst v63  }
0x1ad: {  	_ =	swait.ge [sflag:s28], $0x6000  }
0x1ae: {  	[sflag:s28] =	ssyncset.done $0x0  }
0x1af: {  	s29 =	simm.s32 $0x7;
	[sflag:s28] =	ssyncadd.s32 $0xFFFFA000  }
0x1b0: {  	_ =	swait.ge [sflag:s29], $0x6000  }
0x1b1: {  	[sflag:s29] =	ssyncset.done $0x0  }
0x1b2: {  	s31 =	rddreg [dreg:$0xf];
	[sflag:s29] =	ssyncadd.s32 $0xFFFFA000  }
0x1b3: {  	[tilespmem:s21], [sflag:$0x5] =	stream.linear.gather [hbm4b:s31+s2], $0x6000, $0x38;
	[tilespmem:$0x18200] =	vst v63  }
0x1b4: {  	v3 =	vld [tilespmem:$0x80];
	_ =	sdelay $0x4  }
0x1b5: {  	v58 =	vshrl.u32 v3, $0x3  }
0x1b6: {  	v4 =	vmul.u32 $0x30, v58  }
0x1b7: {  	v3 =	vand.u32 $0x7, v3  }
0x1b8: {  	v3 =	vor.u32 v3, v4  }
0x1b9: {  	v4 =	vperm.xlane v3, v0;
	_ =	sdelay $0x1  }
0x1ba: {  	v4 =	vadd.s32 v1, v4;
	_ =	sdelay $0x3  }
0x1bb: {  	v3 =	vperm.xlane v3, v2  }
0x1bc: {  	[hbm4b:s5+s2] =	stream.indirect_vreg.scatter [tilespmem:s12], [sflag:$0x8], $0x80, v4, vm0, $0xb8;
	[tilespmem:$0x18200] =	vst v63  }
0x1bd: {  	s16 =	simm.s32 $0x12A00;
	v3 =	vadd.s32 v1, v3  }
0x1be: {  	[hbm4b:s10+s2] =	stream.indirect_vreg.scatter [tilespmem:s16], [sflag:$0x8], $0x80, v4, vm0, $0xb8;
	[tilespmem:$0x18200] =	vst v63  }
0x1bf: {  	s30 =	simm.s32 $0x13200  }
0x1c0: {  	[hbm4b:s11+s2] =	stream.indirect_vreg.scatter [tilespmem:s30], [sflag:$0x8], $0x80, v4, vm0, $0xb8;
	[tilespmem:$0x18200] =	vst v63  }
0x1c1: {  	s31 =	simm.s32 $0x13A00  }
0x1c2: {  	[hbm4b:s5+s2] =	stream.indirect_vreg.scatter [tilespmem:s31], [sflag:$0x8], $0x80, v3, vm0, $0xb8;
	[tilespmem:$0x18200] =	vst v63  }
0x1c3: {  	s25 =	simm.s32 $0x14200  }
0x1c4: {  	[hbm4b:s10+s2] =	stream.indirect_vreg.scatter [tilespmem:s25], [sflag:$0x8], $0x80, v3, vm0, $0xb8;
	[tilespmem:$0x18200] =	vst v63  }
0x1c5: {  	s22 =	simm.s32 $0x14A00  }
0x1c6: {  	[hbm4b:s11+s2] =	stream.indirect_vreg.scatter [tilespmem:s22], [sflag:$0x8], $0x80, v3, vm0, $0xb8;
	[tilespmem:$0x18200] =	vst v63  }
0x1c7: {  	v3 =	vld [tilespmem:$0x90];
	_ =	sdelay $0x4  }
0x1c8: {  	v59 =	vshrl.u32 v3, $0x3  }
0x1c9: {  	v4 =	vmul.u32 $0x30, v59  }
0x1ca: {  	v3 =	vand.u32 $0x7, v3  }
0x1cb: {  	v3 =	vor.u32 v3, v4  }
0x1cc: {  	v4 =	vperm.xlane v3, v0;
	_ =	sdelay $0x1  }
0x1cd: {  	v4 =	vadd.s32 v1, v4;
	_ =	sdelay $0x3  }
0x1ce: {  	s15 =	simm.s32 $0x15200;
	v3 =	vperm.xlane v3, v2  }
0x1cf: {  	[hbm4b:s5+s2] =	stream.indirect_vreg.scatter [tilespmem:s15], [sflag:$0x8], $0x80, v4, vm0, $0xb8;
	[tilespmem:$0x18200] =	vst v63  }
0x1d0: {  	s17 =	simm.s32 $0x15A00;
	v3 =	vadd.s32 v1, v3  }
0x1d1: {  	[hbm4b:s10+s2] =	stream.indirect_vreg.scatter [tilespmem:s17], [sflag:$0x8], $0x80, v4, vm0, $0xb8;
	[tilespmem:$0x18200] =	vst v63  }
0x1d2: {  	s18 =	simm.s32 $0x16200  }
0x1d3: {  	[hbm4b:s11+s2] =	stream.indirect_vreg.scatter [tilespmem:s18], [sflag:$0x8], $0x80, v4, vm0, $0xb8;
	[tilespmem:$0x18200] =	vst v63  }
0x1d4: {  	s19 =	simm.s32 $0x16A00  }
0x1d5: {  	[hbm4b:s5+s2] =	stream.indirect_vreg.scatter [tilespmem:s19], [sflag:$0x8], $0x80, v3, vm0, $0xb8;
	[tilespmem:$0x18200] =	vst v63  }
0x1d6: {  	s20 =	simm.s32 $0x17200  }
0x1d7: {  	[hbm4b:s10+s2] =	stream.indirect_vreg.scatter [tilespmem:s20], [sflag:$0x8], $0x80, v3, vm0, $0xb8;
	[tilespmem:$0x18200] =	vst v63  }
0x1d8: {  	s21 =	simm.s32 $0x17A00  }
0x1d9: {  	[hbm4b:s11+s2] =	stream.indirect_vreg.scatter [tilespmem:s21], [sflag:$0x8], $0x80, v3, vm0, $0xb8;
	[tilespmem:$0x18200] =	vst v63  }
0x1da: {  	_ =	swait.ge [sflag:s0], $0x6000  }
0x1db: {  	[sflag:s0] =	ssyncset.done $0x0  }
0x1dc: {  	s1 =	simm.s32 $0x8;
	[sflag:s0] =	ssyncadd.s32 $0xFFFFA000  }
0x1dd: {  	s0 =	rddreg [dreg:$0x11];
	_ =	swait.ge [sflag:s1], $0x6000  }
0x1de: {  	[sflag:s1] =	ssyncset.done $0x0  }
0x1df: {  	s13 =	rddreg [dreg:$0x10];
	[sflag:s1] =	ssyncadd.s32 $0xFFFFA000  }
0x1e0: {  	[tilespmem:s12], [sflag:$0x6] =	stream.linear.gather [hbm4b:s13+s2], $0x6000, $0x38;
	[tilespmem:$0x18200] =	vst v63  }
0x1e1: {  	v3 =	vld [tilespmem:$0x100];
	_ =	sdelay $0x4  }
0x1e2: {  	v60 =	vshrl.u32 v3, $0x3  }
0x1e3: {  	v4 =	vmul.u32 $0x30, v60  }
0x1e4: {  	v3 =	vand.u32 $0x7, v3  }
0x1e5: {  	v3 =	vor.u32 v3, v4  }
0x1e6: {  	v4 =	vperm.xlane v3, v0;
	_ =	sdelay $0x1  }
0x1e7: {  	v4 =	vadd.s32 v1, v4;
	_ =	sdelay $0x3  }
0x1e8: {  	s13 =	simm.s32 $0xC200;
	v3 =	vperm.xlane v3, v2  }
0x1e9: {  	[hbm4b:s5+s2] =	stream.indirect_vreg.scatter [tilespmem:s13], [sflag:$0x7], $0x80, v4, vm0, $0xb8;
	[tilespmem:$0x18200] =	vst v63  }
0x1ea: {  	v3 =	vadd.s32 v1, v3;
	s13 =	simm.s32 $0xCA00  }
0x1eb: {  	[hbm4b:s10+s2] =	stream.indirect_vreg.scatter [tilespmem:s13], [sflag:$0x7], $0x80, v4, vm0, $0xb8;
	[tilespmem:$0x18200] =	vst v63  }
0x1ec: {  	s13 =	simm.s32 $0xD200  }
0x1ed: {  	[hbm4b:s11+s2] =	stream.indirect_vreg.scatter [tilespmem:s13], [sflag:$0x7], $0x80, v4, vm0, $0xb8;
	[tilespmem:$0x18200] =	vst v63  }
0x1ee: {  	s13 =	simm.s32 $0xDA00  }
0x1ef: {  	[hbm4b:s5+s2] =	stream.indirect_vreg.scatter [tilespmem:s13], [sflag:$0x7], $0x80, v3, vm0, $0xb8;
	[tilespmem:$0x18200] =	vst v63  }
0x1f0: {  	s13 =	simm.s32 $0xE200  }
0x1f1: {  	[hbm4b:s10+s2] =	stream.indirect_vreg.scatter [tilespmem:s13], [sflag:$0x7], $0x80, v3, vm0, $0xb8;
	[tilespmem:$0x18200] =	vst v63  }
0x1f2: {  	s13 =	simm.s32 $0xEA00  }
0x1f3: {  	[hbm4b:s11+s2] =	stream.indirect_vreg.scatter [tilespmem:s13], [sflag:$0x7], $0x80, v3, vm0, $0xb8;
	[tilespmem:$0x18200] =	vst v63  }
0x1f4: {  	v3 =	vld [tilespmem:$0x110];
	_ =	sdelay $0x4  }
0x1f5: {  	v61 =	vshrl.u32 v3, $0x3  }
0x1f6: {  	v4 =	vmul.u32 $0x30, v61  }
0x1f7: {  	v3 =	vand.u32 $0x7, v3  }
0x1f8: {  	v3 =	vor.u32 v3, v4  }
0x1f9: {  	v4 =	vperm.xlane v3, v0;
	_ =	sdelay $0x1  }
0x1fa: {  	v4 =	vadd.s32 v1, v4;
	_ =	sdelay $0x3  }
0x1fb: {  	s13 =	simm.s32 $0xF200;
	v3 =	vperm.xlane v3, v2  }
0x1fc: {  	[hbm4b:s5+s2] =	stream.indirect_vreg.scatter [tilespmem:s13], [sflag:$0x7], $0x80, v4, vm0, $0xb8;
	[tilespmem:$0x18200] =	vst v63  }
0x1fd: {  	v3 =	vadd.s32 v1, v3;
	s13 =	simm.s32 $0xFA00  }
0x1fe: {  	[hbm4b:s10+s2] =	stream.indirect_vreg.scatter [tilespmem:s13], [sflag:$0x7], $0x80, v4, vm0, $0xb8;
	[tilespmem:$0x18200] =	vst v63  }
0x1ff: {  	s13 =	simm.s32 $0x10200  }
0x200: {  	[hbm4b:s11+s2] =	stream.indirect_vreg.scatter [tilespmem:s13], [sflag:$0x7], $0x80, v4, vm0, $0xb8;
	[tilespmem:$0x18200] =	vst v63  }
0x201: {  	_ = 	snop  }
0x202: {  	[hbm4b:s5+s2] =	stream.indirect_vreg.scatter [tilespmem:s23], [sflag:$0x7], $0x80, v3, vm0, $0xb8;
	[tilespmem:$0x18200] =	vst v63  }
0x203: {  	_ = 	snop  }
0x204: {  	[hbm4b:s10+s2] =	stream.indirect_vreg.scatter [tilespmem:s24], [sflag:$0x7], $0x80, v3, vm0, $0xb8;
	[tilespmem:$0x18200] =	vst v63  }
0x205: {  	_ = 	snop  }
0x206: {  	[hbm4b:s11+s2] =	stream.indirect_vreg.scatter [tilespmem:s26], [sflag:$0x7], $0x80, v3, vm0, $0xb8;
	[tilespmem:$0x18200] =	vst v63  }
0x207: {  	_ =	swait.ge [sflag:s28], $0x6000  }
0x208: {  	[sflag:s28] =	ssyncset.done $0x0  }
0x209: {  	[sflag:s28] =	ssyncadd.s32 $0xFFFFA000  }
0x20a: {  	_ =	swait.ge [sflag:s29], $0x6000  }
0x20b: {  	[sflag:s29] =	ssyncset.done $0x0  }
0x20c: {  	[sflag:s29] =	ssyncadd.s32 $0xFFFFA000  }
0x20d: {  	v3 =	vld [tilespmem:$0x180];
	_ =	sdelay $0x4  }
0x20e: {  	v62 =	vshrl.u32 v3, $0x3  }
0x20f: {  	v4 =	vmul.u32 $0x30, v62  }
0x210: {  	v3 =	vand.u32 $0x7, v3  }
0x211: {  	v3 =	vor.u32 v3, v4  }
0x212: {  	v4 =	vperm.xlane v3, v0;
	_ =	sdelay $0x1  }
0x213: {  	v4 =	vadd.s32 v1, v4;
	_ =	sdelay $0x3  }
0x214: {  	v3 =	vperm.xlane v3, v2  }
0x215: {  	[hbm4b:s5+s2] =	stream.indirect_vreg.scatter [tilespmem:s12], [sflag:$0x8], $0x80, v4, vm0, $0xb8;
	[tilespmem:$0x18200] =	vst v63  }
0x216: {  	v3 =	vadd.s32 v1, v3  }
0x217: {  	[hbm4b:s10+s2] =	stream.indirect_vreg.scatter [tilespmem:s16], [sflag:$0x8], $0x80, v4, vm0, $0xb8;
	[tilespmem:$0x18200] =	vst v63  }
0x218: {  	_ = 	snop  }
0x219: {  	[hbm4b:s11+s2] =	stream.indirect_vreg.scatter [tilespmem:s30], [sflag:$0x8], $0x80, v4, vm0, $0xb8;
	[tilespmem:$0x18200] =	vst v63  }
0x21a: {  	_ = 	snop  }
0x21b: {  	[hbm4b:s5+s2] =	stream.indirect_vreg.scatter [tilespmem:s31], [sflag:$0x8], $0x80, v3, vm0, $0xb8;
	[tilespmem:$0x18200] =	vst v63  }
0x21c: {  	_ = 	snop  }
0x21d: {  	[hbm4b:s10+s2] =	stream.indirect_vreg.scatter [tilespmem:s25], [sflag:$0x8], $0x80, v3, vm0, $0xb8;
	[tilespmem:$0x18200] =	vst v63  }
0x21e: {  	_ = 	snop  }
0x21f: {  	[hbm4b:s11+s2] =	stream.indirect_vreg.scatter [tilespmem:s22], [sflag:$0x8], $0x80, v3, vm0, $0xb8;
	[tilespmem:$0x18200] =	vst v63  }
0x220: {  	v3 =	vld [tilespmem:$0x190];
	_ =	sdelay $0x4  }
0x221: {  	v63 =	vshrl.u32 v3, $0x3  }
0x222: {  	v4 =	vmul.u32 $0x30, v63  }
0x223: {  	v3 =	vand.u32 $0x7, v3  }
0x224: {  	v3 =	vor.u32 v3, v4  }
0x225: {  	v4 =	vperm.xlane v3, v0;
	_ =	sdelay $0x1  }
0x226: {  	v4 =	vadd.s32 v1, v4;
	_ =	sdelay $0x3  }
0x227: {  	v3 =	vperm.xlane v3, v2  }
0x228: {  	[hbm4b:s5+s2] =	stream.indirect_vreg.scatter [tilespmem:s15], [sflag:$0x8], $0x80, v4, vm0, $0xb8;
	[tilespmem:$0x18200] =	vst v63  }
0x229: {  	v3 =	vadd.s32 v1, v3  }
0x22a: {  	[hbm4b:s10+s2] =	stream.indirect_vreg.scatter [tilespmem:s17], [sflag:$0x8], $0x80, v4, vm0, $0xb8;
	[tilespmem:$0x18200] =	vst v63  }
0x22b: {  	_ = 	snop  }
0x22c: {  	[hbm4b:s11+s2] =	stream.indirect_vreg.scatter [tilespmem:s18], [sflag:$0x8], $0x80, v4, vm0, $0xb8;
	[tilespmem:$0x18200] =	vst v63  }
0x22d: {  	_ = 	snop  }
0x22e: {  	[hbm4b:s5+s2] =	stream.indirect_vreg.scatter [tilespmem:s19], [sflag:$0x8], $0x80, v3, vm0, $0xb8;
	[tilespmem:$0x18200] =	vst v63  }
0x22f: {  	_ = 	snop  }
0x230: {  	[hbm4b:s10+s2] =	stream.indirect_vreg.scatter [tilespmem:s20], [sflag:$0x8], $0x80, v3, vm0, $0xb8;
	[tilespmem:$0x18200] =	vst v63  }
0x231: {  	_ = 	snop  }
0x232: {  	[hbm4b:s11+s2] =	stream.indirect_vreg.scatter [tilespmem:s21], [sflag:$0x8], $0x80, v3, vm0, $0xb8;
	[tilespmem:$0x18200] =	vst v63  }
0x233: {  	p0 =	sne.s32 s0, $0x1;
	_ =	swait.ge [sflag:s14], $0x6000  }
.Ltmp0:
0x234: {  	[sflag:s14] =	ssyncset.done $0x0;
	(pc) =	sbr.rel @p0 .LBB2_1-.Ltmp0, $4  }
0x235: {  	[sflag:s14] =	ssyncadd.s32 $0xFFFFA000  }
0x236: {  	_ =	swait.ge [sflag:s1], $0x6000  }
0x237: {  	[sflag:s1] =	ssyncset.done $0x0  }
0x238: {  	s0 =	sadd.s32 $0xFFFFFFFF, s0;
	[sflag:s1] =	ssyncadd.s32 $0xFFFFA000  }
0x239: {  	_ =	sfence.sel $0x180000  }
0x23a: {  	[bflag:$0x0] =	sbarrier.arrive $0xFFFF  }
0x23b: {  	_ =	strace $0x90000047  }
0x23c: {  	s0 =	stileid.u32;
	[bflag:$0x2] =	sbarrier.arrive $0xFFFF  }
0x23d: {  	p0 =	sne.s32 s0, $0x0;
	s0 =	rddreg [dreg:$0x3]  }
0x23e: {  	s0 =	sadd.s32 @!p0 $0x100000, s0  }
0x23f: {  	[sflag:s0] =	ssyncadd.tile.s32 @!p0 $0x1;
	_ =	shalt  }
.Lfunc_end2:
_tile_overlayer_lowered:
.L_overlay_start_2:
0x240: {  	(tag) =	ssettag $0x2  }
0x241: {  	s0 =	rddreg [dreg:$0x0];
	s2 =	stileid.u32  }
0x242: {  	s1 =	rddreg [dreg:$0x1];
	p0 =	sne.s32 s2, $0x0  }
0x243: {  	s3 =	rddreg [dreg:$0x2];
	[bflag:$0x3] =	sbarrier.arrive $0xFFFF;
	s2 =	simm.s32 @!p0 $0x1C09  }
0x244: {  	[timem:s3], [sflag:s2] =	dma.local @!p0 [hbm:s0], s1  }
0x245: {  	s0 =	simm.s32 @!p0 $0x9  }
0x246: {  	_ =	swait.ge @!p0 [sflag:s0], s1  }
0x247: {  	s1 =	ssub.s32 @!p0 $0x0, s1;
	[sflag:s0] =	ssyncset.done @!p0 $0x0  }
0x248: {  	[sflag:s0] =	ssyncadd.s32 @!p0 s1  }
0x249: {  	[bflag:$0x3] =	sbarrier.arrive $0xFFFF  }
0x24a: {  	_ =	shalt  }

</sc_bundles>
